<compile_context>
chip_gen: v7x
topology: tpu7x:2x2x1
jax: 0.10.2.dev20260603
libtpu: 0.0.44.dev20260713+nightly
codegen_flags: <defaults>
</compile_context>

<pallas_src>
import functools

import jax
import jax.numpy as jnp
from jax import lax
from jax.experimental import pallas as pl
from jax.experimental.pallas import tpu as pltpu
from jax.experimental.pallas import tpu_sc as plsc

N = 10000
D = 128
E = 320000

NPAD = 10240
EPAD = 327680
CHUNKS = 80
EPT = CHUNKS * 128
NROWS_PER_TILE = NPAD // 16
NBUF = 8

_mesh = plsc.VectorSubcoreMesh(core_axis_name="c", subcore_axis_name="s")


DEGW = 16


@functools.partial(
    pl.kernel,
    mesh=_mesh,
    out_type=jax.ShapeDtypeStruct((2, NPAD, DEGW), jnp.float32),
    compiler_params=pltpu.CompilerParams(use_tc_tiling_on_sc=False),
    scratch_types=[
        pltpu.VMEM((CHUNKS, 128), jnp.int32),
        pltpu.VMEM((128, DEGW), jnp.float32),
        pltpu.VMEM_SHARED((NPAD, DEGW), jnp.float32),
    ],
)
def _deg_kernel(dst_hbm, out_hbm, dst_v, ones_v, acc_sh):
    cid = lax.axis_index("c")
    sid = lax.axis_index("s")
    wid = sid * 2 + cid

    pltpu.sync_copy(dst_hbm.at[pl.ds(wid * CHUNKS, CHUNKS)], dst_v)

    ones = jnp.ones((16,), jnp.float32)
    zeros = jnp.zeros((16,), jnp.float32)

    def _zero(i, _):
        ones_v[i, pl.ds(0, 16)] = zeros
        return 0

    lax.fori_loop(0, 128, _zero, 0)
    for r in range(NROWS_PER_TILE // 128):
        pltpu.sync_copy(
            ones_v, acc_sh.at[pl.ds(sid * NROWS_PER_TILE + r * 128, 128)]
        )

    def _fill(i, _):
        ones_v[i, pl.ds(0, 16)] = ones
        return 0

    lax.fori_loop(0, 128, _fill, 0)
    plsc.subcore_barrier()

    def _chunk(j, _):
        pltpu.sync_copy(ones_v, acc_sh.at[dst_v.at[j]], add=True)
        return 0

    lax.fori_loop(0, CHUNKS, _chunk, 0)

    plsc.subcore_barrier()
    pltpu.sync_copy(
        acc_sh.at[pl.ds(sid * NROWS_PER_TILE, NROWS_PER_TILE)],
        out_hbm.at[cid, pl.ds(sid * NROWS_PER_TILE, NROWS_PER_TILE)],
    )


def _make_agg_kernel(width):
    @functools.partial(
        pl.kernel,
        mesh=_mesh,
        out_type=jax.ShapeDtypeStruct((2, NPAD, width), jnp.float32),
        compiler_params=pltpu.CompilerParams(use_tc_tiling_on_sc=False),
        scratch_types=[
            pltpu.VMEM((CHUNKS, 128), jnp.int32),
            pltpu.VMEM((CHUNKS, 128), jnp.int32),
        ]
        + [pltpu.VMEM((128, width), jnp.float32) for _ in range(NBUF)]
        + [pltpu.VMEM_SHARED((NPAD, width), jnp.float32)]
        + [pltpu.SemaphoreType.DMA for _ in range(NBUF)],
    )
    def _agg(g_hbm, src_hbm, dst_hbm, out_hbm, src_v, dst_v, *rest):
        bufs = rest[:NBUF]
        acc_sh = rest[NBUF]
        sems = rest[NBUF + 1:]
        cid = lax.axis_index("c")
        sid = lax.axis_index("s")
        wid = sid * 2 + cid

        pltpu.sync_copy(src_hbm.at[pl.ds(wid * CHUNKS, CHUNKS)], src_v)
        pltpu.sync_copy(dst_hbm.at[pl.ds(wid * CHUNKS, CHUNKS)], dst_v)

        zeros = jnp.zeros((16,), jnp.float32)

        def _zrow(i, _):
            for k in range(width // 16):
                bufs[0][i, pl.ds(k * 16, 16)] = zeros
            return 0

        lax.fori_loop(0, 128, _zrow, 0)
        for r in range(NROWS_PER_TILE // 128):
            pltpu.sync_copy(
                bufs[0], acc_sh.at[pl.ds(sid * NROWS_PER_TILE + r * 128, 128)]
            )
        plsc.subcore_barrier()

        for b in range(NBUF - 1):
            pltpu.async_copy(g_hbm.at[src_v.at[b]], bufs[b], sems[b])

        def _round(i, _):
            j = i * NBUF
            for b in range(NBUF):
                pltpu.make_async_copy(
                    g_hbm.at[src_v.at[j + b]], bufs[b], sems[b]
                ).wait()

                @pl.when(j + b + NBUF - 1 < CHUNKS)
                def _prefetch():
                    pltpu.async_copy(
                        g_hbm.at[src_v.at[j + b + NBUF - 1]],
                        bufs[(b + NBUF - 1) % NBUF],
                        sems[(b + NBUF - 1) % NBUF],
                    )

                pltpu.sync_copy(bufs[b], acc_sh.at[dst_v.at[j + b]], add=True)
            return 0

        lax.fori_loop(0, CHUNKS // NBUF, _round, 0)

        plsc.subcore_barrier()
        pltpu.sync_copy(
            acc_sh.at[pl.ds(sid * NROWS_PER_TILE, NROWS_PER_TILE)],
            out_hbm.at[cid, pl.ds(sid * NROWS_PER_TILE, NROWS_PER_TILE)],
        )

    return _agg


_agg32 = _make_agg_kernel(32)
_agg16 = _make_agg_kernel(16)


BLK = 1024
GRID = NPAD // BLK


def _tc1_body(x_ref, w_ref, degp_ref, g_ref):
    deg = jnp.sum(degp_ref[...], axis=0) + 1.0
    dinv = lax.rsqrt(deg)
    h = jnp.dot(x_ref[...], w_ref[...], preferred_element_type=jnp.float32)
    g_ref[...] = h * dinv[:, None]


def _tc_mid_body(aggp_ref, g_ref, degp_ref, b_ref, w_ref, out_ref):
    deg = jnp.sum(degp_ref[...], axis=0) + 1.0
    dinv = lax.rsqrt(deg)
    s = (aggp_ref[0] + aggp_ref[1] + g_ref[...]) * dinv[:, None] + b_ref[...]
    s = jnp.maximum(s, 0.0)
    h = jnp.dot(s, w_ref[...], preferred_element_type=jnp.float32)
    out_ref[...] = h * dinv[:, None]


def _tc3_body(aggp_ref, g_ref, degp_ref, b_ref, wl_ref, bl_ref, out_ref):
    deg = jnp.sum(degp_ref[...], axis=0) + 1.0
    dinv = lax.rsqrt(deg)
    s = (aggp_ref[0] + aggp_ref[1] + g_ref[...]) * dinv[:, None] + b_ref[...]
    s = jnp.maximum(s, 0.0)
    o = jnp.dot(s, wl_ref[...], preferred_element_type=jnp.float32) + bl_ref[...]
    m = jnp.max(o, axis=1, keepdims=True)
    lse = jnp.log(jnp.sum(jnp.exp(o - m), axis=1, keepdims=True)) + m
    out_ref[...] = o - lse


def _row_spec(w):
    return pl.BlockSpec((BLK, w), lambda i: (i, 0))


def _full_spec(shape):
    return pl.BlockSpec(shape, lambda i: tuple(0 for _ in shape))


def _tc1(x_pad, W1, degp):
    return pl.pallas_call(
        _tc1_body,
        grid=(GRID,),
        in_specs=[
            _row_spec(D),
            _full_spec((D, 32)),
            pl.BlockSpec((2, BLK), lambda i: (0, i)),
        ],
        out_specs=_row_spec(32),
        out_shape=jax.ShapeDtypeStruct((NPAD, 32), jnp.float32),
    )(x_pad, W1, degp)


def _tc_mid(aggp, g, degp, b, W, win, wout):
    return pl.pallas_call(
        _tc_mid_body,
        grid=(GRID,),
        in_specs=[
            pl.BlockSpec((2, BLK, win), lambda i: (0, i, 0)),
            _row_spec(win),
            pl.BlockSpec((2, BLK), lambda i: (0, i)),
            _full_spec((1, win)),
            _full_spec((win, wout)),
        ],
        out_specs=_row_spec(wout),
        out_shape=jax.ShapeDtypeStruct((NPAD, wout), jnp.float32),
    )(aggp, g, degp, b, W)


def _tc3(aggp, g, degp, b, Wl, bl):
    return pl.pallas_call(
        _tc3_body,
        grid=(GRID,),
        in_specs=[
            pl.BlockSpec((2, BLK, 16), lambda i: (0, i, 0)),
            _row_spec(16),
            pl.BlockSpec((2, BLK), lambda i: (0, i)),
            _full_spec((1, 16)),
            _full_spec((16, D)),
            _full_spec((1, D)),
        ],
        out_specs=_row_spec(D),
        out_shape=jax.ShapeDtypeStruct((NPAD, D), jnp.float32),
    )(aggp, g, degp, b, Wl, bl)


def kernel(x, edge_index, W1, b1, W2, b2, Wl, bl):
    ei = edge_index.astype(jnp.int32)
    pad = jnp.full((EPAD - E,), N, jnp.int32)
    src2d = jnp.concatenate([ei[0], pad]).reshape(EPAD // 128, 128)
    dst2d = jnp.concatenate([ei[1], pad]).reshape(EPAD // 128, 128)
    x_pad = jnp.pad(x, ((0, NPAD - N), (0, 0)))

    degp = _deg_kernel(dst2d)[:, :, 0]

    g1 = _tc1(x_pad, W1, degp)
    agg1 = _agg32(g1, src2d, dst2d)
    g2 = _tc_mid(agg1, g1, degp, b1.reshape(1, 32), W2, 32, 16)
    agg2 = _agg16(g2, src2d, dst2d)
    out = _tc3(agg2, g2, degp, b2.reshape(1, 16), Wl, bl.reshape(1, D))
    return out[:N]

# --- scband reference (transcript-rebuilt; emitter-appended) ---
"""Pipeline reference for scband-net-3564822856025 (READ-ONLY COPY).

The authoritative reference and input builder live on the scoring server;
editing this copy changes nothing except your own understanding.
"""

import jax, jax.numpy as jnp
import numpy as np

N_NODES = 10000
N_EDGES = 320000
D_FEAT = 128


def gcn_conv(x, edge_index, W, b):
    num_nodes = x.shape[0]
    src = edge_index[0]
    dst = edge_index[1]
    # add self loops (GCNConv default)
    loop = jnp.arange(num_nodes, dtype=src.dtype)
    src = jnp.concatenate([src, loop])
    dst = jnp.concatenate([dst, loop])
    # symmetric normalization: deg computed over destination nodes
    deg = jnp.zeros((num_nodes,), dtype=x.dtype).at[dst].add(1.0)
    deg_inv_sqrt = jnp.where(deg > 0, jax.lax.rsqrt(jnp.maximum(deg, 1e-12)), 0.0)
    norm = deg_inv_sqrt[src] * deg_inv_sqrt[dst]
    h = x @ W
    msg = h[src] * norm[:, None]
    out = jnp.zeros((num_nodes, W.shape[1]), dtype=x.dtype).at[dst].add(msg)
    return out + b


def setup_inputs(seed: int = 0) -> dict:
    key = jax.random.key(seed)
    ks = jax.random.split(key, 8)
    x = jax.random.normal(ks[0], (N_NODES, D_FEAT), dtype=jnp.float32)
    edge_index = jax.random.randint(ks[1], (2, N_EDGES), 0, N_NODES, dtype=jnp.int64)
    W1 = jax.random.normal(ks[2], (D_FEAT, 32), dtype=jnp.float32) * (1.0 / np.sqrt(D_FEAT))
    b1 = jnp.zeros((32,), dtype=jnp.float32)
    W2 = jax.random.normal(ks[3], (32, 16), dtype=jnp.float32) * (1.0 / np.sqrt(32))
    b2 = jnp.zeros((16,), dtype=jnp.float32)
    Wl = jax.random.normal(ks[4], (16, D_FEAT), dtype=jnp.float32) * (1.0 / np.sqrt(16))
    bl = jnp.zeros((D_FEAT,), dtype=jnp.float32)
    return {"x": x, "edge_index": edge_index, "W1": W1, "b1": b1, "W2": W2, "b2": b2, "Wl": Wl, "bl": bl}


def reference(x, edge_index, W1, b1, W2, b2, Wl, bl):
    # conv1 -> relu -> (dropout is identity in eval) -> conv2 -> relu -> linear -> log_softmax
    h = jax.nn.relu(gcn_conv(x, edge_index, W1, b1))
    h = jax.nn.relu(gcn_conv(h, edge_index, W2, b2))
    out = h @ Wl + bl
    return jax.nn.log_softmax(out, axis=1)

if __name__ == "__main__":
    import jax
    _d = setup_inputs()
    print(jax.jit(kernel)(*tuple(_d.values())))

</pallas_src>

<mosaic_0001>
#map = affine_map<(d0, d1) -> (0, 0)>
#map1 = affine_map<(d0, d1) -> (0, 0, 0)>
module attributes {stable_mosaic.version = 14 : i64} {
  func.func @_agg(%arg0: i32, %arg1: i32, %arg2: memref<10240x32xf32, #tpu.memory_space<hbm>>, %arg3: memref<2560x128xi32, #tpu.memory_space<hbm>>, %arg4: memref<2560x128xi32, #tpu.memory_space<hbm>>, %arg5: memref<2x10240x32xf32, #tpu.memory_space<hbm>>, %arg6: memref<80x128xi32, #tpu.memory_space<vmem>>, %arg7: memref<80x128xi32, #tpu.memory_space<vmem>>, %arg8: memref<128x32xf32, #tpu.memory_space<vmem>>, %arg9: memref<128x32xf32, #tpu.memory_space<vmem>>, %arg10: memref<128x32xf32, #tpu.memory_space<vmem>>, %arg11: memref<128x32xf32, #tpu.memory_space<vmem>>, %arg12: memref<128x32xf32, #tpu.memory_space<vmem>>, %arg13: memref<128x32xf32, #tpu.memory_space<vmem>>, %arg14: memref<128x32xf32, #tpu.memory_space<vmem>>, %arg15: memref<128x32xf32, #tpu.memory_space<vmem>>, %arg16: memref<10240x32xf32, #tpu.memory_space<vmem_shared>>, %arg17: memref<!tpu.dma_semaphore, #tpu.memory_space<semaphore_mem>>, %arg18: memref<!tpu.dma_semaphore, #tpu.memory_space<semaphore_mem>>, %arg19: memref<!tpu.dma_semaphore, #tpu.memory_space<semaphore_mem>>, %arg20: memref<!tpu.dma_semaphore, #tpu.memory_space<semaphore_mem>>, %arg21: memref<!tpu.dma_semaphore, #tpu.memory_space<semaphore_mem>>, %arg22: memref<!tpu.dma_semaphore, #tpu.memory_space<semaphore_mem>>, %arg23: memref<!tpu.dma_semaphore, #tpu.memory_space<semaphore_mem>>, %arg24: memref<!tpu.dma_semaphore, #tpu.memory_space<semaphore_mem>>) attributes {dimension_semantics = [#tpu.dimension_semantics<core_parallel>, #tpu.dimension_semantics<subcore_parallel>], iteration_bounds = array<i64: 2, 16>, scalar_prefetch = 0 : i64, scratch_operands = 19 : i64, tpu.core_type = #tpu.core_type<sc_vector_subcore>, window_params = [{transform_indices = #map}, {transform_indices = #map}, {transform_indices = #map}, {transform_indices = #map1}]} {
    %mul3A = arith.constant 2 : i32
    %mul3A_0 = arith.muli %arg1, %mul3A : i32
    %add3A = arith.addi %mul3A_0, %arg0 : i32
    %mul3A_1 = arith.constant 80 : i32
    %mul3A_2 = arith.muli %add3A, %mul3A_1 : i32
    "tpu.region"() ({
      %run_scoped3A = tpu.sem_alloc : memref<!tpu.dma_semaphore, #tpu.memory_space<semaphore_mem>>
      %dma_start3A_92 = arith.constant 0 : i32
      %dma_start3A_93 = tpu.memref_slice %arg3[%mul3A_2, %dma_start3A_92] : memref<2560x128xi32, #tpu.memory_space<hbm>> -> memref<80x128xi32, #tpu.memory_space<hbm>>
      %dma_start3A_94 = arith.constant 0 : i32
      %dma_start3A_95 = tpu.memref_slice %arg3[%mul3A_2, %dma_start3A_94] : memref<2560x128xi32, #tpu.memory_space<hbm>> -> memref<80x128xi32, #tpu.memory_space<hbm>>
      tpu.enqueue_dma source(%dma_start3A_95 : memref<80x128xi32, #tpu.memory_space<hbm>>) target(%arg6 : memref<80x128xi32, #tpu.memory_space<vmem>>) target_semaphore(%run_scoped3A : memref<!tpu.dma_semaphore, #tpu.memory_space<semaphore_mem>>)
      %dma_wait3A = arith.constant 0 : i32
      %dma_wait3A_96 = tpu.memref_slice %arg3[%mul3A_2, %dma_wait3A] : memref<2560x128xi32, #tpu.memory_space<hbm>> -> memref<80x128xi32, #tpu.memory_space<hbm>>
      %dma_wait3A_97 = arith.constant 0 : i32
      %dma_wait3A_98 = tpu.memref_slice %arg3[%mul3A_2, %dma_wait3A_97] : memref<2560x128xi32, #tpu.memory_space<hbm>> -> memref<80x128xi32, #tpu.memory_space<hbm>>
      tpu.wait_dma2 semaphore(%run_scoped3A : memref<!tpu.dma_semaphore, #tpu.memory_space<semaphore_mem>>) src(%dma_wait3A_98 : memref<80x128xi32, #tpu.memory_space<hbm>>) dst(%arg6 : memref<80x128xi32, #tpu.memory_space<vmem>>)
      tpu.yield
    }) : () -> ()
    %mul3A_3 = arith.constant 80 : i32
    %mul3A_4 = arith.muli %add3A, %mul3A_3 : i32
    "tpu.region"() ({
      %run_scoped3A = tpu.sem_alloc : memref<!tpu.dma_semaphore, #tpu.memory_space<semaphore_mem>>
      %dma_start3A_92 = arith.constant 0 : i32
      %dma_start3A_93 = tpu.memref_slice %arg4[%mul3A_4, %dma_start3A_92] : memref<2560x128xi32, #tpu.memory_space<hbm>> -> memref<80x128xi32, #tpu.memory_space<hbm>>
      %dma_start3A_94 = arith.constant 0 : i32
      %dma_start3A_95 = tpu.memref_slice %arg4[%mul3A_4, %dma_start3A_94] : memref<2560x128xi32, #tpu.memory_space<hbm>> -> memref<80x128xi32, #tpu.memory_space<hbm>>
      tpu.enqueue_dma source(%dma_start3A_95 : memref<80x128xi32, #tpu.memory_space<hbm>>) target(%arg7 : memref<80x128xi32, #tpu.memory_space<vmem>>) target_semaphore(%run_scoped3A : memref<!tpu.dma_semaphore, #tpu.memory_space<semaphore_mem>>)
      %dma_wait3A = arith.constant 0 : i32
      %dma_wait3A_96 = tpu.memref_slice %arg4[%mul3A_4, %dma_wait3A] : memref<2560x128xi32, #tpu.memory_space<hbm>> -> memref<80x128xi32, #tpu.memory_space<hbm>>
      %dma_wait3A_97 = arith.constant 0 : i32
      %dma_wait3A_98 = tpu.memref_slice %arg4[%mul3A_4, %dma_wait3A_97] : memref<2560x128xi32, #tpu.memory_space<hbm>> -> memref<80x128xi32, #tpu.memory_space<hbm>>
      tpu.wait_dma2 semaphore(%run_scoped3A : memref<!tpu.dma_semaphore, #tpu.memory_space<semaphore_mem>>) src(%dma_wait3A_98 : memref<80x128xi32, #tpu.memory_space<hbm>>) dst(%arg7 : memref<80x128xi32, #tpu.memory_space<vmem>>)
      tpu.yield
    }) : () -> ()
    %broadcast_in_dim3A = arith.constant 0.000000e+00 : f32
    %broadcast_in_dim3A_5 = vector.broadcast %broadcast_in_dim3A : f32 to vector<16xf32>
    %scan3A = arith.constant 0 : i32
    %scan3A_6 = arith.constant 0 : i32
    %scan3A_7 = arith.constant 128 : i32
    %scan3A_8 = arith.addi %scan3A_6, %scan3A_7 : i32
    %scan3A_9 = arith.constant 1 : i32
    %scan3A_10 = scf.for %scan3A_92 = %scan3A_6 to %scan3A_8 step %scan3A_9 iter_args(%scan3A_93 = %scan3A) -> (i32)  : i32 {
      %swap3A = arith.index_cast %scan3A_92 : i32 to index
      %swap3A_94 = arith.constant 0 : index
      %swap3A_95 = tpu.vector_load %arg8[%swap3A, %swap3A_94] {strides = array<i32>} : memref<128x32xf32, #tpu.memory_space<vmem>>, vector<1x16xf32>,
      %swap3A_96 = vector.shape_cast %swap3A_95 : vector<1x16xf32> to vector<16xf32>
      %swap3A_97 = vector.shape_cast %broadcast_in_dim3A_5 : vector<16xf32> to vector<1x16xf32>
      tpu.vector_store %arg8[%swap3A, %swap3A_94], %swap3A_97 {strides = array<i32>} : memref<128x32xf32, #tpu.memory_space<vmem>>, vector<1x16xf32>,
      %swap3A_98 = arith.index_cast %scan3A_92 : i32 to index
      %swap3A_99 = arith.constant 16 : index
      %swap3A_100 = tpu.vector_load %arg8[%swap3A_98, %swap3A_99] {strides = array<i32>} : memref<128x32xf32, #tpu.memory_space<vmem>>, vector<1x16xf32>,
      %swap3A_101 = vector.shape_cast %swap3A_100 : vector<1x16xf32> to vector<16xf32>
      %swap3A_102 = vector.shape_cast %broadcast_in_dim3A_5 : vector<16xf32> to vector<1x16xf32>
      tpu.vector_store %arg8[%swap3A_98, %swap3A_99], %swap3A_102 {strides = array<i32>} : memref<128x32xf32, #tpu.memory_space<vmem>>, vector<1x16xf32>,
      %scan3A_103 = arith.constant 0 : i32
      scf.yield %scan3A_103 : i32
    }
    %scan3A_11 = arith.constant 128 : i32
    %mul3A_12 = arith.constant 640 : i32
    %mul3A_13 = arith.muli %arg1, %mul3A_12 : i32
    %add3A_14 = arith.constant 0 : i32
    %add3A_15 = arith.addi %mul3A_13, %add3A_14 : i32
    "tpu.region"() ({
      %run_scoped3A = tpu.sem_alloc : memref<!tpu.dma_semaphore, #tpu.memory_space<semaphore_mem>>
      %dma_start3A_92 = arith.constant 0 : i32
      %dma_start3A_93 = tpu.memref_slice %arg16[%add3A_15, %dma_start3A_92] : memref<10240x32xf32, #tpu.memory_space<vmem_shared>> -> memref<128x32xf32, #tpu.memory_space<vmem_shared>>
      %dma_start3A_94 = arith.constant 0 : i32
      %dma_start3A_95 = tpu.memref_slice %arg16[%add3A_15, %dma_start3A_94] : memref<10240x32xf32, #tpu.memory_space<vmem_shared>> -> memref<128x32xf32, #tpu.memory_space<vmem_shared>>
      tpu.enqueue_dma source(%arg8 : memref<128x32xf32, #tpu.memory_space<vmem>>) target(%dma_start3A_95 : memref<128x32xf32, #tpu.memory_space<vmem_shared>>) target_semaphore(%run_scoped3A : memref<!tpu.dma_semaphore, #tpu.memory_space<semaphore_mem>>)
      %dma_wait3A = arith.constant 0 : i32
      %dma_wait3A_96 = tpu.memref_slice %arg16[%add3A_15, %dma_wait3A] : memref<10240x32xf32, #tpu.memory_space<vmem_shared>> -> memref<128x32xf32, #tpu.memory_space<vmem_shared>>
      %dma_wait3A_97 = arith.constant 0 : i32
      %dma_wait3A_98 = tpu.memref_slice %arg16[%add3A_15, %dma_wait3A_97] : memref<10240x32xf32, #tpu.memory_space<vmem_shared>> -> memref<128x32xf32, #tpu.memory_space<vmem_shared>>
      tpu.wait_dma2 semaphore(%run_scoped3A : memref<!tpu.dma_semaphore, #tpu.memory_space<semaphore_mem>>) src(%arg8 : memref<128x32xf32, #tpu.memory_space<vmem>>) dst(%dma_wait3A_98 : memref<128x32xf32, #tpu.memory_space<vmem_shared>>)
      tpu.yield
    }) : () -> ()
    %mul3A_16 = arith.constant 640 : i32
    %mul3A_17 = arith.muli %arg1, %mul3A_16 : i32
    %add3A_18 = arith.constant 128 : i32
    %add3A_19 = arith.addi %mul3A_17, %add3A_18 : i32
    "tpu.region"() ({
      %run_scoped3A = tpu.sem_alloc : memref<!tpu.dma_semaphore, #tpu.memory_space<semaphore_mem>>
      %dma_start3A_92 = arith.constant 0 : i32
      %dma_start3A_93 = tpu.memref_slice %arg16[%add3A_19, %dma_start3A_92] : memref<10240x32xf32, #tpu.memory_space<vmem_shared>> -> memref<128x32xf32, #tpu.memory_space<vmem_shared>>
      %dma_start3A_94 = arith.constant 0 : i32
      %dma_start3A_95 = tpu.memref_slice %arg16[%add3A_19, %dma_start3A_94] : memref<10240x32xf32, #tpu.memory_space<vmem_shared>> -> memref<128x32xf32, #tpu.memory_space<vmem_shared>>
      tpu.enqueue_dma source(%arg8 : memref<128x32xf32, #tpu.memory_space<vmem>>) target(%dma_start3A_95 : memref<128x32xf32, #tpu.memory_space<vmem_shared>>) target_semaphore(%run_scoped3A : memref<!tpu.dma_semaphore, #tpu.memory_space<semaphore_mem>>)
      %dma_wait3A = arith.constant 0 : i32
      %dma_wait3A_96 = tpu.memref_slice %arg16[%add3A_19, %dma_wait3A] : memref<10240x32xf32, #tpu.memory_space<vmem_shared>> -> memref<128x32xf32, #tpu.memory_space<vmem_shared>>
      %dma_wait3A_97 = arith.constant 0 : i32
      %dma_wait3A_98 = tpu.memref_slice %arg16[%add3A_19, %dma_wait3A_97] : memref<10240x32xf32, #tpu.memory_space<vmem_shared>> -> memref<128x32xf32, #tpu.memory_space<vmem_shared>>
      tpu.wait_dma2 semaphore(%run_scoped3A : memref<!tpu.dma_semaphore, #tpu.memory_space<semaphore_mem>>) src(%arg8 : memref<128x32xf32, #tpu.memory_space<vmem>>) dst(%dma_wait3A_98 : memref<128x32xf32, #tpu.memory_space<vmem_shared>>)
      tpu.yield
    }) : () -> ()
    %mul3A_20 = arith.constant 640 : i32
    %mul3A_21 = arith.muli %arg1, %mul3A_20 : i32
    %add3A_22 = arith.constant 256 : i32
    %add3A_23 = arith.addi %mul3A_21, %add3A_22 : i32
    "tpu.region"() ({
      %run_scoped3A = tpu.sem_alloc : memref<!tpu.dma_semaphore, #tpu.memory_space<semaphore_mem>>
      %dma_start3A_92 = arith.constant 0 : i32
      %dma_start3A_93 = tpu.memref_slice %arg16[%add3A_23, %dma_start3A_92] : memref<10240x32xf32, #tpu.memory_space<vmem_shared>> -> memref<128x32xf32, #tpu.memory_space<vmem_shared>>
      %dma_start3A_94 = arith.constant 0 : i32
      %dma_start3A_95 = tpu.memref_slice %arg16[%add3A_23, %dma_start3A_94] : memref<10240x32xf32, #tpu.memory_space<vmem_shared>> -> memref<128x32xf32, #tpu.memory_space<vmem_shared>>
      tpu.enqueue_dma source(%arg8 : memref<128x32xf32, #tpu.memory_space<vmem>>) target(%dma_start3A_95 : memref<128x32xf32, #tpu.memory_space<vmem_shared>>) target_semaphore(%run_scoped3A : memref<!tpu.dma_semaphore, #tpu.memory_space<semaphore_mem>>)
      %dma_wait3A = arith.constant 0 : i32
      %dma_wait3A_96 = tpu.memref_slice %arg16[%add3A_23, %dma_wait3A] : memref<10240x32xf32, #tpu.memory_space<vmem_shared>> -> memref<128x32xf32, #tpu.memory_space<vmem_shared>>
      %dma_wait3A_97 = arith.constant 0 : i32
      %dma_wait3A_98 = tpu.memref_slice %arg16[%add3A_23, %dma_wait3A_97] : memref<10240x32xf32, #tpu.memory_space<vmem_shared>> -> memref<128x32xf32, #tpu.memory_space<vmem_shared>>
      tpu.wait_dma2 semaphore(%run_scoped3A : memref<!tpu.dma_semaphore, #tpu.memory_space<semaphore_mem>>) src(%arg8 : memref<128x32xf32, #tpu.memory_space<vmem>>) dst(%dma_wait3A_98 : memref<128x32xf32, #tpu.memory_space<vmem_shared>>)
      tpu.yield
    }) : () -> ()
    %mul3A_24 = arith.constant 640 : i32
    %mul3A_25 = arith.muli %arg1, %mul3A_24 : i32
    %add3A_26 = arith.constant 384 : i32
    %add3A_27 = arith.addi %mul3A_25, %add3A_26 : i32
    "tpu.region"() ({
      %run_scoped3A = tpu.sem_alloc : memref<!tpu.dma_semaphore, #tpu.memory_space<semaphore_mem>>
      %dma_start3A_92 = arith.constant 0 : i32
      %dma_start3A_93 = tpu.memref_slice %arg16[%add3A_27, %dma_start3A_92] : memref<10240x32xf32, #tpu.memory_space<vmem_shared>> -> memref<128x32xf32, #tpu.memory_space<vmem_shared>>
      %dma_start3A_94 = arith.constant 0 : i32
      %dma_start3A_95 = tpu.memref_slice %arg16[%add3A_27, %dma_start3A_94] : memref<10240x32xf32, #tpu.memory_space<vmem_shared>> -> memref<128x32xf32, #tpu.memory_space<vmem_shared>>
      tpu.enqueue_dma source(%arg8 : memref<128x32xf32, #tpu.memory_space<vmem>>) target(%dma_start3A_95 : memref<128x32xf32, #tpu.memory_space<vmem_shared>>) target_semaphore(%run_scoped3A : memref<!tpu.dma_semaphore, #tpu.memory_space<semaphore_mem>>)
      %dma_wait3A = arith.constant 0 : i32
      %dma_wait3A_96 = tpu.memref_slice %arg16[%add3A_27, %dma_wait3A] : memref<10240x32xf32, #tpu.memory_space<vmem_shared>> -> memref<128x32xf32, #tpu.memory_space<vmem_shared>>
      %dma_wait3A_97 = arith.constant 0 : i32
      %dma_wait3A_98 = tpu.memref_slice %arg16[%add3A_27, %dma_wait3A_97] : memref<10240x32xf32, #tpu.memory_space<vmem_shared>> -> memref<128x32xf32, #tpu.memory_space<vmem_shared>>
      tpu.wait_dma2 semaphore(%run_scoped3A : memref<!tpu.dma_semaphore, #tpu.memory_space<semaphore_mem>>) src(%arg8 : memref<128x32xf32, #tpu.memory_space<vmem>>) dst(%dma_wait3A_98 : memref<128x32xf32, #tpu.memory_space<vmem_shared>>)
      tpu.yield
    }) : () -> ()
    %mul3A_28 = arith.constant 640 : i32
    %mul3A_29 = arith.muli %arg1, %mul3A_28 : i32
    %add3A_30 = arith.constant 512 : i32
    %add3A_31 = arith.addi %mul3A_29, %add3A_30 : i32
    "tpu.region"() ({
      %run_scoped3A = tpu.sem_alloc : memref<!tpu.dma_semaphore, #tpu.memory_space<semaphore_mem>>
      %dma_start3A_92 = arith.constant 0 : i32
      %dma_start3A_93 = tpu.memref_slice %arg16[%add3A_31, %dma_start3A_92] : memref<10240x32xf32, #tpu.memory_space<vmem_shared>> -> memref<128x32xf32, #tpu.memory_space<vmem_shared>>
      %dma_start3A_94 = arith.constant 0 : i32
      %dma_start3A_95 = tpu.memref_slice %arg16[%add3A_31, %dma_start3A_94] : memref<10240x32xf32, #tpu.memory_space<vmem_shared>> -> memref<128x32xf32, #tpu.memory_space<vmem_shared>>
      tpu.enqueue_dma source(%arg8 : memref<128x32xf32, #tpu.memory_space<vmem>>) target(%dma_start3A_95 : memref<128x32xf32, #tpu.memory_space<vmem_shared>>) target_semaphore(%run_scoped3A : memref<!tpu.dma_semaphore, #tpu.memory_space<semaphore_mem>>)
      %dma_wait3A = arith.constant 0 : i32
      %dma_wait3A_96 = tpu.memref_slice %arg16[%add3A_31, %dma_wait3A] : memref<10240x32xf32, #tpu.memory_space<vmem_shared>> -> memref<128x32xf32, #tpu.memory_space<vmem_shared>>
      %dma_wait3A_97 = arith.constant 0 : i32
      %dma_wait3A_98 = tpu.memref_slice %arg16[%add3A_31, %dma_wait3A_97] : memref<10240x32xf32, #tpu.memory_space<vmem_shared>> -> memref<128x32xf32, #tpu.memory_space<vmem_shared>>
      tpu.wait_dma2 semaphore(%run_scoped3A : memref<!tpu.dma_semaphore, #tpu.memory_space<semaphore_mem>>) src(%arg8 : memref<128x32xf32, #tpu.memory_space<vmem>>) dst(%dma_wait3A_98 : memref<128x32xf32, #tpu.memory_space<vmem_shared>>)
      tpu.yield
    }) : () -> ()
    %barrier3A = arith.constant 0 : index
    tpu.barrier barrier_id(%barrier3A)
    %dma_start3A = arith.constant 0 : i32
    %dma_start3A_32 = arith.constant 0 : i32
    %dma_start3A_33 = tpu.memref_slice %arg6[%dma_start3A, %dma_start3A_32] : memref<80x128xi32, #tpu.memory_space<vmem>> -> memref<1x128xi32, #tpu.memory_space<vmem>>
    %dma_start3A_34 = tpu.memref_squeeze %dma_start3A_33 : memref<1x128xi32, #tpu.memory_space<vmem>> -> memref<128xi32, #tpu.memory_space<vmem>>
    %dma_start3A_35 = arith.constant 0 : i32
    %dma_start3A_36 = arith.constant 0 : i32
    %dma_start3A_37 = tpu.memref_slice %arg2[%dma_start3A_35, %dma_start3A_36] : memref<10240x32xf32, #tpu.memory_space<hbm>> -> memref<10240x32xf32, #tpu.memory_space<hbm>>
    tpu.enqueue_indirect_dma source(%dma_start3A_37 : memref<10240x32xf32, #tpu.memory_space<hbm>>) target(%arg8 : memref<128x32xf32, #tpu.memory_space<vmem>>) offsets(%dma_start3A_34 : memref<128xi32, #tpu.memory_space<vmem>>) semaphore(%arg17 : memref<!tpu.dma_semaphore, #tpu.memory_space<semaphore_mem>>)
    %dma_start3A_38 = arith.constant 1 : i32
    %dma_start3A_39 = arith.constant 0 : i32
    %dma_start3A_40 = tpu.memref_slice %arg6[%dma_start3A_38, %dma_start3A_39] : memref<80x128xi32, #tpu.memory_space<vmem>> -> memref<1x128xi32, #tpu.memory_space<vmem>>
    %dma_start3A_41 = tpu.memref_squeeze %dma_start3A_40 : memref<1x128xi32, #tpu.memory_space<vmem>> -> memref<128xi32, #tpu.memory_space<vmem>>
    %dma_start3A_42 = arith.constant 0 : i32
    %dma_start3A_43 = arith.constant 0 : i32
    %dma_start3A_44 = tpu.memref_slice %arg2[%dma_start3A_42, %dma_start3A_43] : memref<10240x32xf32, #tpu.memory_space<hbm>> -> memref<10240x32xf32, #tpu.memory_space<hbm>>
    tpu.enqueue_indirect_dma source(%dma_start3A_44 : memref<10240x32xf32, #tpu.memory_space<hbm>>) target(%arg9 : memref<128x32xf32, #tpu.memory_space<vmem>>) offsets(%dma_start3A_41 : memref<128xi32, #tpu.memory_space<vmem>>) semaphore(%arg18 : memref<!tpu.dma_semaphore, #tpu.memory_space<semaphore_mem>>)
    %dma_start3A_45 = arith.constant 2 : i32
    %dma_start3A_46 = arith.constant 0 : i32
    %dma_start3A_47 = tpu.memref_slice %arg6[%dma_start3A_45, %dma_start3A_46] : memref<80x128xi32, #tpu.memory_space<vmem>> -> memref<1x128xi32, #tpu.memory_space<vmem>>
    %dma_start3A_48 = tpu.memref_squeeze %dma_start3A_47 : memref<1x128xi32, #tpu.memory_space<vmem>> -> memref<128xi32, #tpu.memory_space<vmem>>
    %dma_start3A_49 = arith.constant 0 : i32
    %dma_start3A_50 = arith.constant 0 : i32
    %dma_start3A_51 = tpu.memref_slice %arg2[%dma_start3A_49, %dma_start3A_50] : memref<10240x32xf32, #tpu.memory_space<hbm>> -> memref<10240x32xf32, #tpu.memory_space<hbm>>
    tpu.enqueue_indirect_dma source(%dma_start3A_51 : memref<10240x32xf32, #tpu.memory_space<hbm>>) target(%arg10 : memref<128x32xf32, #tpu.memory_space<vmem>>) offsets(%dma_start3A_48 : memref<128xi32, #tpu.memory_space<vmem>>) semaphore(%arg19 : memref<!tpu.dma_semaphore, #tpu.memory_space<semaphore_mem>>)
    %dma_start3A_52 = arith.constant 3 : i32
    %dma_start3A_53 = arith.constant 0 : i32
    %dma_start3A_54 = tpu.memref_slice %arg6[%dma_start3A_52, %dma_start3A_53] : memref<80x128xi32, #tpu.memory_space<vmem>> -> memref<1x128xi32, #tpu.memory_space<vmem>>
    %dma_start3A_55 = tpu.memref_squeeze %dma_start3A_54 : memref<1x128xi32, #tpu.memory_space<vmem>> -> memref<128xi32, #tpu.memory_space<vmem>>
    %dma_start3A_56 = arith.constant 0 : i32
    %dma_start3A_57 = arith.constant 0 : i32
    %dma_start3A_58 = tpu.memref_slice %arg2[%dma_start3A_56, %dma_start3A_57] : memref<10240x32xf32, #tpu.memory_space<hbm>> -> memref<10240x32xf32, #tpu.memory_space<hbm>>
    tpu.enqueue_indirect_dma source(%dma_start3A_58 : memref<10240x32xf32, #tpu.memory_space<hbm>>) target(%arg11 : memref<128x32xf32, #tpu.memory_space<vmem>>) offsets(%dma_start3A_55 : memref<128xi32, #tpu.memory_space<vmem>>) semaphore(%arg20 : memref<!tpu.dma_semaphore, #tpu.memory_space<semaphore_mem>>)
    %dma_start3A_59 = arith.constant 4 : i32
    %dma_start3A_60 = arith.constant 0 : i32
    %dma_start3A_61 = tpu.memref_slice %arg6[%dma_start3A_59, %dma_start3A_60] : memref<80x128xi32, #tpu.memory_space<vmem>> -> memref<1x128xi32, #tpu.memory_space<vmem>>
    %dma_start3A_62 = tpu.memref_squeeze %dma_start3A_61 : memref<1x128xi32, #tpu.memory_space<vmem>> -> memref<128xi32, #tpu.memory_space<vmem>>
    %dma_start3A_63 = arith.constant 0 : i32
    %dma_start3A_64 = arith.constant 0 : i32
    %dma_start3A_65 = tpu.memref_slice %arg2[%dma_start3A_63, %dma_start3A_64] : memref<10240x32xf32, #tpu.memory_space<hbm>> -> memref<10240x32xf32, #tpu.memory_space<hbm>>
    tpu.enqueue_indirect_dma source(%dma_start3A_65 : memref<10240x32xf32, #tpu.memory_space<hbm>>) target(%arg12 : memref<128x32xf32, #tpu.memory_space<vmem>>) offsets(%dma_start3A_62 : memref<128xi32, #tpu.memory_space<vmem>>) semaphore(%arg21 : memref<!tpu.dma_semaphore, #tpu.memory_space<semaphore_mem>>)
    %dma_start3A_66 = arith.constant 5 : i32
    %dma_start3A_67 = arith.constant 0 : i32
    %dma_start3A_68 = tpu.memref_slice %arg6[%dma_start3A_66, %dma_start3A_67] : memref<80x128xi32, #tpu.memory_space<vmem>> -> memref<1x128xi32, #tpu.memory_space<vmem>>
    %dma_start3A_69 = tpu.memref_squeeze %dma_start3A_68 : memref<1x128xi32, #tpu.memory_space<vmem>> -> memref<128xi32, #tpu.memory_space<vmem>>
    %dma_start3A_70 = arith.constant 0 : i32
    %dma_start3A_71 = arith.constant 0 : i32
    %dma_start3A_72 = tpu.memref_slice %arg2[%dma_start3A_70, %dma_start3A_71] : memref<10240x32xf32, #tpu.memory_space<hbm>> -> memref<10240x32xf32, #tpu.memory_space<hbm>>
    tpu.enqueue_indirect_dma source(%dma_start3A_72 : memref<10240x32xf32, #tpu.memory_space<hbm>>) target(%arg13 : memref<128x32xf32, #tpu.memory_space<vmem>>) offsets(%dma_start3A_69 : memref<128xi32, #tpu.memory_space<vmem>>) semaphore(%arg22 : memref<!tpu.dma_semaphore, #tpu.memory_space<semaphore_mem>>)
    %dma_start3A_73 = arith.constant 6 : i32
    %dma_start3A_74 = arith.constant 0 : i32
    %dma_start3A_75 = tpu.memref_slice %arg6[%dma_start3A_73, %dma_start3A_74] : memref<80x128xi32, #tpu.memory_space<vmem>> -> memref<1x128xi32, #tpu.memory_space<vmem>>
    %dma_start3A_76 = tpu.memref_squeeze %dma_start3A_75 : memref<1x128xi32, #tpu.memory_space<vmem>> -> memref<128xi32, #tpu.memory_space<vmem>>
    %dma_start3A_77 = arith.constant 0 : i32
    %dma_start3A_78 = arith.constant 0 : i32
    %dma_start3A_79 = tpu.memref_slice %arg2[%dma_start3A_77, %dma_start3A_78] : memref<10240x32xf32, #tpu.memory_space<hbm>> -> memref<10240x32xf32, #tpu.memory_space<hbm>>
    tpu.enqueue_indirect_dma source(%dma_start3A_79 : memref<10240x32xf32, #tpu.memory_space<hbm>>) target(%arg14 : memref<128x32xf32, #tpu.memory_space<vmem>>) offsets(%dma_start3A_76 : memref<128xi32, #tpu.memory_space<vmem>>) semaphore(%arg23 : memref<!tpu.dma_semaphore, #tpu.memory_space<semaphore_mem>>)
    %scan3A_80 = arith.constant 0 : i32
    %scan3A_81 = arith.constant 0 : i32
    %scan3A_82 = arith.constant 10 : i32
    %scan3A_83 = arith.addi %scan3A_81, %scan3A_82 : i32
    %scan3A_84 = arith.constant 1 : i32
    %scan3A_85 = scf.for %scan3A_92 = %scan3A_81 to %scan3A_83 step %scan3A_84 iter_args(%scan3A_93 = %scan3A_80) -> (i32)  : i32 {
      %mul3A_94 = arith.constant 8 : i32
      %mul3A_95 = arith.muli %scan3A_92, %mul3A_94 : i32
      %add3A_96 = arith.constant 0 : i32
      %add3A_97 = arith.addi %mul3A_95, %add3A_96 : i32
      %dma_wait3A = arith.constant 0 : i32
      %dma_wait3A_98 = tpu.memref_slice %arg6[%add3A_97, %dma_wait3A] : memref<80x128xi32, #tpu.memory_space<vmem>> -> memref<1x128xi32, #tpu.memory_space<vmem>>
      %dma_wait3A_99 = tpu.memref_squeeze %dma_wait3A_98 : memref<1x128xi32, #tpu.memory_space<vmem>> -> memref<128xi32, #tpu.memory_space<vmem>>
      %dma_wait3A_100 = arith.constant 0 : i32
      %dma_wait3A_101 = arith.constant 0 : i32
      %dma_wait3A_102 = tpu.memref_slice %arg2[%dma_wait3A_100, %dma_wait3A_101] : memref<10240x32xf32, #tpu.memory_space<hbm>> -> memref<10240x32xf32, #tpu.memory_space<hbm>>
      tpu.wait_indirect_dma semaphore(%arg17 : memref<!tpu.dma_semaphore, #tpu.memory_space<semaphore_mem>>) src(%dma_wait3A_102 : memref<10240x32xf32, #tpu.memory_space<hbm>>) dst(%arg8 : memref<128x32xf32, #tpu.memory_space<vmem>>)
      %add3A_103 = arith.constant 0 : i32
      %add3A_104 = arith.addi %mul3A_95, %add3A_103 : i32
      %add3A_105 = arith.constant 8 : i32
      %add3A_106 = arith.addi %add3A_104, %add3A_105 : i32
      %sub3A = arith.constant 1 : i32
      %sub3A_107 = arith.subi %add3A_106, %sub3A : i32
      %lt3A = arith.constant 80 : i32
      %lt3A_108 = arith.cmpi slt, %sub3A_107, %lt3A : i32
      %convert_element_type3A = arith.extui %lt3A_108 : i1 to i32
      %cond3A = arith.constant 0 : i32
      %cond3A_109 = arith.cmpi ne, %convert_element_type3A, %cond3A : i32
      scf.if %cond3A_109 {
        %add3A_260 = arith.constant 0 : i32
        %add3A_261 = arith.addi %mul3A_95, %add3A_260 : i32
        %add3A_262 = arith.constant 8 : i32
        %add3A_263 = arith.addi %add3A_261, %add3A_262 : i32
        %sub3A_264 = arith.constant 1 : i32
        %sub3A_265 = arith.subi %add3A_263, %sub3A_264 : i32
        %dma_start3A_266 = arith.constant 0 : i32
        %dma_start3A_267 = tpu.memref_slice %arg6[%sub3A_265, %dma_start3A_266] : memref<80x128xi32, #tpu.memory_space<vmem>> -> memref<1x128xi32, #tpu.memory_space<vmem>>
        %dma_start3A_268 = tpu.memref_squeeze %dma_start3A_267 : memref<1x128xi32, #tpu.memory_space<vmem>> -> memref<128xi32, #tpu.memory_space<vmem>>
        %dma_start3A_269 = arith.constant 0 : i32
        %dma_start3A_270 = arith.constant 0 : i32
        %dma_start3A_271 = tpu.memref_slice %arg2[%dma_start3A_269, %dma_start3A_270] : memref<10240x32xf32, #tpu.memory_space<hbm>> -> memref<10240x32xf32, #tpu.memory_space<hbm>>
        tpu.enqueue_indirect_dma source(%dma_start3A_271 : memref<10240x32xf32, #tpu.memory_space<hbm>>) target(%arg15 : memref<128x32xf32, #tpu.memory_space<vmem>>) offsets(%dma_start3A_268 : memref<128xi32, #tpu.memory_space<vmem>>) semaphore(%arg24 : memref<!tpu.dma_semaphore, #tpu.memory_space<semaphore_mem>>)
      } else {
      }
      %add3A_110 = arith.constant 0 : i32
      %add3A_111 = arith.addi %mul3A_95, %add3A_110 : i32
      "tpu.region"() ({
        %run_scoped3A = tpu.sem_alloc : memref<!tpu.dma_semaphore, #tpu.memory_space<semaphore_mem>>
        %dma_start3A_260 = arith.constant 0 : i32
        %dma_start3A_261 = tpu.memref_slice %arg7[%add3A_111, %dma_start3A_260] : memref<80x128xi32, #tpu.memory_space<vmem>> -> memref<1x128xi32, #tpu.memory_space<vmem>>
        %dma_start3A_262 = tpu.memref_squeeze %dma_start3A_261 : memref<1x128xi32, #tpu.memory_space<vmem>> -> memref<128xi32, #tpu.memory_space<vmem>>
        %dma_start3A_263 = arith.constant 0 : i32
        %dma_start3A_264 = arith.constant 0 : i32
        %dma_start3A_265 = tpu.memref_slice %arg16[%dma_start3A_263, %dma_start3A_264] : memref<10240x32xf32, #tpu.memory_space<vmem_shared>> -> memref<10240x32xf32, #tpu.memory_space<vmem_shared>>
        tpu.enqueue_indirect_dma source(%arg8 : memref<128x32xf32, #tpu.memory_space<vmem>>) target(%dma_start3A_265 : memref<10240x32xf32, #tpu.memory_space<vmem_shared>>) offsets(%dma_start3A_262 : memref<128xi32, #tpu.memory_space<vmem>>) semaphore(%run_scoped3A : memref<!tpu.dma_semaphore, #tpu.memory_space<semaphore_mem>>) {add = true}
        %dma_wait3A_266 = arith.constant 0 : i32
        %dma_wait3A_267 = tpu.memref_slice %arg7[%add3A_111, %dma_wait3A_266] : memref<80x128xi32, #tpu.memory_space<vmem>> -> memref<1x128xi32, #tpu.memory_space<vmem>>
        %dma_wait3A_268 = tpu.memref_squeeze %dma_wait3A_267 : memref<1x128xi32, #tpu.memory_space<vmem>> -> memref<128xi32, #tpu.memory_space<vmem>>
        %dma_wait3A_269 = arith.constant 0 : i32
        %dma_wait3A_270 = arith.constant 0 : i32
        %dma_wait3A_271 = tpu.memref_slice %arg16[%dma_wait3A_269, %dma_wait3A_270] : memref<10240x32xf32, #tpu.memory_space<vmem_shared>> -> memref<10240x32xf32, #tpu.memory_space<vmem_shared>>
        tpu.wait_indirect_dma semaphore(%run_scoped3A : memref<!tpu.dma_semaphore, #tpu.memory_space<semaphore_mem>>) src(%arg8 : memref<128x32xf32, #tpu.memory_space<vmem>>) dst(%dma_wait3A_271 : memref<10240x32xf32, #tpu.memory_space<vmem_shared>>)
        tpu.yield
      }) : () -> ()
      %add3A_112 = arith.constant 1 : i32
      %add3A_113 = arith.addi %mul3A_95, %add3A_112 : i32
      %dma_wait3A_114 = arith.constant 0 : i32
      %dma_wait3A_115 = tpu.memref_slice %arg6[%add3A_113, %dma_wait3A_114] : memref<80x128xi32, #tpu.memory_space<vmem>> -> memref<1x128xi32, #tpu.memory_space<vmem>>
      %dma_wait3A_116 = tpu.memref_squeeze %dma_wait3A_115 : memref<1x128xi32, #tpu.memory_space<vmem>> -> memref<128xi32, #tpu.memory_space<vmem>>
      %dma_wait3A_117 = arith.constant 0 : i32
      %dma_wait3A_118 = arith.constant 0 : i32
      %dma_wait3A_119 = tpu.memref_slice %arg2[%dma_wait3A_117, %dma_wait3A_118] : memref<10240x32xf32, #tpu.memory_space<hbm>> -> memref<10240x32xf32, #tpu.memory_space<hbm>>
      tpu.wait_indirect_dma semaphore(%arg18 : memref<!tpu.dma_semaphore, #tpu.memory_space<semaphore_mem>>) src(%dma_wait3A_119 : memref<10240x32xf32, #tpu.memory_space<hbm>>) dst(%arg9 : memref<128x32xf32, #tpu.memory_space<vmem>>)
      %add3A_120 = arith.constant 1 : i32
      %add3A_121 = arith.addi %mul3A_95, %add3A_120 : i32
      %add3A_122 = arith.constant 8 : i32
      %add3A_123 = arith.addi %add3A_121, %add3A_122 : i32
      %sub3A_124 = arith.constant 1 : i32
      %sub3A_125 = arith.subi %add3A_123, %sub3A_124 : i32
      %lt3A_126 = arith.constant 80 : i32
      %lt3A_127 = arith.cmpi slt, %sub3A_125, %lt3A_126 : i32
      %convert_element_type3A_128 = arith.extui %lt3A_127 : i1 to i32
      %cond3A_129 = arith.constant 0 : i32
      %cond3A_130 = arith.cmpi ne, %convert_element_type3A_128, %cond3A_129 : i32
      scf.if %cond3A_130 {
        %add3A_260 = arith.constant 1 : i32
        %add3A_261 = arith.addi %mul3A_95, %add3A_260 : i32
        %add3A_262 = arith.constant 8 : i32
        %add3A_263 = arith.addi %add3A_261, %add3A_262 : i32
        %sub3A_264 = arith.constant 1 : i32
        %sub3A_265 = arith.subi %add3A_263, %sub3A_264 : i32
        %dma_start3A_266 = arith.constant 0 : i32
        %dma_start3A_267 = tpu.memref_slice %arg6[%sub3A_265, %dma_start3A_266] : memref<80x128xi32, #tpu.memory_space<vmem>> -> memref<1x128xi32, #tpu.memory_space<vmem>>
        %dma_start3A_268 = tpu.memref_squeeze %dma_start3A_267 : memref<1x128xi32, #tpu.memory_space<vmem>> -> memref<128xi32, #tpu.memory_space<vmem>>
        %dma_start3A_269 = arith.constant 0 : i32
        %dma_start3A_270 = arith.constant 0 : i32
        %dma_start3A_271 = tpu.memref_slice %arg2[%dma_start3A_269, %dma_start3A_270] : memref<10240x32xf32, #tpu.memory_space<hbm>> -> memref<10240x32xf32, #tpu.memory_space<hbm>>
        tpu.enqueue_indirect_dma source(%dma_start3A_271 : memref<10240x32xf32, #tpu.memory_space<hbm>>) target(%arg8 : memref<128x32xf32, #tpu.memory_space<vmem>>) offsets(%dma_start3A_268 : memref<128xi32, #tpu.memory_space<vmem>>) semaphore(%arg17 : memref<!tpu.dma_semaphore, #tpu.memory_space<semaphore_mem>>)
      } else {
      }
      %add3A_131 = arith.constant 1 : i32
      %add3A_132 = arith.addi %mul3A_95, %add3A_131 : i32
      "tpu.region"() ({
        %run_scoped3A = tpu.sem_alloc : memref<!tpu.dma_semaphore, #tpu.memory_space<semaphore_mem>>
        %dma_start3A_260 = arith.constant 0 : i32
        %dma_start3A_261 = tpu.memref_slice %arg7[%add3A_132, %dma_start3A_260] : memref<80x128xi32, #tpu.memory_space<vmem>> -> memref<1x128xi32, #tpu.memory_space<vmem>>
        %dma_start3A_262 = tpu.memref_squeeze %dma_start3A_261 : memref<1x128xi32, #tpu.memory_space<vmem>> -> memref<128xi32, #tpu.memory_space<vmem>>
        %dma_start3A_263 = arith.constant 0 : i32
        %dma_start3A_264 = arith.constant 0 : i32
        %dma_start3A_265 = tpu.memref_slice %arg16[%dma_start3A_263, %dma_start3A_264] : memref<10240x32xf32, #tpu.memory_space<vmem_shared>> -> memref<10240x32xf32, #tpu.memory_space<vmem_shared>>
        tpu.enqueue_indirect_dma source(%arg9 : memref<128x32xf32, #tpu.memory_space<vmem>>) target(%dma_start3A_265 : memref<10240x32xf32, #tpu.memory_space<vmem_shared>>) offsets(%dma_start3A_262 : memref<128xi32, #tpu.memory_space<vmem>>) semaphore(%run_scoped3A : memref<!tpu.dma_semaphore, #tpu.memory_space<semaphore_mem>>) {add = true}
        %dma_wait3A_266 = arith.constant 0 : i32
        %dma_wait3A_267 = tpu.memref_slice %arg7[%add3A_132, %dma_wait3A_266] : memref<80x128xi32, #tpu.memory_space<vmem>> -> memref<1x128xi32, #tpu.memory_space<vmem>>
        %dma_wait3A_268 = tpu.memref_squeeze %dma_wait3A_267 : memref<1x128xi32, #tpu.memory_space<vmem>> -> memref<128xi32, #tpu.memory_space<vmem>>
        %dma_wait3A_269 = arith.constant 0 : i32
        %dma_wait3A_270 = arith.constant 0 : i32
        %dma_wait3A_271 = tpu.memref_slice %arg16[%dma_wait3A_269, %dma_wait3A_270] : memref<10240x32xf32, #tpu.memory_space<vmem_shared>> -> memref<10240x32xf32, #tpu.memory_space<vmem_shared>>
        tpu.wait_indirect_dma semaphore(%run_scoped3A : memref<!tpu.dma_semaphore, #tpu.memory_space<semaphore_mem>>) src(%arg9 : memref<128x32xf32, #tpu.memory_space<vmem>>) dst(%dma_wait3A_271 : memref<10240x32xf32, #tpu.memory_space<vmem_shared>>)
        tpu.yield
      }) : () -> ()
      %add3A_133 = arith.constant 2 : i32
      %add3A_134 = arith.addi %mul3A_95, %add3A_133 : i32
      %dma_wait3A_135 = arith.constant 0 : i32
      %dma_wait3A_136 = tpu.memref_slice %arg6[%add3A_134, %dma_wait3A_135] : memref<80x128xi32, #tpu.memory_space<vmem>> -> memref<1x128xi32, #tpu.memory_space<vmem>>
      %dma_wait3A_137 = tpu.memref_squeeze %dma_wait3A_136 : memref<1x128xi32, #tpu.memory_space<vmem>> -> memref<128xi32, #tpu.memory_space<vmem>>
      %dma_wait3A_138 = arith.constant 0 : i32
      %dma_wait3A_139 = arith.constant 0 : i32
      %dma_wait3A_140 = tpu.memref_slice %arg2[%dma_wait3A_138, %dma_wait3A_139] : memref<10240x32xf32, #tpu.memory_space<hbm>> -> memref<10240x32xf32, #tpu.memory_space<hbm>>
      tpu.wait_indirect_dma semaphore(%arg19 : memref<!tpu.dma_semaphore, #tpu.memory_space<semaphore_mem>>) src(%dma_wait3A_140 : memref<10240x32xf32, #tpu.memory_space<hbm>>) dst(%arg10 : memref<128x32xf32, #tpu.memory_space<vmem>>)
      %add3A_141 = arith.constant 2 : i32
      %add3A_142 = arith.addi %mul3A_95, %add3A_141 : i32
      %add3A_143 = arith.constant 8 : i32
      %add3A_144 = arith.addi %add3A_142, %add3A_143 : i32
      %sub3A_145 = arith.constant 1 : i32
      %sub3A_146 = arith.subi %add3A_144, %sub3A_145 : i32
      %lt3A_147 = arith.constant 80 : i32
      %lt3A_148 = arith.cmpi slt, %sub3A_146, %lt3A_147 : i32
      %convert_element_type3A_149 = arith.extui %lt3A_148 : i1 to i32
      %cond3A_150 = arith.constant 0 : i32
      %cond3A_151 = arith.cmpi ne, %convert_element_type3A_149, %cond3A_150 : i32
      scf.if %cond3A_151 {
        %add3A_260 = arith.constant 2 : i32
        %add3A_261 = arith.addi %mul3A_95, %add3A_260 : i32
        %add3A_262 = arith.constant 8 : i32
        %add3A_263 = arith.addi %add3A_261, %add3A_262 : i32
        %sub3A_264 = arith.constant 1 : i32
        %sub3A_265 = arith.subi %add3A_263, %sub3A_264 : i32
        %dma_start3A_266 = arith.constant 0 : i32
        %dma_start3A_267 = tpu.memref_slice %arg6[%sub3A_265, %dma_start3A_266] : memref<80x128xi32, #tpu.memory_space<vmem>> -> memref<1x128xi32, #tpu.memory_space<vmem>>
        %dma_start3A_268 = tpu.memref_squeeze %dma_start3A_267 : memref<1x128xi32, #tpu.memory_space<vmem>> -> memref<128xi32, #tpu.memory_space<vmem>>
        %dma_start3A_269 = arith.constant 0 : i32
        %dma_start3A_270 = arith.constant 0 : i32
        %dma_start3A_271 = tpu.memref_slice %arg2[%dma_start3A_269, %dma_start3A_270] : memref<10240x32xf32, #tpu.memory_space<hbm>> -> memref<10240x32xf32, #tpu.memory_space<hbm>>
        tpu.enqueue_indirect_dma source(%dma_start3A_271 : memref<10240x32xf32, #tpu.memory_space<hbm>>) target(%arg9 : memref<128x32xf32, #tpu.memory_space<vmem>>) offsets(%dma_start3A_268 : memref<128xi32, #tpu.memory_space<vmem>>) semaphore(%arg18 : memref<!tpu.dma_semaphore, #tpu.memory_space<semaphore_mem>>)
      } else {
      }
      %add3A_152 = arith.constant 2 : i32
      %add3A_153 = arith.addi %mul3A_95, %add3A_152 : i32
      "tpu.region"() ({
        %run_scoped3A = tpu.sem_alloc : memref<!tpu.dma_semaphore, #tpu.memory_space<semaphore_mem>>
        %dma_start3A_260 = arith.constant 0 : i32
        %dma_start3A_261 = tpu.memref_slice %arg7[%add3A_153, %dma_start3A_260] : memref<80x128xi32, #tpu.memory_space<vmem>> -> memref<1x128xi32, #tpu.memory_space<vmem>>
        %dma_start3A_262 = tpu.memref_squeeze %dma_start3A_261 : memref<1x128xi32, #tpu.memory_space<vmem>> -> memref<128xi32, #tpu.memory_space<vmem>>
        %dma_start3A_263 = arith.constant 0 : i32
        %dma_start3A_264 = arith.constant 0 : i32
        %dma_start3A_265 = tpu.memref_slice %arg16[%dma_start3A_263, %dma_start3A_264] : memref<10240x32xf32, #tpu.memory_space<vmem_shared>> -> memref<10240x32xf32, #tpu.memory_space<vmem_shared>>
        tpu.enqueue_indirect_dma source(%arg10 : memref<128x32xf32, #tpu.memory_space<vmem>>) target(%dma_start3A_265 : memref<10240x32xf32, #tpu.memory_space<vmem_shared>>) offsets(%dma_start3A_262 : memref<128xi32, #tpu.memory_space<vmem>>) semaphore(%run_scoped3A : memref<!tpu.dma_semaphore, #tpu.memory_space<semaphore_mem>>) {add = true}
        %dma_wait3A_266 = arith.constant 0 : i32
        %dma_wait3A_267 = tpu.memref_slice %arg7[%add3A_153, %dma_wait3A_266] : memref<80x128xi32, #tpu.memory_space<vmem>> -> memref<1x128xi32, #tpu.memory_space<vmem>>
        %dma_wait3A_268 = tpu.memref_squeeze %dma_wait3A_267 : memref<1x128xi32, #tpu.memory_space<vmem>> -> memref<128xi32, #tpu.memory_space<vmem>>
        %dma_wait3A_269 = arith.constant 0 : i32
        %dma_wait3A_270 = arith.constant 0 : i32
        %dma_wait3A_271 = tpu.memref_slice %arg16[%dma_wait3A_269, %dma_wait3A_270] : memref<10240x32xf32, #tpu.memory_space<vmem_shared>> -> memref<10240x32xf32, #tpu.memory_space<vmem_shared>>
        tpu.wait_indirect_dma semaphore(%run_scoped3A : memref<!tpu.dma_semaphore, #tpu.memory_space<semaphore_mem>>) src(%arg10 : memref<128x32xf32, #tpu.memory_space<vmem>>) dst(%dma_wait3A_271 : memref<10240x32xf32, #tpu.memory_space<vmem_shared>>)
        tpu.yield
      }) : () -> ()
      %add3A_154 = arith.constant 3 : i32
      %add3A_155 = arith.addi %mul3A_95, %add3A_154 : i32
      %dma_wait3A_156 = arith.constant 0 : i32
      %dma_wait3A_157 = tpu.memref_slice %arg6[%add3A_155, %dma_wait3A_156] : memref<80x128xi32, #tpu.memory_space<vmem>> -> memref<1x128xi32, #tpu.memory_space<vmem>>
      %dma_wait3A_158 = tpu.memref_squeeze %dma_wait3A_157 : memref<1x128xi32, #tpu.memory_space<vmem>> -> memref<128xi32, #tpu.memory_space<vmem>>
      %dma_wait3A_159 = arith.constant 0 : i32
      %dma_wait3A_160 = arith.constant 0 : i32
      %dma_wait3A_161 = tpu.memref_slice %arg2[%dma_wait3A_159, %dma_wait3A_160] : memref<10240x32xf32, #tpu.memory_space<hbm>> -> memref<10240x32xf32, #tpu.memory_space<hbm>>
      tpu.wait_indirect_dma semaphore(%arg20 : memref<!tpu.dma_semaphore, #tpu.memory_space<semaphore_mem>>) src(%dma_wait3A_161 : memref<10240x32xf32, #tpu.memory_space<hbm>>) dst(%arg11 : memref<128x32xf32, #tpu.memory_space<vmem>>)
      %add3A_162 = arith.constant 3 : i32
      %add3A_163 = arith.addi %mul3A_95, %add3A_162 : i32
      %add3A_164 = arith.constant 8 : i32
      %add3A_165 = arith.addi %add3A_163, %add3A_164 : i32
      %sub3A_166 = arith.constant 1 : i32
      %sub3A_167 = arith.subi %add3A_165, %sub3A_166 : i32
      %lt3A_168 = arith.constant 80 : i32
      %lt3A_169 = arith.cmpi slt, %sub3A_167, %lt3A_168 : i32
      %convert_element_type3A_170 = arith.extui %lt3A_169 : i1 to i32
      %cond3A_171 = arith.constant 0 : i32
      %cond3A_172 = arith.cmpi ne, %convert_element_type3A_170, %cond3A_171 : i32
      scf.if %cond3A_172 {
        %add3A_260 = arith.constant 3 : i32
        %add3A_261 = arith.addi %mul3A_95, %add3A_260 : i32
        %add3A_262 = arith.constant 8 : i32
        %add3A_263 = arith.addi %add3A_261, %add3A_262 : i32
        %sub3A_264 = arith.constant 1 : i32
        %sub3A_265 = arith.subi %add3A_263, %sub3A_264 : i32
        %dma_start3A_266 = arith.constant 0 : i32
        %dma_start3A_267 = tpu.memref_slice %arg6[%sub3A_265, %dma_start3A_266] : memref<80x128xi32, #tpu.memory_space<vmem>> -> memref<1x128xi32, #tpu.memory_space<vmem>>
        %dma_start3A_268 = tpu.memref_squeeze %dma_start3A_267 : memref<1x128xi32, #tpu.memory_space<vmem>> -> memref<128xi32, #tpu.memory_space<vmem>>
        %dma_start3A_269 = arith.constant 0 : i32
        %dma_start3A_270 = arith.constant 0 : i32
        %dma_start3A_271 = tpu.memref_slice %arg2[%dma_start3A_269, %dma_start3A_270] : memref<10240x32xf32, #tpu.memory_space<hbm>> -> memref<10240x32xf32, #tpu.memory_space<hbm>>
        tpu.enqueue_indirect_dma source(%dma_start3A_271 : memref<10240x32xf32, #tpu.memory_space<hbm>>) target(%arg10 : memref<128x32xf32, #tpu.memory_space<vmem>>) offsets(%dma_start3A_268 : memref<128xi32, #tpu.memory_space<vmem>>) semaphore(%arg19 : memref<!tpu.dma_semaphore, #tpu.memory_space<semaphore_mem>>)
      } else {
      }
      %add3A_173 = arith.constant 3 : i32
      %add3A_174 = arith.addi %mul3A_95, %add3A_173 : i32
      "tpu.region"() ({
        %run_scoped3A = tpu.sem_alloc : memref<!tpu.dma_semaphore, #tpu.memory_space<semaphore_mem>>
        %dma_start3A_260 = arith.constant 0 : i32
        %dma_start3A_261 = tpu.memref_slice %arg7[%add3A_174, %dma_start3A_260] : memref<80x128xi32, #tpu.memory_space<vmem>> -> memref<1x128xi32, #tpu.memory_space<vmem>>
        %dma_start3A_262 = tpu.memref_squeeze %dma_start3A_261 : memref<1x128xi32, #tpu.memory_space<vmem>> -> memref<128xi32, #tpu.memory_space<vmem>>
        %dma_start3A_263 = arith.constant 0 : i32
        %dma_start3A_264 = arith.constant 0 : i32
        %dma_start3A_265 = tpu.memref_slice %arg16[%dma_start3A_263, %dma_start3A_264] : memref<10240x32xf32, #tpu.memory_space<vmem_shared>> -> memref<10240x32xf32, #tpu.memory_space<vmem_shared>>
        tpu.enqueue_indirect_dma source(%arg11 : memref<128x32xf32, #tpu.memory_space<vmem>>) target(%dma_start3A_265 : memref<10240x32xf32, #tpu.memory_space<vmem_shared>>) offsets(%dma_start3A_262 : memref<128xi32, #tpu.memory_space<vmem>>) semaphore(%run_scoped3A : memref<!tpu.dma_semaphore, #tpu.memory_space<semaphore_mem>>) {add = true}
        %dma_wait3A_266 = arith.constant 0 : i32
        %dma_wait3A_267 = tpu.memref_slice %arg7[%add3A_174, %dma_wait3A_266] : memref<80x128xi32, #tpu.memory_space<vmem>> -> memref<1x128xi32, #tpu.memory_space<vmem>>
        %dma_wait3A_268 = tpu.memref_squeeze %dma_wait3A_267 : memref<1x128xi32, #tpu.memory_space<vmem>> -> memref<128xi32, #tpu.memory_space<vmem>>
        %dma_wait3A_269 = arith.constant 0 : i32
        %dma_wait3A_270 = arith.constant 0 : i32
        %dma_wait3A_271 = tpu.memref_slice %arg16[%dma_wait3A_269, %dma_wait3A_270] : memref<10240x32xf32, #tpu.memory_space<vmem_shared>> -> memref<10240x32xf32, #tpu.memory_space<vmem_shared>>
        tpu.wait_indirect_dma semaphore(%run_scoped3A : memref<!tpu.dma_semaphore, #tpu.memory_space<semaphore_mem>>) src(%arg11 : memref<128x32xf32, #tpu.memory_space<vmem>>) dst(%dma_wait3A_271 : memref<10240x32xf32, #tpu.memory_space<vmem_shared>>)
        tpu.yield
      }) : () -> ()
      %add3A_175 = arith.constant 4 : i32
      %add3A_176 = arith.addi %mul3A_95, %add3A_175 : i32
      %dma_wait3A_177 = arith.constant 0 : i32
      %dma_wait3A_178 = tpu.memref_slice %arg6[%add3A_176, %dma_wait3A_177] : memref<80x128xi32, #tpu.memory_space<vmem>> -> memref<1x128xi32, #tpu.memory_space<vmem>>
      %dma_wait3A_179 = tpu.memref_squeeze %dma_wait3A_178 : memref<1x128xi32, #tpu.memory_space<vmem>> -> memref<128xi32, #tpu.memory_space<vmem>>
      %dma_wait3A_180 = arith.constant 0 : i32
      %dma_wait3A_181 = arith.constant 0 : i32
      %dma_wait3A_182 = tpu.memref_slice %arg2[%dma_wait3A_180, %dma_wait3A_181] : memref<10240x32xf32, #tpu.memory_space<hbm>> -> memref<10240x32xf32, #tpu.memory_space<hbm>>
      tpu.wait_indirect_dma semaphore(%arg21 : memref<!tpu.dma_semaphore, #tpu.memory_space<semaphore_mem>>) src(%dma_wait3A_182 : memref<10240x32xf32, #tpu.memory_space<hbm>>) dst(%arg12 : memref<128x32xf32, #tpu.memory_space<vmem>>)
      %add3A_183 = arith.constant 4 : i32
      %add3A_184 = arith.addi %mul3A_95, %add3A_183 : i32
      %add3A_185 = arith.constant 8 : i32
      %add3A_186 = arith.addi %add3A_184, %add3A_185 : i32
      %sub3A_187 = arith.constant 1 : i32
      %sub3A_188 = arith.subi %add3A_186, %sub3A_187 : i32
      %lt3A_189 = arith.constant 80 : i32
      %lt3A_190 = arith.cmpi slt, %sub3A_188, %lt3A_189 : i32
      %convert_element_type3A_191 = arith.extui %lt3A_190 : i1 to i32
      %cond3A_192 = arith.constant 0 : i32
      %cond3A_193 = arith.cmpi ne, %convert_element_type3A_191, %cond3A_192 : i32
      scf.if %cond3A_193 {
        %add3A_260 = arith.constant 4 : i32
        %add3A_261 = arith.addi %mul3A_95, %add3A_260 : i32
        %add3A_262 = arith.constant 8 : i32
        %add3A_263 = arith.addi %add3A_261, %add3A_262 : i32
        %sub3A_264 = arith.constant 1 : i32
        %sub3A_265 = arith.subi %add3A_263, %sub3A_264 : i32
        %dma_start3A_266 = arith.constant 0 : i32
        %dma_start3A_267 = tpu.memref_slice %arg6[%sub3A_265, %dma_start3A_266] : memref<80x128xi32, #tpu.memory_space<vmem>> -> memref<1x128xi32, #tpu.memory_space<vmem>>
        %dma_start3A_268 = tpu.memref_squeeze %dma_start3A_267 : memref<1x128xi32, #tpu.memory_space<vmem>> -> memref<128xi32, #tpu.memory_space<vmem>>
        %dma_start3A_269 = arith.constant 0 : i32
        %dma_start3A_270 = arith.constant 0 : i32
        %dma_start3A_271 = tpu.memref_slice %arg2[%dma_start3A_269, %dma_start3A_270] : memref<10240x32xf32, #tpu.memory_space<hbm>> -> memref<10240x32xf32, #tpu.memory_space<hbm>>
        tpu.enqueue_indirect_dma source(%dma_start3A_271 : memref<10240x32xf32, #tpu.memory_space<hbm>>) target(%arg11 : memref<128x32xf32, #tpu.memory_space<vmem>>) offsets(%dma_start3A_268 : memref<128xi32, #tpu.memory_space<vmem>>) semaphore(%arg20 : memref<!tpu.dma_semaphore, #tpu.memory_space<semaphore_mem>>)
      } else {
      }
      %add3A_194 = arith.constant 4 : i32
      %add3A_195 = arith.addi %mul3A_95, %add3A_194 : i32
      "tpu.region"() ({
        %run_scoped3A = tpu.sem_alloc : memref<!tpu.dma_semaphore, #tpu.memory_space<semaphore_mem>>
        %dma_start3A_260 = arith.constant 0 : i32
        %dma_start3A_261 = tpu.memref_slice %arg7[%add3A_195, %dma_start3A_260] : memref<80x128xi32, #tpu.memory_space<vmem>> -> memref<1x128xi32, #tpu.memory_space<vmem>>
        %dma_start3A_262 = tpu.memref_squeeze %dma_start3A_261 : memref<1x128xi32, #tpu.memory_space<vmem>> -> memref<128xi32, #tpu.memory_space<vmem>>
        %dma_start3A_263 = arith.constant 0 : i32
        %dma_start3A_264 = arith.constant 0 : i32
        %dma_start3A_265 = tpu.memref_slice %arg16[%dma_start3A_263, %dma_start3A_264] : memref<10240x32xf32, #tpu.memory_space<vmem_shared>> -> memref<10240x32xf32, #tpu.memory_space<vmem_shared>>
        tpu.enqueue_indirect_dma source(%arg12 : memref<128x32xf32, #tpu.memory_space<vmem>>) target(%dma_start3A_265 : memref<10240x32xf32, #tpu.memory_space<vmem_shared>>) offsets(%dma_start3A_262 : memref<128xi32, #tpu.memory_space<vmem>>) semaphore(%run_scoped3A : memref<!tpu.dma_semaphore, #tpu.memory_space<semaphore_mem>>) {add = true}
        %dma_wait3A_266 = arith.constant 0 : i32
        %dma_wait3A_267 = tpu.memref_slice %arg7[%add3A_195, %dma_wait3A_266] : memref<80x128xi32, #tpu.memory_space<vmem>> -> memref<1x128xi32, #tpu.memory_space<vmem>>
        %dma_wait3A_268 = tpu.memref_squeeze %dma_wait3A_267 : memref<1x128xi32, #tpu.memory_space<vmem>> -> memref<128xi32, #tpu.memory_space<vmem>>
        %dma_wait3A_269 = arith.constant 0 : i32
        %dma_wait3A_270 = arith.constant 0 : i32
        %dma_wait3A_271 = tpu.memref_slice %arg16[%dma_wait3A_269, %dma_wait3A_270] : memref<10240x32xf32, #tpu.memory_space<vmem_shared>> -> memref<10240x32xf32, #tpu.memory_space<vmem_shared>>
        tpu.wait_indirect_dma semaphore(%run_scoped3A : memref<!tpu.dma_semaphore, #tpu.memory_space<semaphore_mem>>) src(%arg12 : memref<128x32xf32, #tpu.memory_space<vmem>>) dst(%dma_wait3A_271 : memref<10240x32xf32, #tpu.memory_space<vmem_shared>>)
        tpu.yield
      }) : () -> ()
      %add3A_196 = arith.constant 5 : i32
      %add3A_197 = arith.addi %mul3A_95, %add3A_196 : i32
      %dma_wait3A_198 = arith.constant 0 : i32
      %dma_wait3A_199 = tpu.memref_slice %arg6[%add3A_197, %dma_wait3A_198] : memref<80x128xi32, #tpu.memory_space<vmem>> -> memref<1x128xi32, #tpu.memory_space<vmem>>
      %dma_wait3A_200 = tpu.memref_squeeze %dma_wait3A_199 : memref<1x128xi32, #tpu.memory_space<vmem>> -> memref<128xi32, #tpu.memory_space<vmem>>
      %dma_wait3A_201 = arith.constant 0 : i32
      %dma_wait3A_202 = arith.constant 0 : i32
      %dma_wait3A_203 = tpu.memref_slice %arg2[%dma_wait3A_201, %dma_wait3A_202] : memref<10240x32xf32, #tpu.memory_space<hbm>> -> memref<10240x32xf32, #tpu.memory_space<hbm>>
      tpu.wait_indirect_dma semaphore(%arg22 : memref<!tpu.dma_semaphore, #tpu.memory_space<semaphore_mem>>) src(%dma_wait3A_203 : memref<10240x32xf32, #tpu.memory_space<hbm>>) dst(%arg13 : memref<128x32xf32, #tpu.memory_space<vmem>>)
      %add3A_204 = arith.constant 5 : i32
      %add3A_205 = arith.addi %mul3A_95, %add3A_204 : i32
      %add3A_206 = arith.constant 8 : i32
      %add3A_207 = arith.addi %add3A_205, %add3A_206 : i32
      %sub3A_208 = arith.constant 1 : i32
      %sub3A_209 = arith.subi %add3A_207, %sub3A_208 : i32
      %lt3A_210 = arith.constant 80 : i32
      %lt3A_211 = arith.cmpi slt, %sub3A_209, %lt3A_210 : i32
      %convert_element_type3A_212 = arith.extui %lt3A_211 : i1 to i32
      %cond3A_213 = arith.constant 0 : i32
      %cond3A_214 = arith.cmpi ne, %convert_element_type3A_212, %cond3A_213 : i32
      scf.if %cond3A_214 {
        %add3A_260 = arith.constant 5 : i32
        %add3A_261 = arith.addi %mul3A_95, %add3A_260 : i32
        %add3A_262 = arith.constant 8 : i32
        %add3A_263 = arith.addi %add3A_261, %add3A_262 : i32
        %sub3A_264 = arith.constant 1 : i32
        %sub3A_265 = arith.subi %add3A_263, %sub3A_264 : i32
        %dma_start3A_266 = arith.constant 0 : i32
        %dma_start3A_267 = tpu.memref_slice %arg6[%sub3A_265, %dma_start3A_266] : memref<80x128xi32, #tpu.memory_space<vmem>> -> memref<1x128xi32, #tpu.memory_space<vmem>>
        %dma_start3A_268 = tpu.memref_squeeze %dma_start3A_267 : memref<1x128xi32, #tpu.memory_space<vmem>> -> memref<128xi32, #tpu.memory_space<vmem>>
        %dma_start3A_269 = arith.constant 0 : i32
        %dma_start3A_270 = arith.constant 0 : i32
        %dma_start3A_271 = tpu.memref_slice %arg2[%dma_start3A_269, %dma_start3A_270] : memref<10240x32xf32, #tpu.memory_space<hbm>> -> memref<10240x32xf32, #tpu.memory_space<hbm>>
        tpu.enqueue_indirect_dma source(%dma_start3A_271 : memref<10240x32xf32, #tpu.memory_space<hbm>>) target(%arg12 : memref<128x32xf32, #tpu.memory_space<vmem>>) offsets(%dma_start3A_268 : memref<128xi32, #tpu.memory_space<vmem>>) semaphore(%arg21 : memref<!tpu.dma_semaphore, #tpu.memory_space<semaphore_mem>>)
      } else {
      }
      %add3A_215 = arith.constant 5 : i32
      %add3A_216 = arith.addi %mul3A_95, %add3A_215 : i32
      "tpu.region"() ({
        %run_scoped3A = tpu.sem_alloc : memref<!tpu.dma_semaphore, #tpu.memory_space<semaphore_mem>>
        %dma_start3A_260 = arith.constant 0 : i32
        %dma_start3A_261 = tpu.memref_slice %arg7[%add3A_216, %dma_start3A_260] : memref<80x128xi32, #tpu.memory_space<vmem>> -> memref<1x128xi32, #tpu.memory_space<vmem>>
        %dma_start3A_262 = tpu.memref_squeeze %dma_start3A_261 : memref<1x128xi32, #tpu.memory_space<vmem>> -> memref<128xi32, #tpu.memory_space<vmem>>
        %dma_start3A_263 = arith.constant 0 : i32
        %dma_start3A_264 = arith.constant 0 : i32
        %dma_start3A_265 = tpu.memref_slice %arg16[%dma_start3A_263, %dma_start3A_264] : memref<10240x32xf32, #tpu.memory_space<vmem_shared>> -> memref<10240x32xf32, #tpu.memory_space<vmem_shared>>
        tpu.enqueue_indirect_dma source(%arg13 : memref<128x32xf32, #tpu.memory_space<vmem>>) target(%dma_start3A_265 : memref<10240x32xf32, #tpu.memory_space<vmem_shared>>) offsets(%dma_start3A_262 : memref<128xi32, #tpu.memory_space<vmem>>) semaphore(%run_scoped3A : memref<!tpu.dma_semaphore, #tpu.memory_space<semaphore_mem>>) {add = true}
        %dma_wait3A_266 = arith.constant 0 : i32
        %dma_wait3A_267 = tpu.memref_slice %arg7[%add3A_216, %dma_wait3A_266] : memref<80x128xi32, #tpu.memory_space<vmem>> -> memref<1x128xi32, #tpu.memory_space<vmem>>
        %dma_wait3A_268 = tpu.memref_squeeze %dma_wait3A_267 : memref<1x128xi32, #tpu.memory_space<vmem>> -> memref<128xi32, #tpu.memory_space<vmem>>
        %dma_wait3A_269 = arith.constant 0 : i32
        %dma_wait3A_270 = arith.constant 0 : i32
        %dma_wait3A_271 = tpu.memref_slice %arg16[%dma_wait3A_269, %dma_wait3A_270] : memref<10240x32xf32, #tpu.memory_space<vmem_shared>> -> memref<10240x32xf32, #tpu.memory_space<vmem_shared>>
        tpu.wait_indirect_dma semaphore(%run_scoped3A : memref<!tpu.dma_semaphore, #tpu.memory_space<semaphore_mem>>) src(%arg13 : memref<128x32xf32, #tpu.memory_space<vmem>>) dst(%dma_wait3A_271 : memref<10240x32xf32, #tpu.memory_space<vmem_shared>>)
        tpu.yield
      }) : () -> ()
      %add3A_217 = arith.constant 6 : i32
      %add3A_218 = arith.addi %mul3A_95, %add3A_217 : i32
      %dma_wait3A_219 = arith.constant 0 : i32
      %dma_wait3A_220 = tpu.memref_slice %arg6[%add3A_218, %dma_wait3A_219] : memref<80x128xi32, #tpu.memory_space<vmem>> -> memref<1x128xi32, #tpu.memory_space<vmem>>
      %dma_wait3A_221 = tpu.memref_squeeze %dma_wait3A_220 : memref<1x128xi32, #tpu.memory_space<vmem>> -> memref<128xi32, #tpu.memory_space<vmem>>
      %dma_wait3A_222 = arith.constant 0 : i32
      %dma_wait3A_223 = arith.constant 0 : i32
      %dma_wait3A_224 = tpu.memref_slice %arg2[%dma_wait3A_222, %dma_wait3A_223] : memref<10240x32xf32, #tpu.memory_space<hbm>> -> memref<10240x32xf32, #tpu.memory_space<hbm>>
      tpu.wait_indirect_dma semaphore(%arg23 : memref<!tpu.dma_semaphore, #tpu.memory_space<semaphore_mem>>) src(%dma_wait3A_224 : memref<10240x32xf32, #tpu.memory_space<hbm>>) dst(%arg14 : memref<128x32xf32, #tpu.memory_space<vmem>>)
      %add3A_225 = arith.constant 6 : i32
      %add3A_226 = arith.addi %mul3A_95, %add3A_225 : i32
      %add3A_227 = arith.constant 8 : i32
      %add3A_228 = arith.addi %add3A_226, %add3A_227 : i32
      %sub3A_229 = arith.constant 1 : i32
      %sub3A_230 = arith.subi %add3A_228, %sub3A_229 : i32
      %lt3A_231 = arith.constant 80 : i32
      %lt3A_232 = arith.cmpi slt, %sub3A_230, %lt3A_231 : i32
      %convert_element_type3A_233 = arith.extui %lt3A_232 : i1 to i32
      %cond3A_234 = arith.constant 0 : i32
      %cond3A_235 = arith.cmpi ne, %convert_element_type3A_233, %cond3A_234 : i32
      scf.if %cond3A_235 {
        %add3A_260 = arith.constant 6 : i32
        %add3A_261 = arith.addi %mul3A_95, %add3A_260 : i32
        %add3A_262 = arith.constant 8 : i32
        %add3A_263 = arith.addi %add3A_261, %add3A_262 : i32
        %sub3A_264 = arith.constant 1 : i32
        %sub3A_265 = arith.subi %add3A_263, %sub3A_264 : i32
        %dma_start3A_266 = arith.constant 0 : i32
        %dma_start3A_267 = tpu.memref_slice %arg6[%sub3A_265, %dma_start3A_266] : memref<80x128xi32, #tpu.memory_space<vmem>> -> memref<1x128xi32, #tpu.memory_space<vmem>>
        %dma_start3A_268 = tpu.memref_squeeze %dma_start3A_267 : memref<1x128xi32, #tpu.memory_space<vmem>> -> memref<128xi32, #tpu.memory_space<vmem>>
        %dma_start3A_269 = arith.constant 0 : i32
        %dma_start3A_270 = arith.constant 0 : i32
        %dma_start3A_271 = tpu.memref_slice %arg2[%dma_start3A_269, %dma_start3A_270] : memref<10240x32xf32, #tpu.memory_space<hbm>> -> memref<10240x32xf32, #tpu.memory_space<hbm>>
        tpu.enqueue_indirect_dma source(%dma_start3A_271 : memref<10240x32xf32, #tpu.memory_space<hbm>>) target(%arg13 : memref<128x32xf32, #tpu.memory_space<vmem>>) offsets(%dma_start3A_268 : memref<128xi32, #tpu.memory_space<vmem>>) semaphore(%arg22 : memref<!tpu.dma_semaphore, #tpu.memory_space<semaphore_mem>>)
      } else {
      }
      %add3A_236 = arith.constant 6 : i32
      %add3A_237 = arith.addi %mul3A_95, %add3A_236 : i32
      "tpu.region"() ({
        %run_scoped3A = tpu.sem_alloc : memref<!tpu.dma_semaphore, #tpu.memory_space<semaphore_mem>>
        %dma_start3A_260 = arith.constant 0 : i32
        %dma_start3A_261 = tpu.memref_slice %arg7[%add3A_237, %dma_start3A_260] : memref<80x128xi32, #tpu.memory_space<vmem>> -> memref<1x128xi32, #tpu.memory_space<vmem>>
        %dma_start3A_262 = tpu.memref_squeeze %dma_start3A_261 : memref<1x128xi32, #tpu.memory_space<vmem>> -> memref<128xi32, #tpu.memory_space<vmem>>
        %dma_start3A_263 = arith.constant 0 : i32
        %dma_start3A_264 = arith.constant 0 : i32
        %dma_start3A_265 = tpu.memref_slice %arg16[%dma_start3A_263, %dma_start3A_264] : memref<10240x32xf32, #tpu.memory_space<vmem_shared>> -> memref<10240x32xf32, #tpu.memory_space<vmem_shared>>
        tpu.enqueue_indirect_dma source(%arg14 : memref<128x32xf32, #tpu.memory_space<vmem>>) target(%dma_start3A_265 : memref<10240x32xf32, #tpu.memory_space<vmem_shared>>) offsets(%dma_start3A_262 : memref<128xi32, #tpu.memory_space<vmem>>) semaphore(%run_scoped3A : memref<!tpu.dma_semaphore, #tpu.memory_space<semaphore_mem>>) {add = true}
        %dma_wait3A_266 = arith.constant 0 : i32
        %dma_wait3A_267 = tpu.memref_slice %arg7[%add3A_237, %dma_wait3A_266] : memref<80x128xi32, #tpu.memory_space<vmem>> -> memref<1x128xi32, #tpu.memory_space<vmem>>
        %dma_wait3A_268 = tpu.memref_squeeze %dma_wait3A_267 : memref<1x128xi32, #tpu.memory_space<vmem>> -> memref<128xi32, #tpu.memory_space<vmem>>
        %dma_wait3A_269 = arith.constant 0 : i32
        %dma_wait3A_270 = arith.constant 0 : i32
        %dma_wait3A_271 = tpu.memref_slice %arg16[%dma_wait3A_269, %dma_wait3A_270] : memref<10240x32xf32, #tpu.memory_space<vmem_shared>> -> memref<10240x32xf32, #tpu.memory_space<vmem_shared>>
        tpu.wait_indirect_dma semaphore(%run_scoped3A : memref<!tpu.dma_semaphore, #tpu.memory_space<semaphore_mem>>) src(%arg14 : memref<128x32xf32, #tpu.memory_space<vmem>>) dst(%dma_wait3A_271 : memref<10240x32xf32, #tpu.memory_space<vmem_shared>>)
        tpu.yield
      }) : () -> ()
      %add3A_238 = arith.constant 7 : i32
      %add3A_239 = arith.addi %mul3A_95, %add3A_238 : i32
      %dma_wait3A_240 = arith.constant 0 : i32
      %dma_wait3A_241 = tpu.memref_slice %arg6[%add3A_239, %dma_wait3A_240] : memref<80x128xi32, #tpu.memory_space<vmem>> -> memref<1x128xi32, #tpu.memory_space<vmem>>
      %dma_wait3A_242 = tpu.memref_squeeze %dma_wait3A_241 : memref<1x128xi32, #tpu.memory_space<vmem>> -> memref<128xi32, #tpu.memory_space<vmem>>
      %dma_wait3A_243 = arith.constant 0 : i32
      %dma_wait3A_244 = arith.constant 0 : i32
      %dma_wait3A_245 = tpu.memref_slice %arg2[%dma_wait3A_243, %dma_wait3A_244] : memref<10240x32xf32, #tpu.memory_space<hbm>> -> memref<10240x32xf32, #tpu.memory_space<hbm>>
      tpu.wait_indirect_dma semaphore(%arg24 : memref<!tpu.dma_semaphore, #tpu.memory_space<semaphore_mem>>) src(%dma_wait3A_245 : memref<10240x32xf32, #tpu.memory_space<hbm>>) dst(%arg15 : memref<128x32xf32, #tpu.memory_space<vmem>>)
      %add3A_246 = arith.constant 7 : i32
      %add3A_247 = arith.addi %mul3A_95, %add3A_246 : i32
      %add3A_248 = arith.constant 8 : i32
      %add3A_249 = arith.addi %add3A_247, %add3A_248 : i32
      %sub3A_250 = arith.constant 1 : i32
      %sub3A_251 = arith.subi %add3A_249, %sub3A_250 : i32
      %lt3A_252 = arith.constant 80 : i32
      %lt3A_253 = arith.cmpi slt, %sub3A_251, %lt3A_252 : i32
      %convert_element_type3A_254 = arith.extui %lt3A_253 : i1 to i32
      %cond3A_255 = arith.constant 0 : i32
      %cond3A_256 = arith.cmpi ne, %convert_element_type3A_254, %cond3A_255 : i32
      scf.if %cond3A_256 {
        %add3A_260 = arith.constant 7 : i32
        %add3A_261 = arith.addi %mul3A_95, %add3A_260 : i32
        %add3A_262 = arith.constant 8 : i32
        %add3A_263 = arith.addi %add3A_261, %add3A_262 : i32
        %sub3A_264 = arith.constant 1 : i32
        %sub3A_265 = arith.subi %add3A_263, %sub3A_264 : i32
        %dma_start3A_266 = arith.constant 0 : i32
        %dma_start3A_267 = tpu.memref_slice %arg6[%sub3A_265, %dma_start3A_266] : memref<80x128xi32, #tpu.memory_space<vmem>> -> memref<1x128xi32, #tpu.memory_space<vmem>>
        %dma_start3A_268 = tpu.memref_squeeze %dma_start3A_267 : memref<1x128xi32, #tpu.memory_space<vmem>> -> memref<128xi32, #tpu.memory_space<vmem>>
        %dma_start3A_269 = arith.constant 0 : i32
        %dma_start3A_270 = arith.constant 0 : i32
        %dma_start3A_271 = tpu.memref_slice %arg2[%dma_start3A_269, %dma_start3A_270] : memref<10240x32xf32, #tpu.memory_space<hbm>> -> memref<10240x32xf32, #tpu.memory_space<hbm>>
        tpu.enqueue_indirect_dma source(%dma_start3A_271 : memref<10240x32xf32, #tpu.memory_space<hbm>>) target(%arg14 : memref<128x32xf32, #tpu.memory_space<vmem>>) offsets(%dma_start3A_268 : memref<128xi32, #tpu.memory_space<vmem>>) semaphore(%arg23 : memref<!tpu.dma_semaphore, #tpu.memory_space<semaphore_mem>>)
      } else {
      }
      %add3A_257 = arith.constant 7 : i32
      %add3A_258 = arith.addi %mul3A_95, %add3A_257 : i32
      "tpu.region"() ({
        %run_scoped3A = tpu.sem_alloc : memref<!tpu.dma_semaphore, #tpu.memory_space<semaphore_mem>>
        %dma_start3A_260 = arith.constant 0 : i32
        %dma_start3A_261 = tpu.memref_slice %arg7[%add3A_258, %dma_start3A_260] : memref<80x128xi32, #tpu.memory_space<vmem>> -> memref<1x128xi32, #tpu.memory_space<vmem>>
        %dma_start3A_262 = tpu.memref_squeeze %dma_start3A_261 : memref<1x128xi32, #tpu.memory_space<vmem>> -> memref<128xi32, #tpu.memory_space<vmem>>
        %dma_start3A_263 = arith.constant 0 : i32
        %dma_start3A_264 = arith.constant 0 : i32
        %dma_start3A_265 = tpu.memref_slice %arg16[%dma_start3A_263, %dma_start3A_264] : memref<10240x32xf32, #tpu.memory_space<vmem_shared>> -> memref<10240x32xf32, #tpu.memory_space<vmem_shared>>
        tpu.enqueue_indirect_dma source(%arg15 : memref<128x32xf32, #tpu.memory_space<vmem>>) target(%dma_start3A_265 : memref<10240x32xf32, #tpu.memory_space<vmem_shared>>) offsets(%dma_start3A_262 : memref<128xi32, #tpu.memory_space<vmem>>) semaphore(%run_scoped3A : memref<!tpu.dma_semaphore, #tpu.memory_space<semaphore_mem>>) {add = true}
        %dma_wait3A_266 = arith.constant 0 : i32
        %dma_wait3A_267 = tpu.memref_slice %arg7[%add3A_258, %dma_wait3A_266] : memref<80x128xi32, #tpu.memory_space<vmem>> -> memref<1x128xi32, #tpu.memory_space<vmem>>
        %dma_wait3A_268 = tpu.memref_squeeze %dma_wait3A_267 : memref<1x128xi32, #tpu.memory_space<vmem>> -> memref<128xi32, #tpu.memory_space<vmem>>
        %dma_wait3A_269 = arith.constant 0 : i32
        %dma_wait3A_270 = arith.constant 0 : i32
        %dma_wait3A_271 = tpu.memref_slice %arg16[%dma_wait3A_269, %dma_wait3A_270] : memref<10240x32xf32, #tpu.memory_space<vmem_shared>> -> memref<10240x32xf32, #tpu.memory_space<vmem_shared>>
        tpu.wait_indirect_dma semaphore(%run_scoped3A : memref<!tpu.dma_semaphore, #tpu.memory_space<semaphore_mem>>) src(%arg15 : memref<128x32xf32, #tpu.memory_space<vmem>>) dst(%dma_wait3A_271 : memref<10240x32xf32, #tpu.memory_space<vmem_shared>>)
        tpu.yield
      }) : () -> ()
      %scan3A_259 = arith.constant 0 : i32
      scf.yield %scan3A_259 : i32
    }
    %scan3A_86 = arith.constant 10 : i32
    %barrier3A_87 = arith.constant 0 : index
    tpu.barrier barrier_id(%barrier3A_87)
    %mul3A_88 = arith.constant 640 : i32
    %mul3A_89 = arith.muli %arg1, %mul3A_88 : i32
    %mul3A_90 = arith.constant 640 : i32
    %mul3A_91 = arith.muli %arg1, %mul3A_90 : i32
    "tpu.region"() ({
      %run_scoped3A = tpu.sem_alloc : memref<!tpu.dma_semaphore, #tpu.memory_space<semaphore_mem>>
      %dma_start3A_92 = arith.constant 0 : i32
      %dma_start3A_93 = tpu.memref_slice %arg5[%arg0, %mul3A_91, %dma_start3A_92] : memref<2x10240x32xf32, #tpu.memory_space<hbm>> -> memref<1x640x32xf32, #tpu.memory_space<hbm>>
      %dma_start3A_94 = tpu.memref_squeeze %dma_start3A_93 : memref<1x640x32xf32, #tpu.memory_space<hbm>> -> memref<640x32xf32, #tpu.memory_space<hbm>>
      %dma_start3A_95 = arith.constant 0 : i32
      %dma_start3A_96 = tpu.memref_slice %arg16[%mul3A_89, %dma_start3A_95] : memref<10240x32xf32, #tpu.memory_space<vmem_shared>> -> memref<640x32xf32, #tpu.memory_space<vmem_shared>>
      tpu.enqueue_dma source(%dma_start3A_96 : memref<640x32xf32, #tpu.memory_space<vmem_shared>>) target(%dma_start3A_94 : memref<640x32xf32, #tpu.memory_space<hbm>>) target_semaphore(%run_scoped3A : memref<!tpu.dma_semaphore, #tpu.memory_space<semaphore_mem>>)
      %dma_wait3A = arith.constant 0 : i32
      %dma_wait3A_97 = tpu.memref_slice %arg5[%arg0, %mul3A_91, %dma_wait3A] : memref<2x10240x32xf32, #tpu.memory_space<hbm>> -> memref<1x640x32xf32, #tpu.memory_space<hbm>>
      %dma_wait3A_98 = tpu.memref_squeeze %dma_wait3A_97 : memref<1x640x32xf32, #tpu.memory_space<hbm>> -> memref<640x32xf32, #tpu.memory_space<hbm>>
      %dma_wait3A_99 = arith.constant 0 : i32
      %dma_wait3A_100 = tpu.memref_slice %arg16[%mul3A_89, %dma_wait3A_99] : memref<10240x32xf32, #tpu.memory_space<vmem_shared>> -> memref<640x32xf32, #tpu.memory_space<vmem_shared>>
      tpu.wait_dma2 semaphore(%run_scoped3A : memref<!tpu.dma_semaphore, #tpu.memory_space<semaphore_mem>>) src(%dma_wait3A_100 : memref<640x32xf32, #tpu.memory_space<vmem_shared>>) dst(%dma_wait3A_98 : memref<640x32xf32, #tpu.memory_space<hbm>>)
      tpu.yield
    }) : () -> ()
    return
  }
}

#map = affine_map<(d0, d1) -> (0, 0)>
#map1 = affine_map<(d0, d1) -> (0, 0, 0)>
module attributes {stable_mosaic.version = 14 : i64} {
  func.func @_deg_kernel(%arg0: i32, %arg1: i32, %arg2: memref<2560x128xi32, #tpu.memory_space<hbm>>, %arg3: memref<2x10240x16xf32, #tpu.memory_space<hbm>>, %arg4: memref<80x128xi32, #tpu.memory_space<vmem>>, %arg5: memref<128x16xf32, #tpu.memory_space<vmem>>, %arg6: memref<10240x16xf32, #tpu.memory_space<vmem_shared>>) attributes {dimension_semantics = [#tpu.dimension_semantics<core_parallel>, #tpu.dimension_semantics<subcore_parallel>], iteration_bounds = array<i64: 2, 16>, scalar_prefetch = 0 : i64, scratch_operands = 3 : i64, tpu.core_type = #tpu.core_type<sc_vector_subcore>, window_params = [{transform_indices = #map}, {transform_indices = #map1}]} {
    %mul3A = arith.constant 2 : i32
    %mul3A_0 = arith.muli %arg1, %mul3A : i32
    %add3A = arith.addi %mul3A_0, %arg0 : i32
    %mul3A_1 = arith.constant 80 : i32
    %mul3A_2 = arith.muli %add3A, %mul3A_1 : i32
    "tpu.region"() ({
      %run_scoped3A = tpu.sem_alloc : memref<!tpu.dma_semaphore, #tpu.memory_space<semaphore_mem>>
      %dma_start3A = arith.constant 0 : i32
      %dma_start3A_51 = tpu.memref_slice %arg2[%mul3A_2, %dma_start3A] : memref<2560x128xi32, #tpu.memory_space<hbm>> -> memref<80x128xi32, #tpu.memory_space<hbm>>
      %dma_start3A_52 = arith.constant 0 : i32
      %dma_start3A_53 = tpu.memref_slice %arg2[%mul3A_2, %dma_start3A_52] : memref<2560x128xi32, #tpu.memory_space<hbm>> -> memref<80x128xi32, #tpu.memory_space<hbm>>
      tpu.enqueue_dma source(%dma_start3A_53 : memref<80x128xi32, #tpu.memory_space<hbm>>) target(%arg4 : memref<80x128xi32, #tpu.memory_space<vmem>>) target_semaphore(%run_scoped3A : memref<!tpu.dma_semaphore, #tpu.memory_space<semaphore_mem>>)
      %dma_wait3A = arith.constant 0 : i32
      %dma_wait3A_54 = tpu.memref_slice %arg2[%mul3A_2, %dma_wait3A] : memref<2560x128xi32, #tpu.memory_space<hbm>> -> memref<80x128xi32, #tpu.memory_space<hbm>>
      %dma_wait3A_55 = arith.constant 0 : i32
      %dma_wait3A_56 = tpu.memref_slice %arg2[%mul3A_2, %dma_wait3A_55] : memref<2560x128xi32, #tpu.memory_space<hbm>> -> memref<80x128xi32, #tpu.memory_space<hbm>>
      tpu.wait_dma2 semaphore(%run_scoped3A : memref<!tpu.dma_semaphore, #tpu.memory_space<semaphore_mem>>) src(%dma_wait3A_56 : memref<80x128xi32, #tpu.memory_space<hbm>>) dst(%arg4 : memref<80x128xi32, #tpu.memory_space<vmem>>)
      tpu.yield
    }) : () -> ()
    %broadcast_in_dim3A = arith.constant 1.000000e+00 : f32
    %broadcast_in_dim3A_3 = vector.broadcast %broadcast_in_dim3A : f32 to vector<16xf32>
    %broadcast_in_dim3A_4 = arith.constant 0.000000e+00 : f32
    %broadcast_in_dim3A_5 = vector.broadcast %broadcast_in_dim3A_4 : f32 to vector<16xf32>
    %scan3A = arith.constant 0 : i32
    %scan3A_6 = arith.constant 0 : i32
    %scan3A_7 = arith.constant 128 : i32
    %scan3A_8 = arith.addi %scan3A_6, %scan3A_7 : i32
    %scan3A_9 = arith.constant 1 : i32
    %scan3A_10 = scf.for %scan3A_51 = %scan3A_6 to %scan3A_8 step %scan3A_9 iter_args(%scan3A_52 = %scan3A) -> (i32)  : i32 {
      %swap3A = arith.index_cast %scan3A_51 : i32 to index
      %swap3A_53 = arith.constant 0 : index
      %swap3A_54 = tpu.vector_load %arg5[%swap3A, %swap3A_53] {strides = array<i32>} : memref<128x16xf32, #tpu.memory_space<vmem>>, vector<1x16xf32>,
      %swap3A_55 = vector.shape_cast %swap3A_54 : vector<1x16xf32> to vector<16xf32>
      %swap3A_56 = vector.shape_cast %broadcast_in_dim3A_5 : vector<16xf32> to vector<1x16xf32>
      tpu.vector_store %arg5[%swap3A, %swap3A_53], %swap3A_56 {strides = array<i32>} : memref<128x16xf32, #tpu.memory_space<vmem>>, vector<1x16xf32>,
      %scan3A_57 = arith.constant 0 : i32
      scf.yield %scan3A_57 : i32
    }
    %scan3A_11 = arith.constant 128 : i32
    %mul3A_12 = arith.constant 640 : i32
    %mul3A_13 = arith.muli %arg1, %mul3A_12 : i32
    %add3A_14 = arith.constant 0 : i32
    %add3A_15 = arith.addi %mul3A_13, %add3A_14 : i32
    "tpu.region"() ({
      %run_scoped3A = tpu.sem_alloc : memref<!tpu.dma_semaphore, #tpu.memory_space<semaphore_mem>>
      %dma_start3A = arith.constant 0 : i32
      %dma_start3A_51 = tpu.memref_slice %arg6[%add3A_15, %dma_start3A] : memref<10240x16xf32, #tpu.memory_space<vmem_shared>> -> memref<128x16xf32, #tpu.memory_space<vmem_shared>>
      %dma_start3A_52 = arith.constant 0 : i32
      %dma_start3A_53 = tpu.memref_slice %arg6[%add3A_15, %dma_start3A_52] : memref<10240x16xf32, #tpu.memory_space<vmem_shared>> -> memref<128x16xf32, #tpu.memory_space<vmem_shared>>
      tpu.enqueue_dma source(%arg5 : memref<128x16xf32, #tpu.memory_space<vmem>>) target(%dma_start3A_53 : memref<128x16xf32, #tpu.memory_space<vmem_shared>>) target_semaphore(%run_scoped3A : memref<!tpu.dma_semaphore, #tpu.memory_space<semaphore_mem>>)
      %dma_wait3A = arith.constant 0 : i32
      %dma_wait3A_54 = tpu.memref_slice %arg6[%add3A_15, %dma_wait3A] : memref<10240x16xf32, #tpu.memory_space<vmem_shared>> -> memref<128x16xf32, #tpu.memory_space<vmem_shared>>
      %dma_wait3A_55 = arith.constant 0 : i32
      %dma_wait3A_56 = tpu.memref_slice %arg6[%add3A_15, %dma_wait3A_55] : memref<10240x16xf32, #tpu.memory_space<vmem_shared>> -> memref<128x16xf32, #tpu.memory_space<vmem_shared>>
      tpu.wait_dma2 semaphore(%run_scoped3A : memref<!tpu.dma_semaphore, #tpu.memory_space<semaphore_mem>>) src(%arg5 : memref<128x16xf32, #tpu.memory_space<vmem>>) dst(%dma_wait3A_56 : memref<128x16xf32, #tpu.memory_space<vmem_shared>>)
      tpu.yield
    }) : () -> ()
    %mul3A_16 = arith.constant 640 : i32
    %mul3A_17 = arith.muli %arg1, %mul3A_16 : i32
    %add3A_18 = arith.constant 128 : i32
    %add3A_19 = arith.addi %mul3A_17, %add3A_18 : i32
    "tpu.region"() ({
      %run_scoped3A = tpu.sem_alloc : memref<!tpu.dma_semaphore, #tpu.memory_space<semaphore_mem>>
      %dma_start3A = arith.constant 0 : i32
      %dma_start3A_51 = tpu.memref_slice %arg6[%add3A_19, %dma_start3A] : memref<10240x16xf32, #tpu.memory_space<vmem_shared>> -> memref<128x16xf32, #tpu.memory_space<vmem_shared>>
      %dma_start3A_52 = arith.constant 0 : i32
      %dma_start3A_53 = tpu.memref_slice %arg6[%add3A_19, %dma_start3A_52] : memref<10240x16xf32, #tpu.memory_space<vmem_shared>> -> memref<128x16xf32, #tpu.memory_space<vmem_shared>>
      tpu.enqueue_dma source(%arg5 : memref<128x16xf32, #tpu.memory_space<vmem>>) target(%dma_start3A_53 : memref<128x16xf32, #tpu.memory_space<vmem_shared>>) target_semaphore(%run_scoped3A : memref<!tpu.dma_semaphore, #tpu.memory_space<semaphore_mem>>)
      %dma_wait3A = arith.constant 0 : i32
      %dma_wait3A_54 = tpu.memref_slice %arg6[%add3A_19, %dma_wait3A] : memref<10240x16xf32, #tpu.memory_space<vmem_shared>> -> memref<128x16xf32, #tpu.memory_space<vmem_shared>>
      %dma_wait3A_55 = arith.constant 0 : i32
      %dma_wait3A_56 = tpu.memref_slice %arg6[%add3A_19, %dma_wait3A_55] : memref<10240x16xf32, #tpu.memory_space<vmem_shared>> -> memref<128x16xf32, #tpu.memory_space<vmem_shared>>
      tpu.wait_dma2 semaphore(%run_scoped3A : memref<!tpu.dma_semaphore, #tpu.memory_space<semaphore_mem>>) src(%arg5 : memref<128x16xf32, #tpu.memory_space<vmem>>) dst(%dma_wait3A_56 : memref<128x16xf32, #tpu.memory_space<vmem_shared>>)
      tpu.yield
    }) : () -> ()
    %mul3A_20 = arith.constant 640 : i32
    %mul3A_21 = arith.muli %arg1, %mul3A_20 : i32
    %add3A_22 = arith.constant 256 : i32
    %add3A_23 = arith.addi %mul3A_21, %add3A_22 : i32
    "tpu.region"() ({
      %run_scoped3A = tpu.sem_alloc : memref<!tpu.dma_semaphore, #tpu.memory_space<semaphore_mem>>
      %dma_start3A = arith.constant 0 : i32
      %dma_start3A_51 = tpu.memref_slice %arg6[%add3A_23, %dma_start3A] : memref<10240x16xf32, #tpu.memory_space<vmem_shared>> -> memref<128x16xf32, #tpu.memory_space<vmem_shared>>
      %dma_start3A_52 = arith.constant 0 : i32
      %dma_start3A_53 = tpu.memref_slice %arg6[%add3A_23, %dma_start3A_52] : memref<10240x16xf32, #tpu.memory_space<vmem_shared>> -> memref<128x16xf32, #tpu.memory_space<vmem_shared>>
      tpu.enqueue_dma source(%arg5 : memref<128x16xf32, #tpu.memory_space<vmem>>) target(%dma_start3A_53 : memref<128x16xf32, #tpu.memory_space<vmem_shared>>) target_semaphore(%run_scoped3A : memref<!tpu.dma_semaphore, #tpu.memory_space<semaphore_mem>>)
      %dma_wait3A = arith.constant 0 : i32
      %dma_wait3A_54 = tpu.memref_slice %arg6[%add3A_23, %dma_wait3A] : memref<10240x16xf32, #tpu.memory_space<vmem_shared>> -> memref<128x16xf32, #tpu.memory_space<vmem_shared>>
      %dma_wait3A_55 = arith.constant 0 : i32
      %dma_wait3A_56 = tpu.memref_slice %arg6[%add3A_23, %dma_wait3A_55] : memref<10240x16xf32, #tpu.memory_space<vmem_shared>> -> memref<128x16xf32, #tpu.memory_space<vmem_shared>>
      tpu.wait_dma2 semaphore(%run_scoped3A : memref<!tpu.dma_semaphore, #tpu.memory_space<semaphore_mem>>) src(%arg5 : memref<128x16xf32, #tpu.memory_space<vmem>>) dst(%dma_wait3A_56 : memref<128x16xf32, #tpu.memory_space<vmem_shared>>)
      tpu.yield
    }) : () -> ()
    %mul3A_24 = arith.constant 640 : i32
    %mul3A_25 = arith.muli %arg1, %mul3A_24 : i32
    %add3A_26 = arith.constant 384 : i32
    %add3A_27 = arith.addi %mul3A_25, %add3A_26 : i32
    "tpu.region"() ({
      %run_scoped3A = tpu.sem_alloc : memref<!tpu.dma_semaphore, #tpu.memory_space<semaphore_mem>>
      %dma_start3A = arith.constant 0 : i32
      %dma_start3A_51 = tpu.memref_slice %arg6[%add3A_27, %dma_start3A] : memref<10240x16xf32, #tpu.memory_space<vmem_shared>> -> memref<128x16xf32, #tpu.memory_space<vmem_shared>>
      %dma_start3A_52 = arith.constant 0 : i32
      %dma_start3A_53 = tpu.memref_slice %arg6[%add3A_27, %dma_start3A_52] : memref<10240x16xf32, #tpu.memory_space<vmem_shared>> -> memref<128x16xf32, #tpu.memory_space<vmem_shared>>
      tpu.enqueue_dma source(%arg5 : memref<128x16xf32, #tpu.memory_space<vmem>>) target(%dma_start3A_53 : memref<128x16xf32, #tpu.memory_space<vmem_shared>>) target_semaphore(%run_scoped3A : memref<!tpu.dma_semaphore, #tpu.memory_space<semaphore_mem>>)
      %dma_wait3A = arith.constant 0 : i32
      %dma_wait3A_54 = tpu.memref_slice %arg6[%add3A_27, %dma_wait3A] : memref<10240x16xf32, #tpu.memory_space<vmem_shared>> -> memref<128x16xf32, #tpu.memory_space<vmem_shared>>
      %dma_wait3A_55 = arith.constant 0 : i32
      %dma_wait3A_56 = tpu.memref_slice %arg6[%add3A_27, %dma_wait3A_55] : memref<10240x16xf32, #tpu.memory_space<vmem_shared>> -> memref<128x16xf32, #tpu.memory_space<vmem_shared>>
      tpu.wait_dma2 semaphore(%run_scoped3A : memref<!tpu.dma_semaphore, #tpu.memory_space<semaphore_mem>>) src(%arg5 : memref<128x16xf32, #tpu.memory_space<vmem>>) dst(%dma_wait3A_56 : memref<128x16xf32, #tpu.memory_space<vmem_shared>>)
      tpu.yield
    }) : () -> ()
    %mul3A_28 = arith.constant 640 : i32
    %mul3A_29 = arith.muli %arg1, %mul3A_28 : i32
    %add3A_30 = arith.constant 512 : i32
    %add3A_31 = arith.addi %mul3A_29, %add3A_30 : i32
    "tpu.region"() ({
      %run_scoped3A = tpu.sem_alloc : memref<!tpu.dma_semaphore, #tpu.memory_space<semaphore_mem>>
      %dma_start3A = arith.constant 0 : i32
      %dma_start3A_51 = tpu.memref_slice %arg6[%add3A_31, %dma_start3A] : memref<10240x16xf32, #tpu.memory_space<vmem_shared>> -> memref<128x16xf32, #tpu.memory_space<vmem_shared>>
      %dma_start3A_52 = arith.constant 0 : i32
      %dma_start3A_53 = tpu.memref_slice %arg6[%add3A_31, %dma_start3A_52] : memref<10240x16xf32, #tpu.memory_space<vmem_shared>> -> memref<128x16xf32, #tpu.memory_space<vmem_shared>>
      tpu.enqueue_dma source(%arg5 : memref<128x16xf32, #tpu.memory_space<vmem>>) target(%dma_start3A_53 : memref<128x16xf32, #tpu.memory_space<vmem_shared>>) target_semaphore(%run_scoped3A : memref<!tpu.dma_semaphore, #tpu.memory_space<semaphore_mem>>)
      %dma_wait3A = arith.constant 0 : i32
      %dma_wait3A_54 = tpu.memref_slice %arg6[%add3A_31, %dma_wait3A] : memref<10240x16xf32, #tpu.memory_space<vmem_shared>> -> memref<128x16xf32, #tpu.memory_space<vmem_shared>>
      %dma_wait3A_55 = arith.constant 0 : i32
      %dma_wait3A_56 = tpu.memref_slice %arg6[%add3A_31, %dma_wait3A_55] : memref<10240x16xf32, #tpu.memory_space<vmem_shared>> -> memref<128x16xf32, #tpu.memory_space<vmem_shared>>
      tpu.wait_dma2 semaphore(%run_scoped3A : memref<!tpu.dma_semaphore, #tpu.memory_space<semaphore_mem>>) src(%arg5 : memref<128x16xf32, #tpu.memory_space<vmem>>) dst(%dma_wait3A_56 : memref<128x16xf32, #tpu.memory_space<vmem_shared>>)
      tpu.yield
    }) : () -> ()
    %scan3A_32 = arith.constant 0 : i32
    %scan3A_33 = arith.constant 0 : i32
    %scan3A_34 = arith.constant 128 : i32
    %scan3A_35 = arith.addi %scan3A_33, %scan3A_34 : i32
    %scan3A_36 = arith.constant 1 : i32
    %scan3A_37 = scf.for %scan3A_51 = %scan3A_33 to %scan3A_35 step %scan3A_36 iter_args(%scan3A_52 = %scan3A_32) -> (i32)  : i32 {
      %swap3A = arith.index_cast %scan3A_51 : i32 to index
      %swap3A_53 = arith.constant 0 : index
      %swap3A_54 = tpu.vector_load %arg5[%swap3A, %swap3A_53] {strides = array<i32>} : memref<128x16xf32, #tpu.memory_space<vmem>>, vector<1x16xf32>,
      %swap3A_55 = vector.shape_cast %swap3A_54 : vector<1x16xf32> to vector<16xf32>
      %swap3A_56 = vector.shape_cast %broadcast_in_dim3A_3 : vector<16xf32> to vector<1x16xf32>
      tpu.vector_store %arg5[%swap3A, %swap3A_53], %swap3A_56 {strides = array<i32>} : memref<128x16xf32, #tpu.memory_space<vmem>>, vector<1x16xf32>,
      %scan3A_57 = arith.constant 0 : i32
      scf.yield %scan3A_57 : i32
    }
    %scan3A_38 = arith.constant 128 : i32
    %barrier3A = arith.constant 0 : index
    tpu.barrier barrier_id(%barrier3A)
    %scan3A_39 = arith.constant 0 : i32
    %scan3A_40 = arith.constant 0 : i32
    %scan3A_41 = arith.constant 80 : i32
    %scan3A_42 = arith.addi %scan3A_40, %scan3A_41 : i32
    %scan3A_43 = arith.constant 1 : i32
    %scan3A_44 = scf.for %scan3A_51 = %scan3A_40 to %scan3A_42 step %scan3A_43 iter_args(%scan3A_52 = %scan3A_39) -> (i32)  : i32 {
      "tpu.region"() ({
        %run_scoped3A = tpu.sem_alloc : memref<!tpu.dma_semaphore, #tpu.memory_space<semaphore_mem>>
        %dma_start3A = arith.constant 0 : i32
        %dma_start3A_54 = tpu.memref_slice %arg4[%scan3A_51, %dma_start3A] : memref<80x128xi32, #tpu.memory_space<vmem>> -> memref<1x128xi32, #tpu.memory_space<vmem>>
        %dma_start3A_55 = tpu.memref_squeeze %dma_start3A_54 : memref<1x128xi32, #tpu.memory_space<vmem>> -> memref<128xi32, #tpu.memory_space<vmem>>
        %dma_start3A_56 = arith.constant 0 : i32
        %dma_start3A_57 = arith.constant 0 : i32
        %dma_start3A_58 = tpu.memref_slice %arg6[%dma_start3A_56, %dma_start3A_57] : memref<10240x16xf32, #tpu.memory_space<vmem_shared>> -> memref<10240x16xf32, #tpu.memory_space<vmem_shared>>
        tpu.enqueue_indirect_dma source(%arg5 : memref<128x16xf32, #tpu.memory_space<vmem>>) target(%dma_start3A_58 : memref<10240x16xf32, #tpu.memory_space<vmem_shared>>) offsets(%dma_start3A_55 : memref<128xi32, #tpu.memory_space<vmem>>) semaphore(%run_scoped3A : memref<!tpu.dma_semaphore, #tpu.memory_space<semaphore_mem>>) {add = true}
        %dma_wait3A = arith.constant 0 : i32
        %dma_wait3A_59 = tpu.memref_slice %arg4[%scan3A_51, %dma_wait3A] : memref<80x128xi32, #tpu.memory_space<vmem>> -> memref<1x128xi32, #tpu.memory_space<vmem>>
        %dma_wait3A_60 = tpu.memref_squeeze %dma_wait3A_59 : memref<1x128xi32, #tpu.memory_space<vmem>> -> memref<128xi32, #tpu.memory_space<vmem>>
        %dma_wait3A_61 = arith.constant 0 : i32
        %dma_wait3A_62 = arith.constant 0 : i32
        %dma_wait3A_63 = tpu.memref_slice %arg6[%dma_wait3A_61, %dma_wait3A_62] : memref<10240x16xf32, #tpu.memory_space<vmem_shared>> -> memref<10240x16xf32, #tpu.memory_space<vmem_shared>>
        tpu.wait_indirect_dma semaphore(%run_scoped3A : memref<!tpu.dma_semaphore, #tpu.memory_space<semaphore_mem>>) src(%arg5 : memref<128x16xf32, #tpu.memory_space<vmem>>) dst(%dma_wait3A_63 : memref<10240x16xf32, #tpu.memory_space<vmem_shared>>)
        tpu.yield
      }) : () -> ()
      %scan3A_53 = arith.constant 0 : i32
      scf.yield %scan3A_53 : i32
    }
    %scan3A_45 = arith.constant 80 : i32
    %barrier3A_46 = arith.constant 0 : index
    tpu.barrier barrier_id(%barrier3A_46)
    %mul3A_47 = arith.constant 640 : i32
    %mul3A_48 = arith.muli %arg1, %mul3A_47 : i32
    %mul3A_49 = arith.constant 640 : i32
    %mul3A_50 = arith.muli %arg1, %mul3A_49 : i32
    "tpu.region"() ({
      %run_scoped3A = tpu.sem_alloc : memref<!tpu.dma_semaphore, #tpu.memory_space<semaphore_mem>>
      %dma_start3A = arith.constant 0 : i32
      %dma_start3A_51 = tpu.memref_slice %arg3[%arg0, %mul3A_50, %dma_start3A] : memref<2x10240x16xf32, #tpu.memory_space<hbm>> -> memref<1x640x16xf32, #tpu.memory_space<hbm>>
      %dma_start3A_52 = tpu.memref_squeeze %dma_start3A_51 : memref<1x640x16xf32, #tpu.memory_space<hbm>> -> memref<640x16xf32, #tpu.memory_space<hbm>>
      %dma_start3A_53 = arith.constant 0 : i32
      %dma_start3A_54 = tpu.memref_slice %arg6[%mul3A_48, %dma_start3A_53] : memref<10240x16xf32, #tpu.memory_space<vmem_shared>> -> memref<640x16xf32, #tpu.memory_space<vmem_shared>>
      tpu.enqueue_dma source(%dma_start3A_54 : memref<640x16xf32, #tpu.memory_space<vmem_shared>>) target(%dma_start3A_52 : memref<640x16xf32, #tpu.memory_space<hbm>>) target_semaphore(%run_scoped3A : memref<!tpu.dma_semaphore, #tpu.memory_space<semaphore_mem>>)
      %dma_wait3A = arith.constant 0 : i32
      %dma_wait3A_55 = tpu.memref_slice %arg3[%arg0, %mul3A_50, %dma_wait3A] : memref<2x10240x16xf32, #tpu.memory_space<hbm>> -> memref<1x640x16xf32, #tpu.memory_space<hbm>>
      %dma_wait3A_56 = tpu.memref_squeeze %dma_wait3A_55 : memref<1x640x16xf32, #tpu.memory_space<hbm>> -> memref<640x16xf32, #tpu.memory_space<hbm>>
      %dma_wait3A_57 = arith.constant 0 : i32
      %dma_wait3A_58 = tpu.memref_slice %arg6[%mul3A_48, %dma_wait3A_57] : memref<10240x16xf32, #tpu.memory_space<vmem_shared>> -> memref<640x16xf32, #tpu.memory_space<vmem_shared>>
      tpu.wait_dma2 semaphore(%run_scoped3A : memref<!tpu.dma_semaphore, #tpu.memory_space<semaphore_mem>>) src(%dma_wait3A_58 : memref<640x16xf32, #tpu.memory_space<vmem_shared>>) dst(%dma_wait3A_56 : memref<640x16xf32, #tpu.memory_space<hbm>>)
      tpu.yield
    }) : () -> ()
    return
  }
}

#map = affine_map<(d0, d1) -> (0, 0)>
#map1 = affine_map<(d0, d1) -> (0, 0, 0)>
module attributes {stable_mosaic.version = 14 : i64} {
  func.func @_agg(%arg0: i32, %arg1: i32, %arg2: memref<10240x16xf32, #tpu.memory_space<hbm>>, %arg3: memref<2560x128xi32, #tpu.memory_space<hbm>>, %arg4: memref<2560x128xi32, #tpu.memory_space<hbm>>, %arg5: memref<2x10240x16xf32, #tpu.memory_space<hbm>>, %arg6: memref<80x128xi32, #tpu.memory_space<vmem>>, %arg7: memref<80x128xi32, #tpu.memory_space<vmem>>, %arg8: memref<128x16xf32, #tpu.memory_space<vmem>>, %arg9: memref<128x16xf32, #tpu.memory_space<vmem>>, %arg10: memref<128x16xf32, #tpu.memory_space<vmem>>, %arg11: memref<128x16xf32, #tpu.memory_space<vmem>>, %arg12: memref<128x16xf32, #tpu.memory_space<vmem>>, %arg13: memref<128x16xf32, #tpu.memory_space<vmem>>, %arg14: memref<128x16xf32, #tpu.memory_space<vmem>>, %arg15: memref<128x16xf32, #tpu.memory_space<vmem>>, %arg16: memref<10240x16xf32, #tpu.memory_space<vmem_shared>>, %arg17: memref<!tpu.dma_semaphore, #tpu.memory_space<semaphore_mem>>, %arg18: memref<!tpu.dma_semaphore, #tpu.memory_space<semaphore_mem>>, %arg19: memref<!tpu.dma_semaphore, #tpu.memory_space<semaphore_mem>>, %arg20: memref<!tpu.dma_semaphore, #tpu.memory_space<semaphore_mem>>, %arg21: memref<!tpu.dma_semaphore, #tpu.memory_space<semaphore_mem>>, %arg22: memref<!tpu.dma_semaphore, #tpu.memory_space<semaphore_mem>>, %arg23: memref<!tpu.dma_semaphore, #tpu.memory_space<semaphore_mem>>, %arg24: memref<!tpu.dma_semaphore, #tpu.memory_space<semaphore_mem>>) attributes {dimension_semantics = [#tpu.dimension_semantics<core_parallel>, #tpu.dimension_semantics<subcore_parallel>], iteration_bounds = array<i64: 2, 16>, scalar_prefetch = 0 : i64, scratch_operands = 19 : i64, tpu.core_type = #tpu.core_type<sc_vector_subcore>, window_params = [{transform_indices = #map}, {transform_indices = #map}, {transform_indices = #map}, {transform_indices = #map1}]} {
    %mul3A = arith.constant 2 : i32
    %mul3A_0 = arith.muli %arg1, %mul3A : i32
    %add3A = arith.addi %mul3A_0, %arg0 : i32
    %mul3A_1 = arith.constant 80 : i32
    %mul3A_2 = arith.muli %add3A, %mul3A_1 : i32
    "tpu.region"() ({
      %run_scoped3A = tpu.sem_alloc : memref<!tpu.dma_semaphore, #tpu.memory_space<semaphore_mem>>
      %dma_start3A_92 = arith.constant 0 : i32
      %dma_start3A_93 = tpu.memref_slice %arg3[%mul3A_2, %dma_start3A_92] : memref<2560x128xi32, #tpu.memory_space<hbm>> -> memref<80x128xi32, #tpu.memory_space<hbm>>
      %dma_start3A_94 = arith.constant 0 : i32
      %dma_start3A_95 = tpu.memref_slice %arg3[%mul3A_2, %dma_start3A_94] : memref<2560x128xi32, #tpu.memory_space<hbm>> -> memref<80x128xi32, #tpu.memory_space<hbm>>
      tpu.enqueue_dma source(%dma_start3A_95 : memref<80x128xi32, #tpu.memory_space<hbm>>) target(%arg6 : memref<80x128xi32, #tpu.memory_space<vmem>>) target_semaphore(%run_scoped3A : memref<!tpu.dma_semaphore, #tpu.memory_space<semaphore_mem>>)
      %dma_wait3A = arith.constant 0 : i32
      %dma_wait3A_96 = tpu.memref_slice %arg3[%mul3A_2, %dma_wait3A] : memref<2560x128xi32, #tpu.memory_space<hbm>> -> memref<80x128xi32, #tpu.memory_space<hbm>>
      %dma_wait3A_97 = arith.constant 0 : i32
      %dma_wait3A_98 = tpu.memref_slice %arg3[%mul3A_2, %dma_wait3A_97] : memref<2560x128xi32, #tpu.memory_space<hbm>> -> memref<80x128xi32, #tpu.memory_space<hbm>>
      tpu.wait_dma2 semaphore(%run_scoped3A : memref<!tpu.dma_semaphore, #tpu.memory_space<semaphore_mem>>) src(%dma_wait3A_98 : memref<80x128xi32, #tpu.memory_space<hbm>>) dst(%arg6 : memref<80x128xi32, #tpu.memory_space<vmem>>)
      tpu.yield
    }) : () -> ()
    %mul3A_3 = arith.constant 80 : i32
    %mul3A_4 = arith.muli %add3A, %mul3A_3 : i32
    "tpu.region"() ({
      %run_scoped3A = tpu.sem_alloc : memref<!tpu.dma_semaphore, #tpu.memory_space<semaphore_mem>>
      %dma_start3A_92 = arith.constant 0 : i32
      %dma_start3A_93 = tpu.memref_slice %arg4[%mul3A_4, %dma_start3A_92] : memref<2560x128xi32, #tpu.memory_space<hbm>> -> memref<80x128xi32, #tpu.memory_space<hbm>>
      %dma_start3A_94 = arith.constant 0 : i32
      %dma_start3A_95 = tpu.memref_slice %arg4[%mul3A_4, %dma_start3A_94] : memref<2560x128xi32, #tpu.memory_space<hbm>> -> memref<80x128xi32, #tpu.memory_space<hbm>>
      tpu.enqueue_dma source(%dma_start3A_95 : memref<80x128xi32, #tpu.memory_space<hbm>>) target(%arg7 : memref<80x128xi32, #tpu.memory_space<vmem>>) target_semaphore(%run_scoped3A : memref<!tpu.dma_semaphore, #tpu.memory_space<semaphore_mem>>)
      %dma_wait3A = arith.constant 0 : i32
      %dma_wait3A_96 = tpu.memref_slice %arg4[%mul3A_4, %dma_wait3A] : memref<2560x128xi32, #tpu.memory_space<hbm>> -> memref<80x128xi32, #tpu.memory_space<hbm>>
      %dma_wait3A_97 = arith.constant 0 : i32
      %dma_wait3A_98 = tpu.memref_slice %arg4[%mul3A_4, %dma_wait3A_97] : memref<2560x128xi32, #tpu.memory_space<hbm>> -> memref<80x128xi32, #tpu.memory_space<hbm>>
      tpu.wait_dma2 semaphore(%run_scoped3A : memref<!tpu.dma_semaphore, #tpu.memory_space<semaphore_mem>>) src(%dma_wait3A_98 : memref<80x128xi32, #tpu.memory_space<hbm>>) dst(%arg7 : memref<80x128xi32, #tpu.memory_space<vmem>>)
      tpu.yield
    }) : () -> ()
    %broadcast_in_dim3A = arith.constant 0.000000e+00 : f32
    %broadcast_in_dim3A_5 = vector.broadcast %broadcast_in_dim3A : f32 to vector<16xf32>
    %scan3A = arith.constant 0 : i32
    %scan3A_6 = arith.constant 0 : i32
    %scan3A_7 = arith.constant 128 : i32
    %scan3A_8 = arith.addi %scan3A_6, %scan3A_7 : i32
    %scan3A_9 = arith.constant 1 : i32
    %scan3A_10 = scf.for %scan3A_92 = %scan3A_6 to %scan3A_8 step %scan3A_9 iter_args(%scan3A_93 = %scan3A) -> (i32)  : i32 {
      %swap3A = arith.index_cast %scan3A_92 : i32 to index
      %swap3A_94 = arith.constant 0 : index
      %swap3A_95 = tpu.vector_load %arg8[%swap3A, %swap3A_94] {strides = array<i32>} : memref<128x16xf32, #tpu.memory_space<vmem>>, vector<1x16xf32>,
      %swap3A_96 = vector.shape_cast %swap3A_95 : vector<1x16xf32> to vector<16xf32>
      %swap3A_97 = vector.shape_cast %broadcast_in_dim3A_5 : vector<16xf32> to vector<1x16xf32>
      tpu.vector_store %arg8[%swap3A, %swap3A_94], %swap3A_97 {strides = array<i32>} : memref<128x16xf32, #tpu.memory_space<vmem>>, vector<1x16xf32>,
      %scan3A_98 = arith.constant 0 : i32
      scf.yield %scan3A_98 : i32
    }
    %scan3A_11 = arith.constant 128 : i32
    %mul3A_12 = arith.constant 640 : i32
    %mul3A_13 = arith.muli %arg1, %mul3A_12 : i32
    %add3A_14 = arith.constant 0 : i32
    %add3A_15 = arith.addi %mul3A_13, %add3A_14 : i32
    "tpu.region"() ({
      %run_scoped3A = tpu.sem_alloc : memref<!tpu.dma_semaphore, #tpu.memory_space<semaphore_mem>>
      %dma_start3A_92 = arith.constant 0 : i32
      %dma_start3A_93 = tpu.memref_slice %arg16[%add3A_15, %dma_start3A_92] : memref<10240x16xf32, #tpu.memory_space<vmem_shared>> -> memref<128x16xf32, #tpu.memory_space<vmem_shared>>
      %dma_start3A_94 = arith.constant 0 : i32
      %dma_start3A_95 = tpu.memref_slice %arg16[%add3A_15, %dma_start3A_94] : memref<10240x16xf32, #tpu.memory_space<vmem_shared>> -> memref<128x16xf32, #tpu.memory_space<vmem_shared>>
      tpu.enqueue_dma source(%arg8 : memref<128x16xf32, #tpu.memory_space<vmem>>) target(%dma_start3A_95 : memref<128x16xf32, #tpu.memory_space<vmem_shared>>) target_semaphore(%run_scoped3A : memref<!tpu.dma_semaphore, #tpu.memory_space<semaphore_mem>>)
      %dma_wait3A = arith.constant 0 : i32
      %dma_wait3A_96 = tpu.memref_slice %arg16[%add3A_15, %dma_wait3A] : memref<10240x16xf32, #tpu.memory_space<vmem_shared>> -> memref<128x16xf32, #tpu.memory_space<vmem_shared>>
      %dma_wait3A_97 = arith.constant 0 : i32
      %dma_wait3A_98 = tpu.memref_slice %arg16[%add3A_15, %dma_wait3A_97] : memref<10240x16xf32, #tpu.memory_space<vmem_shared>> -> memref<128x16xf32, #tpu.memory_space<vmem_shared>>
      tpu.wait_dma2 semaphore(%run_scoped3A : memref<!tpu.dma_semaphore, #tpu.memory_space<semaphore_mem>>) src(%arg8 : memref<128x16xf32, #tpu.memory_space<vmem>>) dst(%dma_wait3A_98 : memref<128x16xf32, #tpu.memory_space<vmem_shared>>)
      tpu.yield
    }) : () -> ()
    %mul3A_16 = arith.constant 640 : i32
    %mul3A_17 = arith.muli %arg1, %mul3A_16 : i32
    %add3A_18 = arith.constant 128 : i32
    %add3A_19 = arith.addi %mul3A_17, %add3A_18 : i32
    "tpu.region"() ({
      %run_scoped3A = tpu.sem_alloc : memref<!tpu.dma_semaphore, #tpu.memory_space<semaphore_mem>>
      %dma_start3A_92 = arith.constant 0 : i32
      %dma_start3A_93 = tpu.memref_slice %arg16[%add3A_19, %dma_start3A_92] : memref<10240x16xf32, #tpu.memory_space<vmem_shared>> -> memref<128x16xf32, #tpu.memory_space<vmem_shared>>
      %dma_start3A_94 = arith.constant 0 : i32
      %dma_start3A_95 = tpu.memref_slice %arg16[%add3A_19, %dma_start3A_94] : memref<10240x16xf32, #tpu.memory_space<vmem_shared>> -> memref<128x16xf32, #tpu.memory_space<vmem_shared>>
      tpu.enqueue_dma source(%arg8 : memref<128x16xf32, #tpu.memory_space<vmem>>) target(%dma_start3A_95 : memref<128x16xf32, #tpu.memory_space<vmem_shared>>) target_semaphore(%run_scoped3A : memref<!tpu.dma_semaphore, #tpu.memory_space<semaphore_mem>>)
      %dma_wait3A = arith.constant 0 : i32
      %dma_wait3A_96 = tpu.memref_slice %arg16[%add3A_19, %dma_wait3A] : memref<10240x16xf32, #tpu.memory_space<vmem_shared>> -> memref<128x16xf32, #tpu.memory_space<vmem_shared>>
      %dma_wait3A_97 = arith.constant 0 : i32
      %dma_wait3A_98 = tpu.memref_slice %arg16[%add3A_19, %dma_wait3A_97] : memref<10240x16xf32, #tpu.memory_space<vmem_shared>> -> memref<128x16xf32, #tpu.memory_space<vmem_shared>>
      tpu.wait_dma2 semaphore(%run_scoped3A : memref<!tpu.dma_semaphore, #tpu.memory_space<semaphore_mem>>) src(%arg8 : memref<128x16xf32, #tpu.memory_space<vmem>>) dst(%dma_wait3A_98 : memref<128x16xf32, #tpu.memory_space<vmem_shared>>)
      tpu.yield
    }) : () -> ()
    %mul3A_20 = arith.constant 640 : i32
    %mul3A_21 = arith.muli %arg1, %mul3A_20 : i32
    %add3A_22 = arith.constant 256 : i32
    %add3A_23 = arith.addi %mul3A_21, %add3A_22 : i32
    "tpu.region"() ({
      %run_scoped3A = tpu.sem_alloc : memref<!tpu.dma_semaphore, #tpu.memory_space<semaphore_mem>>
      %dma_start3A_92 = arith.constant 0 : i32
      %dma_start3A_93 = tpu.memref_slice %arg16[%add3A_23, %dma_start3A_92] : memref<10240x16xf32, #tpu.memory_space<vmem_shared>> -> memref<128x16xf32, #tpu.memory_space<vmem_shared>>
      %dma_start3A_94 = arith.constant 0 : i32
      %dma_start3A_95 = tpu.memref_slice %arg16[%add3A_23, %dma_start3A_94] : memref<10240x16xf32, #tpu.memory_space<vmem_shared>> -> memref<128x16xf32, #tpu.memory_space<vmem_shared>>
      tpu.enqueue_dma source(%arg8 : memref<128x16xf32, #tpu.memory_space<vmem>>) target(%dma_start3A_95 : memref<128x16xf32, #tpu.memory_space<vmem_shared>>) target_semaphore(%run_scoped3A : memref<!tpu.dma_semaphore, #tpu.memory_space<semaphore_mem>>)
      %dma_wait3A = arith.constant 0 : i32
      %dma_wait3A_96 = tpu.memref_slice %arg16[%add3A_23, %dma_wait3A] : memref<10240x16xf32, #tpu.memory_space<vmem_shared>> -> memref<128x16xf32, #tpu.memory_space<vmem_shared>>
      %dma_wait3A_97 = arith.constant 0 : i32
      %dma_wait3A_98 = tpu.memref_slice %arg16[%add3A_23, %dma_wait3A_97] : memref<10240x16xf32, #tpu.memory_space<vmem_shared>> -> memref<128x16xf32, #tpu.memory_space<vmem_shared>>
      tpu.wait_dma2 semaphore(%run_scoped3A : memref<!tpu.dma_semaphore, #tpu.memory_space<semaphore_mem>>) src(%arg8 : memref<128x16xf32, #tpu.memory_space<vmem>>) dst(%dma_wait3A_98 : memref<128x16xf32, #tpu.memory_space<vmem_shared>>)
      tpu.yield
    }) : () -> ()
    %mul3A_24 = arith.constant 640 : i32
    %mul3A_25 = arith.muli %arg1, %mul3A_24 : i32
    %add3A_26 = arith.constant 384 : i32
    %add3A_27 = arith.addi %mul3A_25, %add3A_26 : i32
    "tpu.region"() ({
      %run_scoped3A = tpu.sem_alloc : memref<!tpu.dma_semaphore, #tpu.memory_space<semaphore_mem>>
      %dma_start3A_92 = arith.constant 0 : i32
      %dma_start3A_93 = tpu.memref_slice %arg16[%add3A_27, %dma_start3A_92] : memref<10240x16xf32, #tpu.memory_space<vmem_shared>> -> memref<128x16xf32, #tpu.memory_space<vmem_shared>>
      %dma_start3A_94 = arith.constant 0 : i32
      %dma_start3A_95 = tpu.memref_slice %arg16[%add3A_27, %dma_start3A_94] : memref<10240x16xf32, #tpu.memory_space<vmem_shared>> -> memref<128x16xf32, #tpu.memory_space<vmem_shared>>
      tpu.enqueue_dma source(%arg8 : memref<128x16xf32, #tpu.memory_space<vmem>>) target(%dma_start3A_95 : memref<128x16xf32, #tpu.memory_space<vmem_shared>>) target_semaphore(%run_scoped3A : memref<!tpu.dma_semaphore, #tpu.memory_space<semaphore_mem>>)
      %dma_wait3A = arith.constant 0 : i32
      %dma_wait3A_96 = tpu.memref_slice %arg16[%add3A_27, %dma_wait3A] : memref<10240x16xf32, #tpu.memory_space<vmem_shared>> -> memref<128x16xf32, #tpu.memory_space<vmem_shared>>
      %dma_wait3A_97 = arith.constant 0 : i32
      %dma_wait3A_98 = tpu.memref_slice %arg16[%add3A_27, %dma_wait3A_97] : memref<10240x16xf32, #tpu.memory_space<vmem_shared>> -> memref<128x16xf32, #tpu.memory_space<vmem_shared>>
      tpu.wait_dma2 semaphore(%run_scoped3A : memref<!tpu.dma_semaphore, #tpu.memory_space<semaphore_mem>>) src(%arg8 : memref<128x16xf32, #tpu.memory_space<vmem>>) dst(%dma_wait3A_98 : memref<128x16xf32, #tpu.memory_space<vmem_shared>>)
      tpu.yield
    }) : () -> ()
    %mul3A_28 = arith.constant 640 : i32
    %mul3A_29 = arith.muli %arg1, %mul3A_28 : i32
    %add3A_30 = arith.constant 512 : i32
    %add3A_31 = arith.addi %mul3A_29, %add3A_30 : i32
    "tpu.region"() ({
      %run_scoped3A = tpu.sem_alloc : memref<!tpu.dma_semaphore, #tpu.memory_space<semaphore_mem>>
      %dma_start3A_92 = arith.constant 0 : i32
      %dma_start3A_93 = tpu.memref_slice %arg16[%add3A_31, %dma_start3A_92] : memref<10240x16xf32, #tpu.memory_space<vmem_shared>> -> memref<128x16xf32, #tpu.memory_space<vmem_shared>>
      %dma_start3A_94 = arith.constant 0 : i32
      %dma_start3A_95 = tpu.memref_slice %arg16[%add3A_31, %dma_start3A_94] : memref<10240x16xf32, #tpu.memory_space<vmem_shared>> -> memref<128x16xf32, #tpu.memory_space<vmem_shared>>
      tpu.enqueue_dma source(%arg8 : memref<128x16xf32, #tpu.memory_space<vmem>>) target(%dma_start3A_95 : memref<128x16xf32, #tpu.memory_space<vmem_shared>>) target_semaphore(%run_scoped3A : memref<!tpu.dma_semaphore, #tpu.memory_space<semaphore_mem>>)
      %dma_wait3A = arith.constant 0 : i32
      %dma_wait3A_96 = tpu.memref_slice %arg16[%add3A_31, %dma_wait3A] : memref<10240x16xf32, #tpu.memory_space<vmem_shared>> -> memref<128x16xf32, #tpu.memory_space<vmem_shared>>
      %dma_wait3A_97 = arith.constant 0 : i32
      %dma_wait3A_98 = tpu.memref_slice %arg16[%add3A_31, %dma_wait3A_97] : memref<10240x16xf32, #tpu.memory_space<vmem_shared>> -> memref<128x16xf32, #tpu.memory_space<vmem_shared>>
      tpu.wait_dma2 semaphore(%run_scoped3A : memref<!tpu.dma_semaphore, #tpu.memory_space<semaphore_mem>>) src(%arg8 : memref<128x16xf32, #tpu.memory_space<vmem>>) dst(%dma_wait3A_98 : memref<128x16xf32, #tpu.memory_space<vmem_shared>>)
      tpu.yield
    }) : () -> ()
    %barrier3A = arith.constant 0 : index
    tpu.barrier barrier_id(%barrier3A)
    %dma_start3A = arith.constant 0 : i32
    %dma_start3A_32 = arith.constant 0 : i32
    %dma_start3A_33 = tpu.memref_slice %arg6[%dma_start3A, %dma_start3A_32] : memref<80x128xi32, #tpu.memory_space<vmem>> -> memref<1x128xi32, #tpu.memory_space<vmem>>
    %dma_start3A_34 = tpu.memref_squeeze %dma_start3A_33 : memref<1x128xi32, #tpu.memory_space<vmem>> -> memref<128xi32, #tpu.memory_space<vmem>>
    %dma_start3A_35 = arith.constant 0 : i32
    %dma_start3A_36 = arith.constant 0 : i32
    %dma_start3A_37 = tpu.memref_slice %arg2[%dma_start3A_35, %dma_start3A_36] : memref<10240x16xf32, #tpu.memory_space<hbm>> -> memref<10240x16xf32, #tpu.memory_space<hbm>>
    tpu.enqueue_indirect_dma source(%dma_start3A_37 : memref<10240x16xf32, #tpu.memory_space<hbm>>) target(%arg8 : memref<128x16xf32, #tpu.memory_space<vmem>>) offsets(%dma_start3A_34 : memref<128xi32, #tpu.memory_space<vmem>>) semaphore(%arg17 : memref<!tpu.dma_semaphore, #tpu.memory_space<semaphore_mem>>)
    %dma_start3A_38 = arith.constant 1 : i32
    %dma_start3A_39 = arith.constant 0 : i32
    %dma_start3A_40 = tpu.memref_slice %arg6[%dma_start3A_38, %dma_start3A_39] : memref<80x128xi32, #tpu.memory_space<vmem>> -> memref<1x128xi32, #tpu.memory_space<vmem>>
    %dma_start3A_41 = tpu.memref_squeeze %dma_start3A_40 : memref<1x128xi32, #tpu.memory_space<vmem>> -> memref<128xi32, #tpu.memory_space<vmem>>
    %dma_start3A_42 = arith.constant 0 : i32
    %dma_start3A_43 = arith.constant 0 : i32
    %dma_start3A_44 = tpu.memref_slice %arg2[%dma_start3A_42, %dma_start3A_43] : memref<10240x16xf32, #tpu.memory_space<hbm>> -> memref<10240x16xf32, #tpu.memory_space<hbm>>
    tpu.enqueue_indirect_dma source(%dma_start3A_44 : memref<10240x16xf32, #tpu.memory_space<hbm>>) target(%arg9 : memref<128x16xf32, #tpu.memory_space<vmem>>) offsets(%dma_start3A_41 : memref<128xi32, #tpu.memory_space<vmem>>) semaphore(%arg18 : memref<!tpu.dma_semaphore, #tpu.memory_space<semaphore_mem>>)
    %dma_start3A_45 = arith.constant 2 : i32
    %dma_start3A_46 = arith.constant 0 : i32
    %dma_start3A_47 = tpu.memref_slice %arg6[%dma_start3A_45, %dma_start3A_46] : memref<80x128xi32, #tpu.memory_space<vmem>> -> memref<1x128xi32, #tpu.memory_space<vmem>>
    %dma_start3A_48 = tpu.memref_squeeze %dma_start3A_47 : memref<1x128xi32, #tpu.memory_space<vmem>> -> memref<128xi32, #tpu.memory_space<vmem>>
    %dma_start3A_49 = arith.constant 0 : i32
    %dma_start3A_50 = arith.constant 0 : i32
    %dma_start3A_51 = tpu.memref_slice %arg2[%dma_start3A_49, %dma_start3A_50] : memref<10240x16xf32, #tpu.memory_space<hbm>> -> memref<10240x16xf32, #tpu.memory_space<hbm>>
    tpu.enqueue_indirect_dma source(%dma_start3A_51 : memref<10240x16xf32, #tpu.memory_space<hbm>>) target(%arg10 : memref<128x16xf32, #tpu.memory_space<vmem>>) offsets(%dma_start3A_48 : memref<128xi32, #tpu.memory_space<vmem>>) semaphore(%arg19 : memref<!tpu.dma_semaphore, #tpu.memory_space<semaphore_mem>>)
    %dma_start3A_52 = arith.constant 3 : i32
    %dma_start3A_53 = arith.constant 0 : i32
    %dma_start3A_54 = tpu.memref_slice %arg6[%dma_start3A_52, %dma_start3A_53] : memref<80x128xi32, #tpu.memory_space<vmem>> -> memref<1x128xi32, #tpu.memory_space<vmem>>
    %dma_start3A_55 = tpu.memref_squeeze %dma_start3A_54 : memref<1x128xi32, #tpu.memory_space<vmem>> -> memref<128xi32, #tpu.memory_space<vmem>>
    %dma_start3A_56 = arith.constant 0 : i32
    %dma_start3A_57 = arith.constant 0 : i32
    %dma_start3A_58 = tpu.memref_slice %arg2[%dma_start3A_56, %dma_start3A_57] : memref<10240x16xf32, #tpu.memory_space<hbm>> -> memref<10240x16xf32, #tpu.memory_space<hbm>>
    tpu.enqueue_indirect_dma source(%dma_start3A_58 : memref<10240x16xf32, #tpu.memory_space<hbm>>) target(%arg11 : memref<128x16xf32, #tpu.memory_space<vmem>>) offsets(%dma_start3A_55 : memref<128xi32, #tpu.memory_space<vmem>>) semaphore(%arg20 : memref<!tpu.dma_semaphore, #tpu.memory_space<semaphore_mem>>)
    %dma_start3A_59 = arith.constant 4 : i32
    %dma_start3A_60 = arith.constant 0 : i32
    %dma_start3A_61 = tpu.memref_slice %arg6[%dma_start3A_59, %dma_start3A_60] : memref<80x128xi32, #tpu.memory_space<vmem>> -> memref<1x128xi32, #tpu.memory_space<vmem>>
    %dma_start3A_62 = tpu.memref_squeeze %dma_start3A_61 : memref<1x128xi32, #tpu.memory_space<vmem>> -> memref<128xi32, #tpu.memory_space<vmem>>
    %dma_start3A_63 = arith.constant 0 : i32
    %dma_start3A_64 = arith.constant 0 : i32
    %dma_start3A_65 = tpu.memref_slice %arg2[%dma_start3A_63, %dma_start3A_64] : memref<10240x16xf32, #tpu.memory_space<hbm>> -> memref<10240x16xf32, #tpu.memory_space<hbm>>
    tpu.enqueue_indirect_dma source(%dma_start3A_65 : memref<10240x16xf32, #tpu.memory_space<hbm>>) target(%arg12 : memref<128x16xf32, #tpu.memory_space<vmem>>) offsets(%dma_start3A_62 : memref<128xi32, #tpu.memory_space<vmem>>) semaphore(%arg21 : memref<!tpu.dma_semaphore, #tpu.memory_space<semaphore_mem>>)
    %dma_start3A_66 = arith.constant 5 : i32
    %dma_start3A_67 = arith.constant 0 : i32
    %dma_start3A_68 = tpu.memref_slice %arg6[%dma_start3A_66, %dma_start3A_67] : memref<80x128xi32, #tpu.memory_space<vmem>> -> memref<1x128xi32, #tpu.memory_space<vmem>>
    %dma_start3A_69 = tpu.memref_squeeze %dma_start3A_68 : memref<1x128xi32, #tpu.memory_space<vmem>> -> memref<128xi32, #tpu.memory_space<vmem>>
    %dma_start3A_70 = arith.constant 0 : i32
    %dma_start3A_71 = arith.constant 0 : i32
    %dma_start3A_72 = tpu.memref_slice %arg2[%dma_start3A_70, %dma_start3A_71] : memref<10240x16xf32, #tpu.memory_space<hbm>> -> memref<10240x16xf32, #tpu.memory_space<hbm>>
    tpu.enqueue_indirect_dma source(%dma_start3A_72 : memref<10240x16xf32, #tpu.memory_space<hbm>>) target(%arg13 : memref<128x16xf32, #tpu.memory_space<vmem>>) offsets(%dma_start3A_69 : memref<128xi32, #tpu.memory_space<vmem>>) semaphore(%arg22 : memref<!tpu.dma_semaphore, #tpu.memory_space<semaphore_mem>>)
    %dma_start3A_73 = arith.constant 6 : i32
    %dma_start3A_74 = arith.constant 0 : i32
    %dma_start3A_75 = tpu.memref_slice %arg6[%dma_start3A_73, %dma_start3A_74] : memref<80x128xi32, #tpu.memory_space<vmem>> -> memref<1x128xi32, #tpu.memory_space<vmem>>
    %dma_start3A_76 = tpu.memref_squeeze %dma_start3A_75 : memref<1x128xi32, #tpu.memory_space<vmem>> -> memref<128xi32, #tpu.memory_space<vmem>>
    %dma_start3A_77 = arith.constant 0 : i32
    %dma_start3A_78 = arith.constant 0 : i32
    %dma_start3A_79 = tpu.memref_slice %arg2[%dma_start3A_77, %dma_start3A_78] : memref<10240x16xf32, #tpu.memory_space<hbm>> -> memref<10240x16xf32, #tpu.memory_space<hbm>>
    tpu.enqueue_indirect_dma source(%dma_start3A_79 : memref<10240x16xf32, #tpu.memory_space<hbm>>) target(%arg14 : memref<128x16xf32, #tpu.memory_space<vmem>>) offsets(%dma_start3A_76 : memref<128xi32, #tpu.memory_space<vmem>>) semaphore(%arg23 : memref<!tpu.dma_semaphore, #tpu.memory_space<semaphore_mem>>)
    %scan3A_80 = arith.constant 0 : i32
    %scan3A_81 = arith.constant 0 : i32
    %scan3A_82 = arith.constant 10 : i32
    %scan3A_83 = arith.addi %scan3A_81, %scan3A_82 : i32
    %scan3A_84 = arith.constant 1 : i32
    %scan3A_85 = scf.for %scan3A_92 = %scan3A_81 to %scan3A_83 step %scan3A_84 iter_args(%scan3A_93 = %scan3A_80) -> (i32)  : i32 {
      %mul3A_94 = arith.constant 8 : i32
      %mul3A_95 = arith.muli %scan3A_92, %mul3A_94 : i32
      %add3A_96 = arith.constant 0 : i32
      %add3A_97 = arith.addi %mul3A_95, %add3A_96 : i32
      %dma_wait3A = arith.constant 0 : i32
      %dma_wait3A_98 = tpu.memref_slice %arg6[%add3A_97, %dma_wait3A] : memref<80x128xi32, #tpu.memory_space<vmem>> -> memref<1x128xi32, #tpu.memory_space<vmem>>
      %dma_wait3A_99 = tpu.memref_squeeze %dma_wait3A_98 : memref<1x128xi32, #tpu.memory_space<vmem>> -> memref<128xi32, #tpu.memory_space<vmem>>
      %dma_wait3A_100 = arith.constant 0 : i32
      %dma_wait3A_101 = arith.constant 0 : i32
      %dma_wait3A_102 = tpu.memref_slice %arg2[%dma_wait3A_100, %dma_wait3A_101] : memref<10240x16xf32, #tpu.memory_space<hbm>> -> memref<10240x16xf32, #tpu.memory_space<hbm>>
      tpu.wait_indirect_dma semaphore(%arg17 : memref<!tpu.dma_semaphore, #tpu.memory_space<semaphore_mem>>) src(%dma_wait3A_102 : memref<10240x16xf32, #tpu.memory_space<hbm>>) dst(%arg8 : memref<128x16xf32, #tpu.memory_space<vmem>>)
      %add3A_103 = arith.constant 0 : i32
      %add3A_104 = arith.addi %mul3A_95, %add3A_103 : i32
      %add3A_105 = arith.constant 8 : i32
      %add3A_106 = arith.addi %add3A_104, %add3A_105 : i32
      %sub3A = arith.constant 1 : i32
      %sub3A_107 = arith.subi %add3A_106, %sub3A : i32
      %lt3A = arith.constant 80 : i32
      %lt3A_108 = arith.cmpi slt, %sub3A_107, %lt3A : i32
      %convert_element_type3A = arith.extui %lt3A_108 : i1 to i32
      %cond3A = arith.constant 0 : i32
      %cond3A_109 = arith.cmpi ne, %convert_element_type3A, %cond3A : i32
      scf.if %cond3A_109 {
        %add3A_260 = arith.constant 0 : i32
        %add3A_261 = arith.addi %mul3A_95, %add3A_260 : i32
        %add3A_262 = arith.constant 8 : i32
        %add3A_263 = arith.addi %add3A_261, %add3A_262 : i32
        %sub3A_264 = arith.constant 1 : i32
        %sub3A_265 = arith.subi %add3A_263, %sub3A_264 : i32
        %dma_start3A_266 = arith.constant 0 : i32
        %dma_start3A_267 = tpu.memref_slice %arg6[%sub3A_265, %dma_start3A_266] : memref<80x128xi32, #tpu.memory_space<vmem>> -> memref<1x128xi32, #tpu.memory_space<vmem>>
        %dma_start3A_268 = tpu.memref_squeeze %dma_start3A_267 : memref<1x128xi32, #tpu.memory_space<vmem>> -> memref<128xi32, #tpu.memory_space<vmem>>
        %dma_start3A_269 = arith.constant 0 : i32
        %dma_start3A_270 = arith.constant 0 : i32
        %dma_start3A_271 = tpu.memref_slice %arg2[%dma_start3A_269, %dma_start3A_270] : memref<10240x16xf32, #tpu.memory_space<hbm>> -> memref<10240x16xf32, #tpu.memory_space<hbm>>
        tpu.enqueue_indirect_dma source(%dma_start3A_271 : memref<10240x16xf32, #tpu.memory_space<hbm>>) target(%arg15 : memref<128x16xf32, #tpu.memory_space<vmem>>) offsets(%dma_start3A_268 : memref<128xi32, #tpu.memory_space<vmem>>) semaphore(%arg24 : memref<!tpu.dma_semaphore, #tpu.memory_space<semaphore_mem>>)
      } else {
      }
      %add3A_110 = arith.constant 0 : i32
      %add3A_111 = arith.addi %mul3A_95, %add3A_110 : i32
      "tpu.region"() ({
        %run_scoped3A = tpu.sem_alloc : memref<!tpu.dma_semaphore, #tpu.memory_space<semaphore_mem>>
        %dma_start3A_260 = arith.constant 0 : i32
        %dma_start3A_261 = tpu.memref_slice %arg7[%add3A_111, %dma_start3A_260] : memref<80x128xi32, #tpu.memory_space<vmem>> -> memref<1x128xi32, #tpu.memory_space<vmem>>
        %dma_start3A_262 = tpu.memref_squeeze %dma_start3A_261 : memref<1x128xi32, #tpu.memory_space<vmem>> -> memref<128xi32, #tpu.memory_space<vmem>>
        %dma_start3A_263 = arith.constant 0 : i32
        %dma_start3A_264 = arith.constant 0 : i32
        %dma_start3A_265 = tpu.memref_slice %arg16[%dma_start3A_263, %dma_start3A_264] : memref<10240x16xf32, #tpu.memory_space<vmem_shared>> -> memref<10240x16xf32, #tpu.memory_space<vmem_shared>>
        tpu.enqueue_indirect_dma source(%arg8 : memref<128x16xf32, #tpu.memory_space<vmem>>) target(%dma_start3A_265 : memref<10240x16xf32, #tpu.memory_space<vmem_shared>>) offsets(%dma_start3A_262 : memref<128xi32, #tpu.memory_space<vmem>>) semaphore(%run_scoped3A : memref<!tpu.dma_semaphore, #tpu.memory_space<semaphore_mem>>) {add = true}
        %dma_wait3A_266 = arith.constant 0 : i32
        %dma_wait3A_267 = tpu.memref_slice %arg7[%add3A_111, %dma_wait3A_266] : memref<80x128xi32, #tpu.memory_space<vmem>> -> memref<1x128xi32, #tpu.memory_space<vmem>>
        %dma_wait3A_268 = tpu.memref_squeeze %dma_wait3A_267 : memref<1x128xi32, #tpu.memory_space<vmem>> -> memref<128xi32, #tpu.memory_space<vmem>>
        %dma_wait3A_269 = arith.constant 0 : i32
        %dma_wait3A_270 = arith.constant 0 : i32
        %dma_wait3A_271 = tpu.memref_slice %arg16[%dma_wait3A_269, %dma_wait3A_270] : memref<10240x16xf32, #tpu.memory_space<vmem_shared>> -> memref<10240x16xf32, #tpu.memory_space<vmem_shared>>
        tpu.wait_indirect_dma semaphore(%run_scoped3A : memref<!tpu.dma_semaphore, #tpu.memory_space<semaphore_mem>>) src(%arg8 : memref<128x16xf32, #tpu.memory_space<vmem>>) dst(%dma_wait3A_271 : memref<10240x16xf32, #tpu.memory_space<vmem_shared>>)
        tpu.yield
      }) : () -> ()
      %add3A_112 = arith.constant 1 : i32
      %add3A_113 = arith.addi %mul3A_95, %add3A_112 : i32
      %dma_wait3A_114 = arith.constant 0 : i32
      %dma_wait3A_115 = tpu.memref_slice %arg6[%add3A_113, %dma_wait3A_114] : memref<80x128xi32, #tpu.memory_space<vmem>> -> memref<1x128xi32, #tpu.memory_space<vmem>>
      %dma_wait3A_116 = tpu.memref_squeeze %dma_wait3A_115 : memref<1x128xi32, #tpu.memory_space<vmem>> -> memref<128xi32, #tpu.memory_space<vmem>>
      %dma_wait3A_117 = arith.constant 0 : i32
      %dma_wait3A_118 = arith.constant 0 : i32
      %dma_wait3A_119 = tpu.memref_slice %arg2[%dma_wait3A_117, %dma_wait3A_118] : memref<10240x16xf32, #tpu.memory_space<hbm>> -> memref<10240x16xf32, #tpu.memory_space<hbm>>
      tpu.wait_indirect_dma semaphore(%arg18 : memref<!tpu.dma_semaphore, #tpu.memory_space<semaphore_mem>>) src(%dma_wait3A_119 : memref<10240x16xf32, #tpu.memory_space<hbm>>) dst(%arg9 : memref<128x16xf32, #tpu.memory_space<vmem>>)
      %add3A_120 = arith.constant 1 : i32
      %add3A_121 = arith.addi %mul3A_95, %add3A_120 : i32
      %add3A_122 = arith.constant 8 : i32
      %add3A_123 = arith.addi %add3A_121, %add3A_122 : i32
      %sub3A_124 = arith.constant 1 : i32
      %sub3A_125 = arith.subi %add3A_123, %sub3A_124 : i32
      %lt3A_126 = arith.constant 80 : i32
      %lt3A_127 = arith.cmpi slt, %sub3A_125, %lt3A_126 : i32
      %convert_element_type3A_128 = arith.extui %lt3A_127 : i1 to i32
      %cond3A_129 = arith.constant 0 : i32
      %cond3A_130 = arith.cmpi ne, %convert_element_type3A_128, %cond3A_129 : i32
      scf.if %cond3A_130 {
        %add3A_260 = arith.constant 1 : i32
        %add3A_261 = arith.addi %mul3A_95, %add3A_260 : i32
        %add3A_262 = arith.constant 8 : i32
        %add3A_263 = arith.addi %add3A_261, %add3A_262 : i32
        %sub3A_264 = arith.constant 1 : i32
        %sub3A_265 = arith.subi %add3A_263, %sub3A_264 : i32
        %dma_start3A_266 = arith.constant 0 : i32
        %dma_start3A_267 = tpu.memref_slice %arg6[%sub3A_265, %dma_start3A_266] : memref<80x128xi32, #tpu.memory_space<vmem>> -> memref<1x128xi32, #tpu.memory_space<vmem>>
        %dma_start3A_268 = tpu.memref_squeeze %dma_start3A_267 : memref<1x128xi32, #tpu.memory_space<vmem>> -> memref<128xi32, #tpu.memory_space<vmem>>
        %dma_start3A_269 = arith.constant 0 : i32
        %dma_start3A_270 = arith.constant 0 : i32
        %dma_start3A_271 = tpu.memref_slice %arg2[%dma_start3A_269, %dma_start3A_270] : memref<10240x16xf32, #tpu.memory_space<hbm>> -> memref<10240x16xf32, #tpu.memory_space<hbm>>
        tpu.enqueue_indirect_dma source(%dma_start3A_271 : memref<10240x16xf32, #tpu.memory_space<hbm>>) target(%arg8 : memref<128x16xf32, #tpu.memory_space<vmem>>) offsets(%dma_start3A_268 : memref<128xi32, #tpu.memory_space<vmem>>) semaphore(%arg17 : memref<!tpu.dma_semaphore, #tpu.memory_space<semaphore_mem>>)
      } else {
      }
      %add3A_131 = arith.constant 1 : i32
      %add3A_132 = arith.addi %mul3A_95, %add3A_131 : i32
      "tpu.region"() ({
        %run_scoped3A = tpu.sem_alloc : memref<!tpu.dma_semaphore, #tpu.memory_space<semaphore_mem>>
        %dma_start3A_260 = arith.constant 0 : i32
        %dma_start3A_261 = tpu.memref_slice %arg7[%add3A_132, %dma_start3A_260] : memref<80x128xi32, #tpu.memory_space<vmem>> -> memref<1x128xi32, #tpu.memory_space<vmem>>
        %dma_start3A_262 = tpu.memref_squeeze %dma_start3A_261 : memref<1x128xi32, #tpu.memory_space<vmem>> -> memref<128xi32, #tpu.memory_space<vmem>>
        %dma_start3A_263 = arith.constant 0 : i32
        %dma_start3A_264 = arith.constant 0 : i32
        %dma_start3A_265 = tpu.memref_slice %arg16[%dma_start3A_263, %dma_start3A_264] : memref<10240x16xf32, #tpu.memory_space<vmem_shared>> -> memref<10240x16xf32, #tpu.memory_space<vmem_shared>>
        tpu.enqueue_indirect_dma source(%arg9 : memref<128x16xf32, #tpu.memory_space<vmem>>) target(%dma_start3A_265 : memref<10240x16xf32, #tpu.memory_space<vmem_shared>>) offsets(%dma_start3A_262 : memref<128xi32, #tpu.memory_space<vmem>>) semaphore(%run_scoped3A : memref<!tpu.dma_semaphore, #tpu.memory_space<semaphore_mem>>) {add = true}
        %dma_wait3A_266 = arith.constant 0 : i32
        %dma_wait3A_267 = tpu.memref_slice %arg7[%add3A_132, %dma_wait3A_266] : memref<80x128xi32, #tpu.memory_space<vmem>> -> memref<1x128xi32, #tpu.memory_space<vmem>>
        %dma_wait3A_268 = tpu.memref_squeeze %dma_wait3A_267 : memref<1x128xi32, #tpu.memory_space<vmem>> -> memref<128xi32, #tpu.memory_space<vmem>>
        %dma_wait3A_269 = arith.constant 0 : i32
        %dma_wait3A_270 = arith.constant 0 : i32
        %dma_wait3A_271 = tpu.memref_slice %arg16[%dma_wait3A_269, %dma_wait3A_270] : memref<10240x16xf32, #tpu.memory_space<vmem_shared>> -> memref<10240x16xf32, #tpu.memory_space<vmem_shared>>
        tpu.wait_indirect_dma semaphore(%run_scoped3A : memref<!tpu.dma_semaphore, #tpu.memory_space<semaphore_mem>>) src(%arg9 : memref<128x16xf32, #tpu.memory_space<vmem>>) dst(%dma_wait3A_271 : memref<10240x16xf32, #tpu.memory_space<vmem_shared>>)
        tpu.yield
      }) : () -> ()
      %add3A_133 = arith.constant 2 : i32
      %add3A_134 = arith.addi %mul3A_95, %add3A_133 : i32
      %dma_wait3A_135 = arith.constant 0 : i32
      %dma_wait3A_136 = tpu.memref_slice %arg6[%add3A_134, %dma_wait3A_135] : memref<80x128xi32, #tpu.memory_space<vmem>> -> memref<1x128xi32, #tpu.memory_space<vmem>>
      %dma_wait3A_137 = tpu.memref_squeeze %dma_wait3A_136 : memref<1x128xi32, #tpu.memory_space<vmem>> -> memref<128xi32, #tpu.memory_space<vmem>>
      %dma_wait3A_138 = arith.constant 0 : i32
      %dma_wait3A_139 = arith.constant 0 : i32
      %dma_wait3A_140 = tpu.memref_slice %arg2[%dma_wait3A_138, %dma_wait3A_139] : memref<10240x16xf32, #tpu.memory_space<hbm>> -> memref<10240x16xf32, #tpu.memory_space<hbm>>
      tpu.wait_indirect_dma semaphore(%arg19 : memref<!tpu.dma_semaphore, #tpu.memory_space<semaphore_mem>>) src(%dma_wait3A_140 : memref<10240x16xf32, #tpu.memory_space<hbm>>) dst(%arg10 : memref<128x16xf32, #tpu.memory_space<vmem>>)
      %add3A_141 = arith.constant 2 : i32
      %add3A_142 = arith.addi %mul3A_95, %add3A_141 : i32
      %add3A_143 = arith.constant 8 : i32
      %add3A_144 = arith.addi %add3A_142, %add3A_143 : i32
      %sub3A_145 = arith.constant 1 : i32
      %sub3A_146 = arith.subi %add3A_144, %sub3A_145 : i32
      %lt3A_147 = arith.constant 80 : i32
      %lt3A_148 = arith.cmpi slt, %sub3A_146, %lt3A_147 : i32
      %convert_element_type3A_149 = arith.extui %lt3A_148 : i1 to i32
      %cond3A_150 = arith.constant 0 : i32
      %cond3A_151 = arith.cmpi ne, %convert_element_type3A_149, %cond3A_150 : i32
      scf.if %cond3A_151 {
        %add3A_260 = arith.constant 2 : i32
        %add3A_261 = arith.addi %mul3A_95, %add3A_260 : i32
        %add3A_262 = arith.constant 8 : i32
        %add3A_263 = arith.addi %add3A_261, %add3A_262 : i32
        %sub3A_264 = arith.constant 1 : i32
        %sub3A_265 = arith.subi %add3A_263, %sub3A_264 : i32
        %dma_start3A_266 = arith.constant 0 : i32
        %dma_start3A_267 = tpu.memref_slice %arg6[%sub3A_265, %dma_start3A_266] : memref<80x128xi32, #tpu.memory_space<vmem>> -> memref<1x128xi32, #tpu.memory_space<vmem>>
        %dma_start3A_268 = tpu.memref_squeeze %dma_start3A_267 : memref<1x128xi32, #tpu.memory_space<vmem>> -> memref<128xi32, #tpu.memory_space<vmem>>
        %dma_start3A_269 = arith.constant 0 : i32
        %dma_start3A_270 = arith.constant 0 : i32
        %dma_start3A_271 = tpu.memref_slice %arg2[%dma_start3A_269, %dma_start3A_270] : memref<10240x16xf32, #tpu.memory_space<hbm>> -> memref<10240x16xf32, #tpu.memory_space<hbm>>
        tpu.enqueue_indirect_dma source(%dma_start3A_271 : memref<10240x16xf32, #tpu.memory_space<hbm>>) target(%arg9 : memref<128x16xf32, #tpu.memory_space<vmem>>) offsets(%dma_start3A_268 : memref<128xi32, #tpu.memory_space<vmem>>) semaphore(%arg18 : memref<!tpu.dma_semaphore, #tpu.memory_space<semaphore_mem>>)
      } else {
      }
      %add3A_152 = arith.constant 2 : i32
      %add3A_153 = arith.addi %mul3A_95, %add3A_152 : i32
      "tpu.region"() ({
        %run_scoped3A = tpu.sem_alloc : memref<!tpu.dma_semaphore, #tpu.memory_space<semaphore_mem>>
        %dma_start3A_260 = arith.constant 0 : i32
        %dma_start3A_261 = tpu.memref_slice %arg7[%add3A_153, %dma_start3A_260] : memref<80x128xi32, #tpu.memory_space<vmem>> -> memref<1x128xi32, #tpu.memory_space<vmem>>
        %dma_start3A_262 = tpu.memref_squeeze %dma_start3A_261 : memref<1x128xi32, #tpu.memory_space<vmem>> -> memref<128xi32, #tpu.memory_space<vmem>>
        %dma_start3A_263 = arith.constant 0 : i32
        %dma_start3A_264 = arith.constant 0 : i32
        %dma_start3A_265 = tpu.memref_slice %arg16[%dma_start3A_263, %dma_start3A_264] : memref<10240x16xf32, #tpu.memory_space<vmem_shared>> -> memref<10240x16xf32, #tpu.memory_space<vmem_shared>>
        tpu.enqueue_indirect_dma source(%arg10 : memref<128x16xf32, #tpu.memory_space<vmem>>) target(%dma_start3A_265 : memref<10240x16xf32, #tpu.memory_space<vmem_shared>>) offsets(%dma_start3A_262 : memref<128xi32, #tpu.memory_space<vmem>>) semaphore(%run_scoped3A : memref<!tpu.dma_semaphore, #tpu.memory_space<semaphore_mem>>) {add = true}
        %dma_wait3A_266 = arith.constant 0 : i32
        %dma_wait3A_267 = tpu.memref_slice %arg7[%add3A_153, %dma_wait3A_266] : memref<80x128xi32, #tpu.memory_space<vmem>> -> memref<1x128xi32, #tpu.memory_space<vmem>>
        %dma_wait3A_268 = tpu.memref_squeeze %dma_wait3A_267 : memref<1x128xi32, #tpu.memory_space<vmem>> -> memref<128xi32, #tpu.memory_space<vmem>>
        %dma_wait3A_269 = arith.constant 0 : i32
        %dma_wait3A_270 = arith.constant 0 : i32
        %dma_wait3A_271 = tpu.memref_slice %arg16[%dma_wait3A_269, %dma_wait3A_270] : memref<10240x16xf32, #tpu.memory_space<vmem_shared>> -> memref<10240x16xf32, #tpu.memory_space<vmem_shared>>
        tpu.wait_indirect_dma semaphore(%run_scoped3A : memref<!tpu.dma_semaphore, #tpu.memory_space<semaphore_mem>>) src(%arg10 : memref<128x16xf32, #tpu.memory_space<vmem>>) dst(%dma_wait3A_271 : memref<10240x16xf32, #tpu.memory_space<vmem_shared>>)
        tpu.yield
      }) : () -> ()
      %add3A_154 = arith.constant 3 : i32
      %add3A_155 = arith.addi %mul3A_95, %add3A_154 : i32
      %dma_wait3A_156 = arith.constant 0 : i32
      %dma_wait3A_157 = tpu.memref_slice %arg6[%add3A_155, %dma_wait3A_156] : memref<80x128xi32, #tpu.memory_space<vmem>> -> memref<1x128xi32, #tpu.memory_space<vmem>>
      %dma_wait3A_158 = tpu.memref_squeeze %dma_wait3A_157 : memref<1x128xi32, #tpu.memory_space<vmem>> -> memref<128xi32, #tpu.memory_space<vmem>>
      %dma_wait3A_159 = arith.constant 0 : i32
      %dma_wait3A_160 = arith.constant 0 : i32
      %dma_wait3A_161 = tpu.memref_slice %arg2[%dma_wait3A_159, %dma_wait3A_160] : memref<10240x16xf32, #tpu.memory_space<hbm>> -> memref<10240x16xf32, #tpu.memory_space<hbm>>
      tpu.wait_indirect_dma semaphore(%arg20 : memref<!tpu.dma_semaphore, #tpu.memory_space<semaphore_mem>>) src(%dma_wait3A_161 : memref<10240x16xf32, #tpu.memory_space<hbm>>) dst(%arg11 : memref<128x16xf32, #tpu.memory_space<vmem>>)
      %add3A_162 = arith.constant 3 : i32
      %add3A_163 = arith.addi %mul3A_95, %add3A_162 : i32
      %add3A_164 = arith.constant 8 : i32
      %add3A_165 = arith.addi %add3A_163, %add3A_164 : i32
      %sub3A_166 = arith.constant 1 : i32
      %sub3A_167 = arith.subi %add3A_165, %sub3A_166 : i32
      %lt3A_168 = arith.constant 80 : i32
      %lt3A_169 = arith.cmpi slt, %sub3A_167, %lt3A_168 : i32
      %convert_element_type3A_170 = arith.extui %lt3A_169 : i1 to i32
      %cond3A_171 = arith.constant 0 : i32
      %cond3A_172 = arith.cmpi ne, %convert_element_type3A_170, %cond3A_171 : i32
      scf.if %cond3A_172 {
        %add3A_260 = arith.constant 3 : i32
        %add3A_261 = arith.addi %mul3A_95, %add3A_260 : i32
        %add3A_262 = arith.constant 8 : i32
        %add3A_263 = arith.addi %add3A_261, %add3A_262 : i32
        %sub3A_264 = arith.constant 1 : i32
        %sub3A_265 = arith.subi %add3A_263, %sub3A_264 : i32
        %dma_start3A_266 = arith.constant 0 : i32
        %dma_start3A_267 = tpu.memref_slice %arg6[%sub3A_265, %dma_start3A_266] : memref<80x128xi32, #tpu.memory_space<vmem>> -> memref<1x128xi32, #tpu.memory_space<vmem>>
        %dma_start3A_268 = tpu.memref_squeeze %dma_start3A_267 : memref<1x128xi32, #tpu.memory_space<vmem>> -> memref<128xi32, #tpu.memory_space<vmem>>
        %dma_start3A_269 = arith.constant 0 : i32
        %dma_start3A_270 = arith.constant 0 : i32
        %dma_start3A_271 = tpu.memref_slice %arg2[%dma_start3A_269, %dma_start3A_270] : memref<10240x16xf32, #tpu.memory_space<hbm>> -> memref<10240x16xf32, #tpu.memory_space<hbm>>
        tpu.enqueue_indirect_dma source(%dma_start3A_271 : memref<10240x16xf32, #tpu.memory_space<hbm>>) target(%arg10 : memref<128x16xf32, #tpu.memory_space<vmem>>) offsets(%dma_start3A_268 : memref<128xi32, #tpu.memory_space<vmem>>) semaphore(%arg19 : memref<!tpu.dma_semaphore, #tpu.memory_space<semaphore_mem>>)
      } else {
      }
      %add3A_173 = arith.constant 3 : i32
      %add3A_174 = arith.addi %mul3A_95, %add3A_173 : i32
      "tpu.region"() ({
        %run_scoped3A = tpu.sem_alloc : memref<!tpu.dma_semaphore, #tpu.memory_space<semaphore_mem>>
        %dma_start3A_260 = arith.constant 0 : i32
        %dma_start3A_261 = tpu.memref_slice %arg7[%add3A_174, %dma_start3A_260] : memref<80x128xi32, #tpu.memory_space<vmem>> -> memref<1x128xi32, #tpu.memory_space<vmem>>
        %dma_start3A_262 = tpu.memref_squeeze %dma_start3A_261 : memref<1x128xi32, #tpu.memory_space<vmem>> -> memref<128xi32, #tpu.memory_space<vmem>>
        %dma_start3A_263 = arith.constant 0 : i32
        %dma_start3A_264 = arith.constant 0 : i32
        %dma_start3A_265 = tpu.memref_slice %arg16[%dma_start3A_263, %dma_start3A_264] : memref<10240x16xf32, #tpu.memory_space<vmem_shared>> -> memref<10240x16xf32, #tpu.memory_space<vmem_shared>>
        tpu.enqueue_indirect_dma source(%arg11 : memref<128x16xf32, #tpu.memory_space<vmem>>) target(%dma_start3A_265 : memref<10240x16xf32, #tpu.memory_space<vmem_shared>>) offsets(%dma_start3A_262 : memref<128xi32, #tpu.memory_space<vmem>>) semaphore(%run_scoped3A : memref<!tpu.dma_semaphore, #tpu.memory_space<semaphore_mem>>) {add = true}
        %dma_wait3A_266 = arith.constant 0 : i32
        %dma_wait3A_267 = tpu.memref_slice %arg7[%add3A_174, %dma_wait3A_266] : memref<80x128xi32, #tpu.memory_space<vmem>> -> memref<1x128xi32, #tpu.memory_space<vmem>>
        %dma_wait3A_268 = tpu.memref_squeeze %dma_wait3A_267 : memref<1x128xi32, #tpu.memory_space<vmem>> -> memref<128xi32, #tpu.memory_space<vmem>>
        %dma_wait3A_269 = arith.constant 0 : i32
        %dma_wait3A_270 = arith.constant 0 : i32
        %dma_wait3A_271 = tpu.memref_slice %arg16[%dma_wait3A_269, %dma_wait3A_270] : memref<10240x16xf32, #tpu.memory_space<vmem_shared>> -> memref<10240x16xf32, #tpu.memory_space<vmem_shared>>
        tpu.wait_indirect_dma semaphore(%run_scoped3A : memref<!tpu.dma_semaphore, #tpu.memory_space<semaphore_mem>>) src(%arg11 : memref<128x16xf32, #tpu.memory_space<vmem>>) dst(%dma_wait3A_271 : memref<10240x16xf32, #tpu.memory_space<vmem_shared>>)
        tpu.yield
      }) : () -> ()
      %add3A_175 = arith.constant 4 : i32
      %add3A_176 = arith.addi %mul3A_95, %add3A_175 : i32
      %dma_wait3A_177 = arith.constant 0 : i32
      %dma_wait3A_178 = tpu.memref_slice %arg6[%add3A_176, %dma_wait3A_177] : memref<80x128xi32, #tpu.memory_space<vmem>> -> memref<1x128xi32, #tpu.memory_space<vmem>>
      %dma_wait3A_179 = tpu.memref_squeeze %dma_wait3A_178 : memref<1x128xi32, #tpu.memory_space<vmem>> -> memref<128xi32, #tpu.memory_space<vmem>>
      %dma_wait3A_180 = arith.constant 0 : i32
      %dma_wait3A_181 = arith.constant 0 : i32
      %dma_wait3A_182 = tpu.memref_slice %arg2[%dma_wait3A_180, %dma_wait3A_181] : memref<10240x16xf32, #tpu.memory_space<hbm>> -> memref<10240x16xf32, #tpu.memory_space<hbm>>
      tpu.wait_indirect_dma semaphore(%arg21 : memref<!tpu.dma_semaphore, #tpu.memory_space<semaphore_mem>>) src(%dma_wait3A_182 : memref<10240x16xf32, #tpu.memory_space<hbm>>) dst(%arg12 : memref<128x16xf32, #tpu.memory_space<vmem>>)
      %add3A_183 = arith.constant 4 : i32
      %add3A_184 = arith.addi %mul3A_95, %add3A_183 : i32
      %add3A_185 = arith.constant 8 : i32
      %add3A_186 = arith.addi %add3A_184, %add3A_185 : i32
      %sub3A_187 = arith.constant 1 : i32
      %sub3A_188 = arith.subi %add3A_186, %sub3A_187 : i32
      %lt3A_189 = arith.constant 80 : i32
      %lt3A_190 = arith.cmpi slt, %sub3A_188, %lt3A_189 : i32
      %convert_element_type3A_191 = arith.extui %lt3A_190 : i1 to i32
      %cond3A_192 = arith.constant 0 : i32
      %cond3A_193 = arith.cmpi ne, %convert_element_type3A_191, %cond3A_192 : i32
      scf.if %cond3A_193 {
        %add3A_260 = arith.constant 4 : i32
        %add3A_261 = arith.addi %mul3A_95, %add3A_260 : i32
        %add3A_262 = arith.constant 8 : i32
        %add3A_263 = arith.addi %add3A_261, %add3A_262 : i32
        %sub3A_264 = arith.constant 1 : i32
        %sub3A_265 = arith.subi %add3A_263, %sub3A_264 : i32
        %dma_start3A_266 = arith.constant 0 : i32
        %dma_start3A_267 = tpu.memref_slice %arg6[%sub3A_265, %dma_start3A_266] : memref<80x128xi32, #tpu.memory_space<vmem>> -> memref<1x128xi32, #tpu.memory_space<vmem>>
        %dma_start3A_268 = tpu.memref_squeeze %dma_start3A_267 : memref<1x128xi32, #tpu.memory_space<vmem>> -> memref<128xi32, #tpu.memory_space<vmem>>
        %dma_start3A_269 = arith.constant 0 : i32
        %dma_start3A_270 = arith.constant 0 : i32
        %dma_start3A_271 = tpu.memref_slice %arg2[%dma_start3A_269, %dma_start3A_270] : memref<10240x16xf32, #tpu.memory_space<hbm>> -> memref<10240x16xf32, #tpu.memory_space<hbm>>
        tpu.enqueue_indirect_dma source(%dma_start3A_271 : memref<10240x16xf32, #tpu.memory_space<hbm>>) target(%arg11 : memref<128x16xf32, #tpu.memory_space<vmem>>) offsets(%dma_start3A_268 : memref<128xi32, #tpu.memory_space<vmem>>) semaphore(%arg20 : memref<!tpu.dma_semaphore, #tpu.memory_space<semaphore_mem>>)
      } else {
      }
      %add3A_194 = arith.constant 4 : i32
      %add3A_195 = arith.addi %mul3A_95, %add3A_194 : i32
      "tpu.region"() ({
        %run_scoped3A = tpu.sem_alloc : memref<!tpu.dma_semaphore, #tpu.memory_space<semaphore_mem>>
        %dma_start3A_260 = arith.constant 0 : i32
        %dma_start3A_261 = tpu.memref_slice %arg7[%add3A_195, %dma_start3A_260] : memref<80x128xi32, #tpu.memory_space<vmem>> -> memref<1x128xi32, #tpu.memory_space<vmem>>
        %dma_start3A_262 = tpu.memref_squeeze %dma_start3A_261 : memref<1x128xi32, #tpu.memory_space<vmem>> -> memref<128xi32, #tpu.memory_space<vmem>>
        %dma_start3A_263 = arith.constant 0 : i32
        %dma_start3A_264 = arith.constant 0 : i32
        %dma_start3A_265 = tpu.memref_slice %arg16[%dma_start3A_263, %dma_start3A_264] : memref<10240x16xf32, #tpu.memory_space<vmem_shared>> -> memref<10240x16xf32, #tpu.memory_space<vmem_shared>>
        tpu.enqueue_indirect_dma source(%arg12 : memref<128x16xf32, #tpu.memory_space<vmem>>) target(%dma_start3A_265 : memref<10240x16xf32, #tpu.memory_space<vmem_shared>>) offsets(%dma_start3A_262 : memref<128xi32, #tpu.memory_space<vmem>>) semaphore(%run_scoped3A : memref<!tpu.dma_semaphore, #tpu.memory_space<semaphore_mem>>) {add = true}
        %dma_wait3A_266 = arith.constant 0 : i32
        %dma_wait3A_267 = tpu.memref_slice %arg7[%add3A_195, %dma_wait3A_266] : memref<80x128xi32, #tpu.memory_space<vmem>> -> memref<1x128xi32, #tpu.memory_space<vmem>>
        %dma_wait3A_268 = tpu.memref_squeeze %dma_wait3A_267 : memref<1x128xi32, #tpu.memory_space<vmem>> -> memref<128xi32, #tpu.memory_space<vmem>>
        %dma_wait3A_269 = arith.constant 0 : i32
        %dma_wait3A_270 = arith.constant 0 : i32
        %dma_wait3A_271 = tpu.memref_slice %arg16[%dma_wait3A_269, %dma_wait3A_270] : memref<10240x16xf32, #tpu.memory_space<vmem_shared>> -> memref<10240x16xf32, #tpu.memory_space<vmem_shared>>
        tpu.wait_indirect_dma semaphore(%run_scoped3A : memref<!tpu.dma_semaphore, #tpu.memory_space<semaphore_mem>>) src(%arg12 : memref<128x16xf32, #tpu.memory_space<vmem>>) dst(%dma_wait3A_271 : memref<10240x16xf32, #tpu.memory_space<vmem_shared>>)
        tpu.yield
      }) : () -> ()
      %add3A_196 = arith.constant 5 : i32
      %add3A_197 = arith.addi %mul3A_95, %add3A_196 : i32
      %dma_wait3A_198 = arith.constant 0 : i32
      %dma_wait3A_199 = tpu.memref_slice %arg6[%add3A_197, %dma_wait3A_198] : memref<80x128xi32, #tpu.memory_space<vmem>> -> memref<1x128xi32, #tpu.memory_space<vmem>>
      %dma_wait3A_200 = tpu.memref_squeeze %dma_wait3A_199 : memref<1x128xi32, #tpu.memory_space<vmem>> -> memref<128xi32, #tpu.memory_space<vmem>>
      %dma_wait3A_201 = arith.constant 0 : i32
      %dma_wait3A_202 = arith.constant 0 : i32
      %dma_wait3A_203 = tpu.memref_slice %arg2[%dma_wait3A_201, %dma_wait3A_202] : memref<10240x16xf32, #tpu.memory_space<hbm>> -> memref<10240x16xf32, #tpu.memory_space<hbm>>
      tpu.wait_indirect_dma semaphore(%arg22 : memref<!tpu.dma_semaphore, #tpu.memory_space<semaphore_mem>>) src(%dma_wait3A_203 : memref<10240x16xf32, #tpu.memory_space<hbm>>) dst(%arg13 : memref<128x16xf32, #tpu.memory_space<vmem>>)
      %add3A_204 = arith.constant 5 : i32
      %add3A_205 = arith.addi %mul3A_95, %add3A_204 : i32
      %add3A_206 = arith.constant 8 : i32
      %add3A_207 = arith.addi %add3A_205, %add3A_206 : i32
      %sub3A_208 = arith.constant 1 : i32
      %sub3A_209 = arith.subi %add3A_207, %sub3A_208 : i32
      %lt3A_210 = arith.constant 80 : i32
      %lt3A_211 = arith.cmpi slt, %sub3A_209, %lt3A_210 : i32
      %convert_element_type3A_212 = arith.extui %lt3A_211 : i1 to i32
      %cond3A_213 = arith.constant 0 : i32
      %cond3A_214 = arith.cmpi ne, %convert_element_type3A_212, %cond3A_213 : i32
      scf.if %cond3A_214 {
        %add3A_260 = arith.constant 5 : i32
        %add3A_261 = arith.addi %mul3A_95, %add3A_260 : i32
        %add3A_262 = arith.constant 8 : i32
        %add3A_263 = arith.addi %add3A_261, %add3A_262 : i32
        %sub3A_264 = arith.constant 1 : i32
        %sub3A_265 = arith.subi %add3A_263, %sub3A_264 : i32
        %dma_start3A_266 = arith.constant 0 : i32
        %dma_start3A_267 = tpu.memref_slice %arg6[%sub3A_265, %dma_start3A_266] : memref<80x128xi32, #tpu.memory_space<vmem>> -> memref<1x128xi32, #tpu.memory_space<vmem>>
        %dma_start3A_268 = tpu.memref_squeeze %dma_start3A_267 : memref<1x128xi32, #tpu.memory_space<vmem>> -> memref<128xi32, #tpu.memory_space<vmem>>
        %dma_start3A_269 = arith.constant 0 : i32
        %dma_start3A_270 = arith.constant 0 : i32
        %dma_start3A_271 = tpu.memref_slice %arg2[%dma_start3A_269, %dma_start3A_270] : memref<10240x16xf32, #tpu.memory_space<hbm>> -> memref<10240x16xf32, #tpu.memory_space<hbm>>
        tpu.enqueue_indirect_dma source(%dma_start3A_271 : memref<10240x16xf32, #tpu.memory_space<hbm>>) target(%arg12 : memref<128x16xf32, #tpu.memory_space<vmem>>) offsets(%dma_start3A_268 : memref<128xi32, #tpu.memory_space<vmem>>) semaphore(%arg21 : memref<!tpu.dma_semaphore, #tpu.memory_space<semaphore_mem>>)
      } else {
      }
      %add3A_215 = arith.constant 5 : i32
      %add3A_216 = arith.addi %mul3A_95, %add3A_215 : i32
      "tpu.region"() ({
        %run_scoped3A = tpu.sem_alloc : memref<!tpu.dma_semaphore, #tpu.memory_space<semaphore_mem>>
        %dma_start3A_260 = arith.constant 0 : i32
        %dma_start3A_261 = tpu.memref_slice %arg7[%add3A_216, %dma_start3A_260] : memref<80x128xi32, #tpu.memory_space<vmem>> -> memref<1x128xi32, #tpu.memory_space<vmem>>
        %dma_start3A_262 = tpu.memref_squeeze %dma_start3A_261 : memref<1x128xi32, #tpu.memory_space<vmem>> -> memref<128xi32, #tpu.memory_space<vmem>>
        %dma_start3A_263 = arith.constant 0 : i32
        %dma_start3A_264 = arith.constant 0 : i32
        %dma_start3A_265 = tpu.memref_slice %arg16[%dma_start3A_263, %dma_start3A_264] : memref<10240x16xf32, #tpu.memory_space<vmem_shared>> -> memref<10240x16xf32, #tpu.memory_space<vmem_shared>>
        tpu.enqueue_indirect_dma source(%arg13 : memref<128x16xf32, #tpu.memory_space<vmem>>) target(%dma_start3A_265 : memref<10240x16xf32, #tpu.memory_space<vmem_shared>>) offsets(%dma_start3A_262 : memref<128xi32, #tpu.memory_space<vmem>>) semaphore(%run_scoped3A : memref<!tpu.dma_semaphore, #tpu.memory_space<semaphore_mem>>) {add = true}
        %dma_wait3A_266 = arith.constant 0 : i32
        %dma_wait3A_267 = tpu.memref_slice %arg7[%add3A_216, %dma_wait3A_266] : memref<80x128xi32, #tpu.memory_space<vmem>> -> memref<1x128xi32, #tpu.memory_space<vmem>>
        %dma_wait3A_268 = tpu.memref_squeeze %dma_wait3A_267 : memref<1x128xi32, #tpu.memory_space<vmem>> -> memref<128xi32, #tpu.memory_space<vmem>>
        %dma_wait3A_269 = arith.constant 0 : i32
        %dma_wait3A_270 = arith.constant 0 : i32
        %dma_wait3A_271 = tpu.memref_slice %arg16[%dma_wait3A_269, %dma_wait3A_270] : memref<10240x16xf32, #tpu.memory_space<vmem_shared>> -> memref<10240x16xf32, #tpu.memory_space<vmem_shared>>
        tpu.wait_indirect_dma semaphore(%run_scoped3A : memref<!tpu.dma_semaphore, #tpu.memory_space<semaphore_mem>>) src(%arg13 : memref<128x16xf32, #tpu.memory_space<vmem>>) dst(%dma_wait3A_271 : memref<10240x16xf32, #tpu.memory_space<vmem_shared>>)
        tpu.yield
      }) : () -> ()
      %add3A_217 = arith.constant 6 : i32
      %add3A_218 = arith.addi %mul3A_95, %add3A_217 : i32
      %dma_wait3A_219 = arith.constant 0 : i32
      %dma_wait3A_220 = tpu.memref_slice %arg6[%add3A_218, %dma_wait3A_219] : memref<80x128xi32, #tpu.memory_space<vmem>> -> memref<1x128xi32, #tpu.memory_space<vmem>>
      %dma_wait3A_221 = tpu.memref_squeeze %dma_wait3A_220 : memref<1x128xi32, #tpu.memory_space<vmem>> -> memref<128xi32, #tpu.memory_space<vmem>>
      %dma_wait3A_222 = arith.constant 0 : i32
      %dma_wait3A_223 = arith.constant 0 : i32
      %dma_wait3A_224 = tpu.memref_slice %arg2[%dma_wait3A_222, %dma_wait3A_223] : memref<10240x16xf32, #tpu.memory_space<hbm>> -> memref<10240x16xf32, #tpu.memory_space<hbm>>
      tpu.wait_indirect_dma semaphore(%arg23 : memref<!tpu.dma_semaphore, #tpu.memory_space<semaphore_mem>>) src(%dma_wait3A_224 : memref<10240x16xf32, #tpu.memory_space<hbm>>) dst(%arg14 : memref<128x16xf32, #tpu.memory_space<vmem>>)
      %add3A_225 = arith.constant 6 : i32
      %add3A_226 = arith.addi %mul3A_95, %add3A_225 : i32
      %add3A_227 = arith.constant 8 : i32
      %add3A_228 = arith.addi %add3A_226, %add3A_227 : i32
      %sub3A_229 = arith.constant 1 : i32
      %sub3A_230 = arith.subi %add3A_228, %sub3A_229 : i32
      %lt3A_231 = arith.constant 80 : i32
      %lt3A_232 = arith.cmpi slt, %sub3A_230, %lt3A_231 : i32
      %convert_element_type3A_233 = arith.extui %lt3A_232 : i1 to i32
      %cond3A_234 = arith.constant 0 : i32
      %cond3A_235 = arith.cmpi ne, %convert_element_type3A_233, %cond3A_234 : i32
      scf.if %cond3A_235 {
        %add3A_260 = arith.constant 6 : i32
        %add3A_261 = arith.addi %mul3A_95, %add3A_260 : i32
        %add3A_262 = arith.constant 8 : i32
        %add3A_263 = arith.addi %add3A_261, %add3A_262 : i32
        %sub3A_264 = arith.constant 1 : i32
        %sub3A_265 = arith.subi %add3A_263, %sub3A_264 : i32
        %dma_start3A_266 = arith.constant 0 : i32
        %dma_start3A_267 = tpu.memref_slice %arg6[%sub3A_265, %dma_start3A_266] : memref<80x128xi32, #tpu.memory_space<vmem>> -> memref<1x128xi32, #tpu.memory_space<vmem>>
        %dma_start3A_268 = tpu.memref_squeeze %dma_start3A_267 : memref<1x128xi32, #tpu.memory_space<vmem>> -> memref<128xi32, #tpu.memory_space<vmem>>
        %dma_start3A_269 = arith.constant 0 : i32
        %dma_start3A_270 = arith.constant 0 : i32
        %dma_start3A_271 = tpu.memref_slice %arg2[%dma_start3A_269, %dma_start3A_270] : memref<10240x16xf32, #tpu.memory_space<hbm>> -> memref<10240x16xf32, #tpu.memory_space<hbm>>
        tpu.enqueue_indirect_dma source(%dma_start3A_271 : memref<10240x16xf32, #tpu.memory_space<hbm>>) target(%arg13 : memref<128x16xf32, #tpu.memory_space<vmem>>) offsets(%dma_start3A_268 : memref<128xi32, #tpu.memory_space<vmem>>) semaphore(%arg22 : memref<!tpu.dma_semaphore, #tpu.memory_space<semaphore_mem>>)
      } else {
      }
      %add3A_236 = arith.constant 6 : i32
      %add3A_237 = arith.addi %mul3A_95, %add3A_236 : i32
      "tpu.region"() ({
        %run_scoped3A = tpu.sem_alloc : memref<!tpu.dma_semaphore, #tpu.memory_space<semaphore_mem>>
        %dma_start3A_260 = arith.constant 0 : i32
        %dma_start3A_261 = tpu.memref_slice %arg7[%add3A_237, %dma_start3A_260] : memref<80x128xi32, #tpu.memory_space<vmem>> -> memref<1x128xi32, #tpu.memory_space<vmem>>
        %dma_start3A_262 = tpu.memref_squeeze %dma_start3A_261 : memref<1x128xi32, #tpu.memory_space<vmem>> -> memref<128xi32, #tpu.memory_space<vmem>>
        %dma_start3A_263 = arith.constant 0 : i32
        %dma_start3A_264 = arith.constant 0 : i32
        %dma_start3A_265 = tpu.memref_slice %arg16[%dma_start3A_263, %dma_start3A_264] : memref<10240x16xf32, #tpu.memory_space<vmem_shared>> -> memref<10240x16xf32, #tpu.memory_space<vmem_shared>>
        tpu.enqueue_indirect_dma source(%arg14 : memref<128x16xf32, #tpu.memory_space<vmem>>) target(%dma_start3A_265 : memref<10240x16xf32, #tpu.memory_space<vmem_shared>>) offsets(%dma_start3A_262 : memref<128xi32, #tpu.memory_space<vmem>>) semaphore(%run_scoped3A : memref<!tpu.dma_semaphore, #tpu.memory_space<semaphore_mem>>) {add = true}
        %dma_wait3A_266 = arith.constant 0 : i32
        %dma_wait3A_267 = tpu.memref_slice %arg7[%add3A_237, %dma_wait3A_266] : memref<80x128xi32, #tpu.memory_space<vmem>> -> memref<1x128xi32, #tpu.memory_space<vmem>>
        %dma_wait3A_268 = tpu.memref_squeeze %dma_wait3A_267 : memref<1x128xi32, #tpu.memory_space<vmem>> -> memref<128xi32, #tpu.memory_space<vmem>>
        %dma_wait3A_269 = arith.constant 0 : i32
        %dma_wait3A_270 = arith.constant 0 : i32
        %dma_wait3A_271 = tpu.memref_slice %arg16[%dma_wait3A_269, %dma_wait3A_270] : memref<10240x16xf32, #tpu.memory_space<vmem_shared>> -> memref<10240x16xf32, #tpu.memory_space<vmem_shared>>
        tpu.wait_indirect_dma semaphore(%run_scoped3A : memref<!tpu.dma_semaphore, #tpu.memory_space<semaphore_mem>>) src(%arg14 : memref<128x16xf32, #tpu.memory_space<vmem>>) dst(%dma_wait3A_271 : memref<10240x16xf32, #tpu.memory_space<vmem_shared>>)
        tpu.yield
      }) : () -> ()
      %add3A_238 = arith.constant 7 : i32
      %add3A_239 = arith.addi %mul3A_95, %add3A_238 : i32
      %dma_wait3A_240 = arith.constant 0 : i32
      %dma_wait3A_241 = tpu.memref_slice %arg6[%add3A_239, %dma_wait3A_240] : memref<80x128xi32, #tpu.memory_space<vmem>> -> memref<1x128xi32, #tpu.memory_space<vmem>>
      %dma_wait3A_242 = tpu.memref_squeeze %dma_wait3A_241 : memref<1x128xi32, #tpu.memory_space<vmem>> -> memref<128xi32, #tpu.memory_space<vmem>>
      %dma_wait3A_243 = arith.constant 0 : i32
      %dma_wait3A_244 = arith.constant 0 : i32
      %dma_wait3A_245 = tpu.memref_slice %arg2[%dma_wait3A_243, %dma_wait3A_244] : memref<10240x16xf32, #tpu.memory_space<hbm>> -> memref<10240x16xf32, #tpu.memory_space<hbm>>
      tpu.wait_indirect_dma semaphore(%arg24 : memref<!tpu.dma_semaphore, #tpu.memory_space<semaphore_mem>>) src(%dma_wait3A_245 : memref<10240x16xf32, #tpu.memory_space<hbm>>) dst(%arg15 : memref<128x16xf32, #tpu.memory_space<vmem>>)
      %add3A_246 = arith.constant 7 : i32
      %add3A_247 = arith.addi %mul3A_95, %add3A_246 : i32
      %add3A_248 = arith.constant 8 : i32
      %add3A_249 = arith.addi %add3A_247, %add3A_248 : i32
      %sub3A_250 = arith.constant 1 : i32
      %sub3A_251 = arith.subi %add3A_249, %sub3A_250 : i32
      %lt3A_252 = arith.constant 80 : i32
      %lt3A_253 = arith.cmpi slt, %sub3A_251, %lt3A_252 : i32
      %convert_element_type3A_254 = arith.extui %lt3A_253 : i1 to i32
      %cond3A_255 = arith.constant 0 : i32
      %cond3A_256 = arith.cmpi ne, %convert_element_type3A_254, %cond3A_255 : i32
      scf.if %cond3A_256 {
        %add3A_260 = arith.constant 7 : i32
        %add3A_261 = arith.addi %mul3A_95, %add3A_260 : i32
        %add3A_262 = arith.constant 8 : i32
        %add3A_263 = arith.addi %add3A_261, %add3A_262 : i32
        %sub3A_264 = arith.constant 1 : i32
        %sub3A_265 = arith.subi %add3A_263, %sub3A_264 : i32
        %dma_start3A_266 = arith.constant 0 : i32
        %dma_start3A_267 = tpu.memref_slice %arg6[%sub3A_265, %dma_start3A_266] : memref<80x128xi32, #tpu.memory_space<vmem>> -> memref<1x128xi32, #tpu.memory_space<vmem>>
        %dma_start3A_268 = tpu.memref_squeeze %dma_start3A_267 : memref<1x128xi32, #tpu.memory_space<vmem>> -> memref<128xi32, #tpu.memory_space<vmem>>
        %dma_start3A_269 = arith.constant 0 : i32
        %dma_start3A_270 = arith.constant 0 : i32
        %dma_start3A_271 = tpu.memref_slice %arg2[%dma_start3A_269, %dma_start3A_270] : memref<10240x16xf32, #tpu.memory_space<hbm>> -> memref<10240x16xf32, #tpu.memory_space<hbm>>
        tpu.enqueue_indirect_dma source(%dma_start3A_271 : memref<10240x16xf32, #tpu.memory_space<hbm>>) target(%arg14 : memref<128x16xf32, #tpu.memory_space<vmem>>) offsets(%dma_start3A_268 : memref<128xi32, #tpu.memory_space<vmem>>) semaphore(%arg23 : memref<!tpu.dma_semaphore, #tpu.memory_space<semaphore_mem>>)
      } else {
      }
      %add3A_257 = arith.constant 7 : i32
      %add3A_258 = arith.addi %mul3A_95, %add3A_257 : i32
      "tpu.region"() ({
        %run_scoped3A = tpu.sem_alloc : memref<!tpu.dma_semaphore, #tpu.memory_space<semaphore_mem>>
        %dma_start3A_260 = arith.constant 0 : i32
        %dma_start3A_261 = tpu.memref_slice %arg7[%add3A_258, %dma_start3A_260] : memref<80x128xi32, #tpu.memory_space<vmem>> -> memref<1x128xi32, #tpu.memory_space<vmem>>
        %dma_start3A_262 = tpu.memref_squeeze %dma_start3A_261 : memref<1x128xi32, #tpu.memory_space<vmem>> -> memref<128xi32, #tpu.memory_space<vmem>>
        %dma_start3A_263 = arith.constant 0 : i32
        %dma_start3A_264 = arith.constant 0 : i32
        %dma_start3A_265 = tpu.memref_slice %arg16[%dma_start3A_263, %dma_start3A_264] : memref<10240x16xf32, #tpu.memory_space<vmem_shared>> -> memref<10240x16xf32, #tpu.memory_space<vmem_shared>>
        tpu.enqueue_indirect_dma source(%arg15 : memref<128x16xf32, #tpu.memory_space<vmem>>) target(%dma_start3A_265 : memref<10240x16xf32, #tpu.memory_space<vmem_shared>>) offsets(%dma_start3A_262 : memref<128xi32, #tpu.memory_space<vmem>>) semaphore(%run_scoped3A : memref<!tpu.dma_semaphore, #tpu.memory_space<semaphore_mem>>) {add = true}
        %dma_wait3A_266 = arith.constant 0 : i32
        %dma_wait3A_267 = tpu.memref_slice %arg7[%add3A_258, %dma_wait3A_266] : memref<80x128xi32, #tpu.memory_space<vmem>> -> memref<1x128xi32, #tpu.memory_space<vmem>>
        %dma_wait3A_268 = tpu.memref_squeeze %dma_wait3A_267 : memref<1x128xi32, #tpu.memory_space<vmem>> -> memref<128xi32, #tpu.memory_space<vmem>>
        %dma_wait3A_269 = arith.constant 0 : i32
        %dma_wait3A_270 = arith.constant 0 : i32
        %dma_wait3A_271 = tpu.memref_slice %arg16[%dma_wait3A_269, %dma_wait3A_270] : memref<10240x16xf32, #tpu.memory_space<vmem_shared>> -> memref<10240x16xf32, #tpu.memory_space<vmem_shared>>
        tpu.wait_indirect_dma semaphore(%run_scoped3A : memref<!tpu.dma_semaphore, #tpu.memory_space<semaphore_mem>>) src(%arg15 : memref<128x16xf32, #tpu.memory_space<vmem>>) dst(%dma_wait3A_271 : memref<10240x16xf32, #tpu.memory_space<vmem_shared>>)
        tpu.yield
      }) : () -> ()
      %scan3A_259 = arith.constant 0 : i32
      scf.yield %scan3A_259 : i32
    }
    %scan3A_86 = arith.constant 10 : i32
    %barrier3A_87 = arith.constant 0 : index
    tpu.barrier barrier_id(%barrier3A_87)
    %mul3A_88 = arith.constant 640 : i32
    %mul3A_89 = arith.muli %arg1, %mul3A_88 : i32
    %mul3A_90 = arith.constant 640 : i32
    %mul3A_91 = arith.muli %arg1, %mul3A_90 : i32
    "tpu.region"() ({
      %run_scoped3A = tpu.sem_alloc : memref<!tpu.dma_semaphore, #tpu.memory_space<semaphore_mem>>
      %dma_start3A_92 = arith.constant 0 : i32
      %dma_start3A_93 = tpu.memref_slice %arg5[%arg0, %mul3A_91, %dma_start3A_92] : memref<2x10240x16xf32, #tpu.memory_space<hbm>> -> memref<1x640x16xf32, #tpu.memory_space<hbm>>
      %dma_start3A_94 = tpu.memref_squeeze %dma_start3A_93 : memref<1x640x16xf32, #tpu.memory_space<hbm>> -> memref<640x16xf32, #tpu.memory_space<hbm>>
      %dma_start3A_95 = arith.constant 0 : i32
      %dma_start3A_96 = tpu.memref_slice %arg16[%mul3A_89, %dma_start3A_95] : memref<10240x16xf32, #tpu.memory_space<vmem_shared>> -> memref<640x16xf32, #tpu.memory_space<vmem_shared>>
      tpu.enqueue_dma source(%dma_start3A_96 : memref<640x16xf32, #tpu.memory_space<vmem_shared>>) target(%dma_start3A_94 : memref<640x16xf32, #tpu.memory_space<hbm>>) target_semaphore(%run_scoped3A : memref<!tpu.dma_semaphore, #tpu.memory_space<semaphore_mem>>)
      %dma_wait3A = arith.constant 0 : i32
      %dma_wait3A_97 = tpu.memref_slice %arg5[%arg0, %mul3A_91, %dma_wait3A] : memref<2x10240x16xf32, #tpu.memory_space<hbm>> -> memref<1x640x16xf32, #tpu.memory_space<hbm>>
      %dma_wait3A_98 = tpu.memref_squeeze %dma_wait3A_97 : memref<1x640x16xf32, #tpu.memory_space<hbm>> -> memref<640x16xf32, #tpu.memory_space<hbm>>
      %dma_wait3A_99 = arith.constant 0 : i32
      %dma_wait3A_100 = tpu.memref_slice %arg16[%mul3A_89, %dma_wait3A_99] : memref<10240x16xf32, #tpu.memory_space<vmem_shared>> -> memref<640x16xf32, #tpu.memory_space<vmem_shared>>
      tpu.wait_dma2 semaphore(%run_scoped3A : memref<!tpu.dma_semaphore, #tpu.memory_space<semaphore_mem>>) src(%dma_wait3A_100 : memref<640x16xf32, #tpu.memory_space<vmem_shared>>) dst(%dma_wait3A_98 : memref<640x16xf32, #tpu.memory_space<hbm>>)
      tpu.yield
    }) : () -> ()
    return
  }
}

module attributes {stable_mosaic.version = 14 : i64} {
  func.func @_tc1_body(%arg0: i32, %arg1: memref<1024x128xf32, #tpu.memory_space<vmem>>, %arg2: memref<128x32xf32, #tpu.memory_space<vmem>>, %arg3: memref<2x1024xf32, #tpu.memory_space<vmem>>, %arg4: memref<1024x32xf32, #tpu.memory_space<vmem>>) attributes {dimension_semantics = [#tpu.dimension_semantics<arbitrary>], iteration_bounds = array<i64: 10>, scalar_prefetch = 0 : i64, scratch_operands = 0 : i64, tpu.core_type = #tpu.core_type<tc>, window_params = [{transform_indices = @transform_0, window_bounds = array<i64: 1024, 128>}, {pipeline_mode = #tpu.pipeline_mode<synchronous>, transform_indices = @transform_1, window_bounds = array<i64: 128, 32>}, {transform_indices = @transform_2, window_bounds = array<i64: 2, 1024>}, {transform_indices = @transform_3, window_bounds = array<i64: 1024, 32>}]} {
    %get3A = arith.constant 0 : index
    %get3A_0 = arith.constant 0 : index
    %get3A_1 = vector.load %arg3[%get3A, %get3A_0] : memref<2x1024xf32, #tpu.memory_space<vmem>>, vector<2x1024xf32>
    %reduce_sum3A = arith.constant dense<0.000000e+00> : vector<1024xf32>
    %reduce_sum3A_2 = vector.multi_reduction <add>, %get3A_1, %reduce_sum3A [0] : vector<2x1024xf32> to vector<1024xf32>
    %add3A = arith.constant 1.000000e+00 : f32
    %add3A_3 = vector.broadcast %add3A : f32 to vector<1024xf32>
    %add3A_4 = arith.addf %reduce_sum3A_2, %add3A_3 : vector<1024xf32>
    %rsqrt3A = math.rsqrt %add3A_4 : vector<1024xf32>
    %get3A_5 = arith.constant 0 : index
    %get3A_6 = arith.constant 0 : index
    %get3A_7 = vector.load %arg1[%get3A_5, %get3A_6] : memref<1024x128xf32, #tpu.memory_space<vmem>>, vector<1024x128xf32>
    %get3A_8 = arith.constant 0 : index
    %get3A_9 = arith.constant 0 : index
    %get3A_10 = vector.load %arg2[%get3A_8, %get3A_9] : memref<128x32xf32, #tpu.memory_space<vmem>>, vector<128x32xf32>
    %dot_general3A = arith.constant dense<0.000000e+00> : vector<1024x32xf32>
    %dot_general3A_11 = tpu.matmul %get3A_7, %get3A_10, %dot_general3A {dimension_numbers = #tpu.dot_dimension_numbers<[1], [0], [0], [1], [0, 0, 1, 1], [], []>, transpose_lhs_hint = false} : vector<1024x128xf32>, vector<128x32xf32>, vector<1024x32xf32> -> vector<1024x32xf32>
    %broadcast_in_dim3A = vector.shape_cast %rsqrt3A : vector<1024xf32> to vector<1024x1xf32>
    %mul3A = vector.broadcast %broadcast_in_dim3A : vector<1024x1xf32> to vector<1024x32xf32>
    %mul3A_12 = arith.mulf %dot_general3A_11, %mul3A : vector<1024x32xf32>
    %swap3A = arith.constant 0 : index
    %swap3A_13 = arith.constant 0 : index
    %swap3A_14 = vector.load %arg4[%swap3A, %swap3A_13] : memref<1024x32xf32, #tpu.memory_space<vmem>>, vector<1024x32xf32>
    tpu.vector_store %arg4[%swap3A, %swap3A_13], %mul3A_12 {strides = array<i32>} : memref<1024x32xf32, #tpu.memory_space<vmem>>, vector<1024x32xf32>,
    return
  }
  func.func @transform_0(%arg0: i32) -> (i32, i32) {
    %c0_i32 = arith.constant 0 : i32
    %c0_i32_0 = arith.constant 0 : i32
    return %arg0, %c0_i32 : i32, i32
  }
  func.func @transform_1(%arg0: i32) -> (i32, i32) {
    %c0_i32 = arith.constant 0 : i32
    %c0_i32_0 = arith.constant 0 : i32
    %c0_i32_1 = arith.constant 0 : i32
    return %c0_i32, %c0_i32_0 : i32, i32
  }
  func.func @transform_2(%arg0: i32) -> (i32, i32) {
    %c0_i32 = arith.constant 0 : i32
    %c0_i32_0 = arith.constant 0 : i32
    return %c0_i32, %arg0 : i32, i32
  }
  func.func @transform_3(%arg0: i32) -> (i32, i32) {
    %c0_i32 = arith.constant 0 : i32
    %c0_i32_0 = arith.constant 0 : i32
    return %arg0, %c0_i32 : i32, i32
  }
}

module attributes {stable_mosaic.version = 14 : i64} {
  func.func @_tc_mid_body(%arg0: i32, %arg1: memref<2x1024x32xf32, #tpu.memory_space<vmem>>, %arg2: memref<1024x32xf32, #tpu.memory_space<vmem>>, %arg3: memref<2x1024xf32, #tpu.memory_space<vmem>>, %arg4: memref<1x32xf32, #tpu.memory_space<vmem>>, %arg5: memref<32x16xf32, #tpu.memory_space<vmem>>, %arg6: memref<1024x16xf32, #tpu.memory_space<vmem>>) attributes {dimension_semantics = [#tpu.dimension_semantics<arbitrary>], iteration_bounds = array<i64: 10>, scalar_prefetch = 0 : i64, scratch_operands = 0 : i64, tpu.core_type = #tpu.core_type<tc>, window_params = [{transform_indices = @transform_0, window_bounds = array<i64: 2, 1024, 32>}, {transform_indices = @transform_1, window_bounds = array<i64: 1024, 32>}, {transform_indices = @transform_2, window_bounds = array<i64: 2, 1024>}, {pipeline_mode = #tpu.pipeline_mode<synchronous>, transform_indices = @transform_3, window_bounds = array<i64: 1, 32>}, {pipeline_mode = #tpu.pipeline_mode<synchronous>, transform_indices = @transform_4, window_bounds = array<i64: 32, 16>}, {transform_indices = @transform_5, window_bounds = array<i64: 1024, 16>}]} {
    %get3A = arith.constant 0 : index
    %get3A_0 = arith.constant 0 : index
    %get3A_1 = vector.load %arg3[%get3A, %get3A_0] : memref<2x1024xf32, #tpu.memory_space<vmem>>, vector<2x1024xf32>
    %reduce_sum3A = arith.constant dense<0.000000e+00> : vector<1024xf32>
    %reduce_sum3A_2 = vector.multi_reduction <add>, %get3A_1, %reduce_sum3A [0] : vector<2x1024xf32> to vector<1024xf32>
    %add3A = arith.constant 1.000000e+00 : f32
    %add3A_3 = vector.broadcast %add3A : f32 to vector<1024xf32>
    %add3A_4 = arith.addf %reduce_sum3A_2, %add3A_3 : vector<1024xf32>
    %rsqrt3A = math.rsqrt %add3A_4 : vector<1024xf32>
    %get3A_5 = arith.constant 0 : index
    %get3A_6 = arith.constant 0 : index
    %get3A_7 = arith.constant 0 : index
    %get3A_8 = vector.load %arg1[%get3A_5, %get3A_6, %get3A_7] : memref<2x1024x32xf32, #tpu.memory_space<vmem>>, vector<1x1024x32xf32>
    %get3A_9 = vector.shape_cast %get3A_8 : vector<1x1024x32xf32> to vector<1024x32xf32>
    %get3A_10 = arith.constant 1 : index
    %get3A_11 = arith.constant 0 : index
    %get3A_12 = arith.constant 0 : index
    %get3A_13 = vector.load %arg1[%get3A_10, %get3A_11, %get3A_12] : memref<2x1024x32xf32, #tpu.memory_space<vmem>>, vector<1x1024x32xf32>
    %get3A_14 = vector.shape_cast %get3A_13 : vector<1x1024x32xf32> to vector<1024x32xf32>
    %add3A_15 = arith.addf %get3A_9, %get3A_14 : vector<1024x32xf32>
    %get3A_16 = arith.constant 0 : index
    %get3A_17 = arith.constant 0 : index
    %get3A_18 = vector.load %arg2[%get3A_16, %get3A_17] : memref<1024x32xf32, #tpu.memory_space<vmem>>, vector<1024x32xf32>
    %add3A_19 = arith.addf %add3A_15, %get3A_18 : vector<1024x32xf32>
    %broadcast_in_dim3A = vector.shape_cast %rsqrt3A : vector<1024xf32> to vector<1024x1xf32>
    %mul3A = vector.broadcast %broadcast_in_dim3A : vector<1024x1xf32> to vector<1024x32xf32>
    %mul3A_20 = arith.mulf %add3A_19, %mul3A : vector<1024x32xf32>
    %get3A_21 = arith.constant 0 : index
    %get3A_22 = arith.constant 0 : index
    %get3A_23 = vector.load %arg4[%get3A_21, %get3A_22] : memref<1x32xf32, #tpu.memory_space<vmem>>, vector<1x32xf32>
    %add3A_24 = vector.broadcast %get3A_23 : vector<1x32xf32> to vector<1024x32xf32>
    %add3A_25 = arith.addf %mul3A_20, %add3A_24 : vector<1024x32xf32>
    %max3A = arith.constant 0.000000e+00 : f32
    %max3A_26 = vector.broadcast %max3A : f32 to vector<1024x32xf32>
    %max3A_27 = arith.maximumf %add3A_25, %max3A_26 : vector<1024x32xf32>
    %get3A_28 = arith.constant 0 : index
    %get3A_29 = arith.constant 0 : index
    %get3A_30 = vector.load %arg5[%get3A_28, %get3A_29] : memref<32x16xf32, #tpu.memory_space<vmem>>, vector<32x16xf32>
    %dot_general3A = arith.constant dense<0.000000e+00> : vector<1024x16xf32>
    %dot_general3A_31 = tpu.matmul %max3A_27, %get3A_30, %dot_general3A {dimension_numbers = #tpu.dot_dimension_numbers<[1], [0], [0], [1], [0, 0, 1, 1], [], []>, transpose_lhs_hint = false} : vector<1024x32xf32>, vector<32x16xf32>, vector<1024x16xf32> -> vector<1024x16xf32>
    %broadcast_in_dim3A_32 = vector.shape_cast %rsqrt3A : vector<1024xf32> to vector<1024x1xf32>
    %mul3A_33 = vector.broadcast %broadcast_in_dim3A_32 : vector<1024x1xf32> to vector<1024x16xf32>
    %mul3A_34 = arith.mulf %dot_general3A_31, %mul3A_33 : vector<1024x16xf32>
    %swap3A = arith.constant 0 : index
    %swap3A_35 = arith.constant 0 : index
    %swap3A_36 = vector.load %arg6[%swap3A, %swap3A_35] : memref<1024x16xf32, #tpu.memory_space<vmem>>, vector<1024x16xf32>
    tpu.vector_store %arg6[%swap3A, %swap3A_35], %mul3A_34 {strides = array<i32>} : memref<1024x16xf32, #tpu.memory_space<vmem>>, vector<1024x16xf32>,
    return
  }
  func.func @transform_0(%arg0: i32) -> (i32, i32, i32) {
    %c0_i32 = arith.constant 0 : i32
    %c0_i32_0 = arith.constant 0 : i32
    %c0_i32_1 = arith.constant 0 : i32
    return %c0_i32, %arg0, %c0_i32_0 : i32, i32, i32
  }
  func.func @transform_1(%arg0: i32) -> (i32, i32) {
    %c0_i32 = arith.constant 0 : i32
    %c0_i32_0 = arith.constant 0 : i32
    return %arg0, %c0_i32 : i32, i32
  }
  func.func @transform_2(%arg0: i32) -> (i32, i32) {
    %c0_i32 = arith.constant 0 : i32
    %c0_i32_0 = arith.constant 0 : i32
    return %c0_i32, %arg0 : i32, i32
  }
  func.func @transform_3(%arg0: i32) -> (i32, i32) {
    %c0_i32 = arith.constant 0 : i32
    %c0_i32_0 = arith.constant 0 : i32
    %c0_i32_1 = arith.constant 0 : i32
    return %c0_i32, %c0_i32_0 : i32, i32
  }
  func.func @transform_4(%arg0: i32) -> (i32, i32) {
    %c0_i32 = arith.constant 0 : i32
    %c0_i32_0 = arith.constant 0 : i32
    %c0_i32_1 = arith.constant 0 : i32
    return %c0_i32, %c0_i32_0 : i32, i32
  }
  func.func @transform_5(%arg0: i32) -> (i32, i32) {
    %c0_i32 = arith.constant 0 : i32
    %c0_i32_0 = arith.constant 0 : i32
    return %arg0, %c0_i32 : i32, i32
  }
}

module attributes {stable_mosaic.version = 14 : i64} {
  func.func @_tc3_body(%arg0: i32, %arg1: memref<2x1024x16xf32, #tpu.memory_space<vmem>>, %arg2: memref<1024x16xf32, #tpu.memory_space<vmem>>, %arg3: memref<2x1024xf32, #tpu.memory_space<vmem>>, %arg4: memref<1x16xf32, #tpu.memory_space<vmem>>, %arg5: memref<16x128xf32, #tpu.memory_space<vmem>>, %arg6: memref<1x128xf32, #tpu.memory_space<vmem>>, %arg7: memref<1024x128xf32, #tpu.memory_space<vmem>>) attributes {dimension_semantics = [#tpu.dimension_semantics<arbitrary>], iteration_bounds = array<i64: 10>, scalar_prefetch = 0 : i64, scratch_operands = 0 : i64, tpu.core_type = #tpu.core_type<tc>, window_params = [{transform_indices = @transform_0, window_bounds = array<i64: 2, 1024, 16>}, {transform_indices = @transform_1, window_bounds = array<i64: 1024, 16>}, {transform_indices = @transform_2, window_bounds = array<i64: 2, 1024>}, {pipeline_mode = #tpu.pipeline_mode<synchronous>, transform_indices = @transform_3, window_bounds = array<i64: 1, 16>}, {pipeline_mode = #tpu.pipeline_mode<synchronous>, transform_indices = @transform_4, window_bounds = array<i64: 16, 128>}, {pipeline_mode = #tpu.pipeline_mode<synchronous>, transform_indices = @transform_5, window_bounds = array<i64: 1, 128>}, {transform_indices = @transform_6, window_bounds = array<i64: 1024, 128>}]} {
    %get3A = arith.constant 0 : index
    %get3A_0 = arith.constant 0 : index
    %get3A_1 = vector.load %arg3[%get3A, %get3A_0] : memref<2x1024xf32, #tpu.memory_space<vmem>>, vector<2x1024xf32>
    %reduce_sum3A = arith.constant dense<0.000000e+00> : vector<1024xf32>
    %reduce_sum3A_2 = vector.multi_reduction <add>, %get3A_1, %reduce_sum3A [0] : vector<2x1024xf32> to vector<1024xf32>
    %add3A = arith.constant 1.000000e+00 : f32
    %add3A_3 = vector.broadcast %add3A : f32 to vector<1024xf32>
    %add3A_4 = arith.addf %reduce_sum3A_2, %add3A_3 : vector<1024xf32>
    %rsqrt3A = math.rsqrt %add3A_4 : vector<1024xf32>
    %get3A_5 = arith.constant 0 : index
    %get3A_6 = arith.constant 0 : index
    %get3A_7 = arith.constant 0 : index
    %get3A_8 = vector.load %arg1[%get3A_5, %get3A_6, %get3A_7] : memref<2x1024x16xf32, #tpu.memory_space<vmem>>, vector<1x1024x16xf32>
    %get3A_9 = vector.shape_cast %get3A_8 : vector<1x1024x16xf32> to vector<1024x16xf32>
    %get3A_10 = arith.constant 1 : index
    %get3A_11 = arith.constant 0 : index
    %get3A_12 = arith.constant 0 : index
    %get3A_13 = vector.load %arg1[%get3A_10, %get3A_11, %get3A_12] : memref<2x1024x16xf32, #tpu.memory_space<vmem>>, vector<1x1024x16xf32>
    %get3A_14 = vector.shape_cast %get3A_13 : vector<1x1024x16xf32> to vector<1024x16xf32>
    %add3A_15 = arith.addf %get3A_9, %get3A_14 : vector<1024x16xf32>
    %get3A_16 = arith.constant 0 : index
    %get3A_17 = arith.constant 0 : index
    %get3A_18 = vector.load %arg2[%get3A_16, %get3A_17] : memref<1024x16xf32, #tpu.memory_space<vmem>>, vector<1024x16xf32>
    %add3A_19 = arith.addf %add3A_15, %get3A_18 : vector<1024x16xf32>
    %broadcast_in_dim3A = vector.shape_cast %rsqrt3A : vector<1024xf32> to vector<1024x1xf32>
    %mul3A = vector.broadcast %broadcast_in_dim3A : vector<1024x1xf32> to vector<1024x16xf32>
    %mul3A_20 = arith.mulf %add3A_19, %mul3A : vector<1024x16xf32>
    %get3A_21 = arith.constant 0 : index
    %get3A_22 = arith.constant 0 : index
    %get3A_23 = vector.load %arg4[%get3A_21, %get3A_22] : memref<1x16xf32, #tpu.memory_space<vmem>>, vector<1x16xf32>
    %add3A_24 = vector.broadcast %get3A_23 : vector<1x16xf32> to vector<1024x16xf32>
    %add3A_25 = arith.addf %mul3A_20, %add3A_24 : vector<1024x16xf32>
    %max3A = arith.constant 0.000000e+00 : f32
    %max3A_26 = vector.broadcast %max3A : f32 to vector<1024x16xf32>
    %max3A_27 = arith.maximumf %add3A_25, %max3A_26 : vector<1024x16xf32>
    %get3A_28 = arith.constant 0 : index
    %get3A_29 = arith.constant 0 : index
    %get3A_30 = vector.load %arg5[%get3A_28, %get3A_29] : memref<16x128xf32, #tpu.memory_space<vmem>>, vector<16x128xf32>
    %dot_general3A = arith.constant dense<0.000000e+00> : vector<1024x128xf32>
    %dot_general3A_31 = tpu.matmul %max3A_27, %get3A_30, %dot_general3A {dimension_numbers = #tpu.dot_dimension_numbers<[1], [0], [0], [1], [0, 0, 1, 1], [], []>, transpose_lhs_hint = false} : vector<1024x16xf32>, vector<16x128xf32>, vector<1024x128xf32> -> vector<1024x128xf32>
    %get3A_32 = arith.constant 0 : index
    %get3A_33 = arith.constant 0 : index
    %get3A_34 = vector.load %arg6[%get3A_32, %get3A_33] : memref<1x128xf32, #tpu.memory_space<vmem>>, vector<1x128xf32>
    %add3A_35 = vector.broadcast %get3A_34 : vector<1x128xf32> to vector<1024x128xf32>
    %add3A_36 = arith.addf %dot_general3A_31, %add3A_35 : vector<1024x128xf32>
    %reduce_max3A = arith.constant dense<0xFF800000> : vector<1024xf32>
    %reduce_max3A_37 = vector.multi_reduction <maximumf>, %add3A_36, %reduce_max3A [1] : vector<1024x128xf32> to vector<1024xf32>
    %broadcast_in_dim3A_38 = vector.shape_cast %reduce_max3A_37 : vector<1024xf32> to vector<1024x1xf32>
    %sub3A = vector.broadcast %broadcast_in_dim3A_38 : vector<1024x1xf32> to vector<1024x128xf32>
    %sub3A_39 = arith.subf %add3A_36, %sub3A : vector<1024x128xf32>
    %exp3A = math.exp %sub3A_39 : vector<1024x128xf32>
    %reduce_sum3A_40 = arith.constant dense<0.000000e+00> : vector<1024xf32>
    %reduce_sum3A_41 = vector.multi_reduction <add>, %exp3A, %reduce_sum3A_40 [1] : vector<1024x128xf32> to vector<1024xf32>
    %broadcast_in_dim3A_42 = vector.shape_cast %reduce_sum3A_41 : vector<1024xf32> to vector<1024x1xf32>
    %log3A = math.log %broadcast_in_dim3A_42 : vector<1024x1xf32>
    %add3A_43 = arith.addf %log3A, %broadcast_in_dim3A_38 : vector<1024x1xf32>
    %sub3A_44 = vector.broadcast %add3A_43 : vector<1024x1xf32> to vector<1024x128xf32>
    %sub3A_45 = arith.subf %add3A_36, %sub3A_44 : vector<1024x128xf32>
    %swap3A = arith.constant 0 : index
    %swap3A_46 = arith.constant 0 : index
    %swap3A_47 = vector.load %arg7[%swap3A, %swap3A_46] : memref<1024x128xf32, #tpu.memory_space<vmem>>, vector<1024x128xf32>
    tpu.vector_store %arg7[%swap3A, %swap3A_46], %sub3A_45 {strides = array<i32>} : memref<1024x128xf32, #tpu.memory_space<vmem>>, vector<1024x128xf32>,
    return
  }
  func.func @transform_0(%arg0: i32) -> (i32, i32, i32) {
    %c0_i32 = arith.constant 0 : i32
    %c0_i32_0 = arith.constant 0 : i32
    %c0_i32_1 = arith.constant 0 : i32
    return %c0_i32, %arg0, %c0_i32_0 : i32, i32, i32
  }
  func.func @transform_1(%arg0: i32) -> (i32, i32) {
    %c0_i32 = arith.constant 0 : i32
    %c0_i32_0 = arith.constant 0 : i32
    return %arg0, %c0_i32 : i32, i32
  }
  func.func @transform_2(%arg0: i32) -> (i32, i32) {
    %c0_i32 = arith.constant 0 : i32
    %c0_i32_0 = arith.constant 0 : i32
    return %c0_i32, %arg0 : i32, i32
  }
  func.func @transform_3(%arg0: i32) -> (i32, i32) {
    %c0_i32 = arith.constant 0 : i32
    %c0_i32_0 = arith.constant 0 : i32
    %c0_i32_1 = arith.constant 0 : i32
    return %c0_i32, %c0_i32_0 : i32, i32
  }
  func.func @transform_4(%arg0: i32) -> (i32, i32) {
    %c0_i32 = arith.constant 0 : i32
    %c0_i32_0 = arith.constant 0 : i32
    %c0_i32_1 = arith.constant 0 : i32
    return %c0_i32, %c0_i32_0 : i32, i32
  }
  func.func @transform_5(%arg0: i32) -> (i32, i32) {
    %c0_i32 = arith.constant 0 : i32
    %c0_i32_0 = arith.constant 0 : i32
    %c0_i32_1 = arith.constant 0 : i32
    return %c0_i32, %c0_i32_0 : i32, i32
  }
  func.func @transform_6(%arg0: i32) -> (i32, i32) {
    %c0_i32 = arith.constant 0 : i32
    %c0_i32_0 = arith.constant 0 : i32
    return %arg0, %c0_i32 : i32, i32
  }
}

</mosaic_0001>

<sc_bundles>
// kernel: kernel.11.cloned.1.call-start
scs
__scs_entry_jumppad:
0x0: {  	(pc) =	sbr.rel $0x88, $3  }
0x1: {  	(tag) =	ssettag $0x0;
	lr =	simm.s32 $0x1  }
0x2: {  	[smem:$0x3F99] =	sst lr;
	_ =	strace $0xD0000000  }
0x3: {  	_ = 	snop  }
0x4: {  	_ = 	snop  }
0x5: {  	_ = 	snop  }
0x6: {  	_ = 	snop  }
0x7: {  	_ = 	snop  }
__scs_overlays_trampoline_lowered:
0x8: {  	[smem:$0x3FA8] =	sst s0  }
0x9: {  	[smem:$0x3FA9] =	sst s1  }
0xa: {  	[smem:$0x3FAA] =	sst s2  }
0xb: {  	[smem:$0x3FAB] =	sst s3  }
0xc: {  	[smem:$0x3FAC] =	sst s4  }
0xd: {  	[smem:$0x3FAD] =	sst s5  }
0xe: {  	[smem:$0x3FAE] =	sst s6  }
0xf: {  	[smem:$0x3FAF] =	sst s7  }
0x10: {  	[smem:$0x3FB0] =	sst s8  }
0x11: {  	[smem:$0x3FB1] =	sst s9;
	s0 =	simm.s32 @!p0 $0x0  }
0x12: {  	s1 =	sld [smem:$0x3F97];
	s0 =	simm.s32 @p0 $0x1  }
0x13: {  	[smem:$0x3FB2] =	sst s0;
	s0 =	simm.s32 @!p1 $0x0  }
0x14: {  	s2 =	sld [smem:$0x3F96];
	s0 =	simm.s32 @p1 $0x1  }
0x15: {  	[smem:$0x3FB3] =	sst s0;
	s0 =	simm.s32 @!p2 $0x0  }
0x16: {  	s3 =	sld [smem:$0x3FDB];
	s0 =	simm.s32 @p2 $0x1  }
0x17: {  	s4 =	simm.s32 $0x1BF5;
	[smem:$0x3FB5] =	sst s0  }
0x18: {  	s0 =	sld [smem:$0x3F98];
	_ =	swait.ge [sflag:s4], $0x0  }
0x19: {  	s7 =	sld [smem:$0x3F99]  }
0x1a: {  	s8 =	sadd.s32 $0xFFFFE003, lr  }
0x1b: {  	s9 =	sadd.s32 $0xFFFFFEF7, lr;
	s5 =	simm.s32 $0xFFFFFFFF;
	p2 =	slt.u32 s8, $0xFFFFF086  }
0x1c: {  	p1 =	slt.u32 s9, $0xF7A;
	s5 =	simm.s32 @!p2 $0x0  }
0x1d: {  	s5 =	simm.s32 @p1 $0x1;
	p0 =	seq.s32 s7, s2  }
0x1e: {  	s7 =	smul.u32 @!p0 $0xF7A, s2;
	p2 =	seq.s32 @!p0 s5, $0x0  }
0x1f: {  	s9 =	smul.u32 $0xF7A, s1;
	s8 =	simm.s32 @!p0 $0x1BF5;
	p2 =	por !p2, p0  }
0x20: {  	[sflag:s8] =	ssyncset.s32 @!p0 $0xFFFFF086;
	s6 =	sadd.s32 @!p0 s3, s7;
	s7 =	simm.s32 @!p0 $0x108  }
0x21: {  	s3 =	sadd.s32 s3, s9;
	s6 =	sadd.s32 @!p0 $0x88, s6;
	s7 =	simm.s32 @p2 $0x1082  }
0x22: {  	[simem:s7], [sflag:s8] =	dma.local @!p0 [hbm:s6], $0xF7A  }
0x23: {  	s9 =	sor.u32 $0xD0000000, s2;
	s6 =	simm.s32 $0x108;
	_ =	swait.ge @!p0 [sflag:s8], $0x0  }
0x24: {  	s3 =	sadd.s32 $0x88, s3;
	s6 =	simm.s32 @!p1 $0x1082;
	[sflag:s4] =	ssyncset.s32 $0xFFFFF086  }
0x25: {  	[simem:s6], [sflag:s4] =	dma.local [hbm:s3], $0xF7A  }
0x26: {  	[smem:$0x3F99] =	sst s1;
	(tag) =	ssettag s2;
	_ =	strace s9  }
0x27: {  	s1 =	sld [smem:$0x3FA9]  }
0x28: {  	s2 =	sld [smem:$0x3FAA]  }
0x29: {  	s4 =	sld [smem:$0x3FAC]  }
0x2a: {  	p0 =	seq.s32 s5, $0x0;
	s5 =	sld [smem:$0x3FAD]  }
0x2b: {  	s6 =	sld [smem:$0x3FAE]  }
0x2c: {  	s7 =	sld [smem:$0x3FAF]  }
0x2d: {  	s3 =	simm.s32 $0x108;
	s8 =	sld [smem:$0x3FB0]  }
0x2e: {  	s3 =	simm.s32 @!p0 $0x1082;
	s9 =	sld [smem:$0x3FB1]  }
0x2f: {  	lr =	sadd.s32 s0, s3;
	s0 =	sld [smem:$0x3FA8]  }
0x30: {  	s3 =	sld [smem:$0x3FAB]  }
0x31: {  	[smem:$0x3FB4] =	sst s10  }
0x32: {  	s10 =	sld [smem:$0x3FB2];
	_ =	sdelay $0x3  }
0x33: {  	p0 =	seq.s32 s10, $0x1;
	s10 =	sld [smem:$0x3FB4];
	_ =	sdelay $0x3  }
0x34: {  	[smem:$0x3FB4] =	sst s10  }
0x35: {  	s10 =	sld [smem:$0x3FB3];
	_ =	sdelay $0x3  }
0x36: {  	p1 =	seq.s32 s10, $0x1;
	s10 =	sld [smem:$0x3FB4];
	_ =	sdelay $0x3  }
0x37: {  	[smem:$0x3FB4] =	sst s10  }
0x38: {  	s10 =	sld [smem:$0x3FB5]  }
0x39: {  	_ = 	snop;
	(pc) =	sbr.ind lr, $3  }
0x3a: {  	_ = 	snop  }
0x3b: {  	_ = 	snop  }
0x3c: {  	p2 =	seq.s32 s10, $0x1;
	s10 =	sld [smem:$0x3FB4]  }
0x3d: {  	_ =	shalt  }
0x3e: {  	_ =	shalt  }
0x3f: {  	_ =	shalt  }
0x40: {  	_ =	shalt  }
0x41: {  	_ =	shalt  }
0x42: {  	_ =	shalt  }
0x43: {  	_ =	shalt  }
0x44: {  	_ =	shalt  }
0x45: {  	_ =	shalt  }
0x46: {  	_ =	shalt  }
0x47: {  	_ =	shalt  }
0x48: {  	_ =	shalt  }
0x49: {  	_ =	shalt  }
0x4a: {  	_ =	shalt  }
0x4b: {  	_ =	shalt  }
0x4c: {  	_ =	shalt  }
0x4d: {  	_ =	shalt  }
0x4e: {  	_ =	shalt  }
0x4f: {  	_ =	shalt  }
0x50: {  	_ =	shalt  }
0x51: {  	_ =	shalt  }
0x52: {  	_ =	shalt  }
0x53: {  	_ =	shalt  }
0x54: {  	_ =	shalt  }
0x55: {  	_ =	shalt  }
0x56: {  	_ =	shalt  }
0x57: {  	_ =	shalt  }
0x58: {  	_ =	shalt  }
0x59: {  	_ =	shalt  }
0x5a: {  	_ =	shalt  }
0x5b: {  	_ =	shalt  }
0x5c: {  	_ =	shalt  }
0x5d: {  	_ =	shalt  }
0x5e: {  	_ =	shalt  }
0x5f: {  	_ =	shalt  }
0x60: {  	_ =	shalt  }
0x61: {  	_ =	shalt  }
0x62: {  	_ =	shalt  }
0x63: {  	_ =	shalt  }
0x64: {  	_ =	shalt  }
0x65: {  	_ =	shalt  }
0x66: {  	_ =	shalt  }
0x67: {  	_ =	shalt  }
0x68: {  	_ =	shalt  }
0x69: {  	_ =	shalt  }
0x6a: {  	_ =	shalt  }
0x6b: {  	_ =	shalt  }
0x6c: {  	_ =	shalt  }
0x6d: {  	_ =	shalt  }
0x6e: {  	_ =	shalt  }
0x6f: {  	_ =	shalt  }
0x70: {  	_ =	shalt  }
0x71: {  	_ =	shalt  }
0x72: {  	_ =	shalt  }
0x73: {  	_ =	shalt  }
0x74: {  	_ =	shalt  }
0x75: {  	_ =	shalt  }
0x76: {  	_ =	shalt  }
0x77: {  	_ =	shalt  }
0x78: {  	_ =	shalt  }
0x79: {  	_ =	shalt  }
0x7a: {  	_ =	shalt  }
0x7b: {  	_ =	shalt  }
0x7c: {  	_ =	shalt  }
0x7d: {  	_ =	shalt  }
0x7e: {  	_ =	shalt  }
0x7f: {  	_ =	shalt  }
0x80: {  	_ =	shalt  }
0x81: {  	_ =	shalt  }
0x82: {  	_ =	shalt  }
0x83: {  	_ =	shalt  }
0x84: {  	_ =	shalt  }
0x85: {  	_ =	shalt  }
0x86: {  	_ =	shalt  }
0x87: {  	_ =	shalt  }
.Lfunc_end0:
.L_simem_size_0:
called_computation.1_lowered:
.L_overlay_start_0:
0x88: {  	s2 =	sld [smem:$0x3FD9]  }
0x89: {  	s3 =	sld [smem:$0x3FFE];
	_ =	sdelay $0x1  }
0x8a: {  	s1 =	srdreg.scid  }
0x8b: {  	s0 =	sand.u32 $0x1, s1  }
0x8c: {  	s17 =	sshll.u32 s0, $0xA;
	s2 =	sadd.s32 s3, s2  }
0x8d: {  	s2 =	sadd.s32 s2, s17  }
0x8e: {  	[smem:$0x3FC0] =	sst s2  }
0x8f: {  	_ = 	snop  }
0x90: {  	s2 =	sld [smem:$0x3FD0];
	(tm) =	ssettm $0x1  }
0x91: {  	s18 =	sld [smem:$0x3FFB];
	_ =	sdelay $0x3  }
0x92: {  	_ =	strace s18  }
0x93: {  	s3 =	sld [smem:$0x3FFC];
	_ =	sdelay $0x3  }
0x94: {  	_ =	strace s3  }
0x95: {  	s3 =	sld [smem:$0x3FFD];
	_ =	sdelay $0x3  }
0x96: {  	_ =	strace s3  }
0x97: {  	_ =	strace $0x8FFFFFFF  }
0x98: {  	s19 =	sld [smem:$0x3FDB];
	_ =	sdelay $0x1  }
0x99: {  	s4 =	simm.s32 $_scs_section_size  }
0x9a: {  	s5 =	simm.s32 $_size__tile_overlayer_lowered;
	s6 =	simm.s32 $_tile_overlayer_lowered  }
0x9b: {  	s22 =	simm.s32 $0x1BFF;
	s21 =	sshll.u32 s6, $0x1;
	s3 =	sadd.s32 s4, s19  }
0x9c: {  	s7 =	simm.s32 $0x0;
	s20 =	sshll.u32 s5, $0x1;
	s5 =	sadd.s32 s21, s3  }
0x9d: {  	[timem:s7], [sflag:s22] =	dma.local [hbm:s5], s20  }
0x9e: {  	_ =	swait.ge [sflag:s22], s20  }
0x9f: {  	s4 =	ssub.s32 $0x0, s20;
	[sflag:s22] =	ssyncset.done $0x0  }
0xa0: {  	[sflag:s22] =	ssyncadd.s32 s4;
	_ =	sdelay $0x1  }
0xa1: {  	s23 =	simm.s32 $0x1B8B  }
0xa2: {  	_ =	swait.ge [sflag:s23], $0x1  }
0xa3: {  	[sflag:s23] =	ssyncset.done $0x0  }
0xa4: {  	s25 =	simm.s32 $0x1B8E;
	s24 =	sld [smem:$0x3FFE];
	[sflag:s23] =	ssyncadd.s32 $0xFFFFFFFF  }
0xa5: {  	s26 =	simm.s32 $execute0_lowered;
	[smem:$0x3FD2] =	sst s25  }
0xa6: {  	s5 =	sshll.u32 s26, $0x1;
	_ =	strace $0x80000049;
	[dreg:$0x1] =	wrdreg $0xFFFFFFFF  }
0xa7: {  	s28 =	simm.s32 $_size_execute0_lowered;
	s3 =	sadd.s32 s3, s5;
	[dreg:$0x0] =	wrdreg $0x0  }
0xa8: {  	s5 =	sshll.u32 s28, $0x1;
	[dreg:$0x2] =	wrdreg s3  }
0xa9: {  	[dreg:$0x3] =	wrdreg s5  }
0xaa: {  	[dreg:$0x4] =	wrdreg $0xC0  }
0xab: {  	_ =	task [dreg:s7], $0x5FFFF  }
0xac: {  	[dreg:$0x1] =	wrdreg $0xFFFFFFFF  }
0xad: {  	[dreg:$0x0] =	wrdreg $0x60  }
0xae: {  	[dreg:$0x2] =	wrdreg s24  }
0xaf: {  	[dreg:$0x3] =	wrdreg s2  }
0xb0: {  	[dreg:$0x4] =	wrdreg $0xD0000  }
0xb1: {  	[dreg:$0x5] =	wrdreg $0x9  }
0xb2: {  	_ =	task.clear_ibuf [dreg:s7], $0x6FFFF;
	_ =	strace $0x90000049  }
0xb3: {  	s29 =	simm.s32 $0x9;
	_ =	strace $0x8000004B  }
0xb4: {  	_ =	swait.ge [sflag:s29], $0x1  }
0xb5: {  	[sflag:s29] =	ssyncadd.s32 $0xFFFFFFFF  }
0xb6: {  	_ =	strace $0x9000004B  }
0xb7: {  	_ =	sfence  }
0xb8: {  	s30 =	sld [smem:$0x0];
	_ =	sdelay $0x2  }
0xb9: {  	s31 =	sshll.u32 s1, $0xD;
	s1 =	sshrl.u32 s1, $0x2  }
0xba: {  	s3 =	sand.u32 $0x4000, s31;
	s1 =	sadd.s32 s1, s30  }
0xbb: {  	s0 =	sor.u32 s3, s0;
	s1 =	sshll.u32 s1, $0x11  }
0xbc: {  	s0 =	sor.u32 s1, s0  }
0xbd: {  	s0 =	sadd.s32 $0x8F2B, s0  }
0xbe: {  	[sflag:s0] =	ssyncadd.remote.s32 $0x1  }
0xbf: {  	_ =	sfence.sel $0xFFFF  }
0xc0: {  	[dreg:$0x0] =	wrdreg $0xFFFFFFFF;
	(pc) =	sbr.abs _section_cstart, $3  }
0xc1: {  	[dreg:$0x1] =	wrdreg $0xFFFFFFFF  }
0xc2: {  	_ =	task.clear_ibuf [dreg:s7], $0x2FFFF;
	_ =	strace $0x9FFFFFFF  }
0xc3: {  	(tm) =	ssettm $0x7FFFFFFF  }
tec
execute0_lowered:
.L_overlay_start_1:
0x0: {  	(tag) =	ssettag $0x1  }
0x1: {  	s0 =	rddreg [dreg:$0x0]  }
0x2: {  	s1 =	rddreg [dreg:$0x1]  }
0x3: {  	s2 =	rddreg [dreg:$0x2];
	s3 =	srdreg.scid  }
0x4: {  	s9 =	stileid.u32;
	s5 =	simm.s32 $0x0;
	s14 =	simm.s32 $0x9  }
0x5: {  	s10 =	simm.s32 $0x5000;
	s17 =	simm.s32 $0x80;
	s29 =	simm.s32 $0xB000  }
0x6: {  	s30 =	simm.s32 $0x1;
	s31 =	simm.s32 $0xC000;
	s15 =	simm.s32 $0x4  }
0x7: {  	s18 =	simm.s32 $0x6;
	s3 =	sand.u32 $0x1, s3;
	s8 =	smul.u32 $0x14000, s9  }
0x8: {  	s4 =	sshll.u32 s9, $0x1;
	[smem:$0x7FF] =	sst s5;
	s21 =	smul.u32 $0x5000, s9  }
0x9: {  	s4 =	sor.u32 s3, s4;
	_ =	strace $0x8000004A;
	s6 =	ssub.s32 $0x2, s3  }
0xa: {  	s3 =	smul.u32 $0x50000, s3;
	s7 =	sshrl.u32 s6, $0x1;
	s8 =	sshrl.u32 s8, $0x2  }
0xb: {  	s20 =	ssub.s32 s6, s7;
	s7 =	sadd.s32 s21, s2;
	s23 =	sadd.s32 s8, s2  }
0xc: {  	s19 =	smul.u32 $0x500, s4;
	s8 =	sadd.s32 $0x1000, s23;
	[dreg:$0x6] =	wrdreg s7  }
0xd: {  	s4 =	sadd.s32 $0x15800, s0;
	s24 =	sadd.s32 $0x2000, s23;
	[dreg:$0x7] =	wrdreg s8  }
0xe: {  	s3 =	sadd.s32 s21, s3;
	s25 =	sadd.s32 $0x3000, s23;
	[dreg:$0x8] =	wrdreg s24  }
0xf: {  	s0 =	sadd.s32 s19, s0;
	s28 =	smax.u32 s20, $0x1;
	[dreg:$0x9] =	wrdreg s25  }
0x10: {  	s26 =	sshrl.u32 s3, $0x3;
	s22 =	sadd.s32 $0xB800, s0;
	[dreg:$0xc] =	wrdreg s28  }
0x11: {  	s20 =	simm.s32 $0x7000;
	s0 =	sadd.s32 $0x1800, s0;
	[dreg:$0x4] =	wrdreg s22  }
0x12: {  	s19 =	simm.s32 $0x8;
	[dreg:$0x5] =	wrdreg s0;
	s0 =	sadd.s32 $0x4000, s23  }
0x13: {  	s3 =	simm.s32 $0x0;
	[dreg:$0xa] =	wrdreg s0;
	s0 =	sadd.s32 s1, s26  }
0x14: {  	v0 =	vimm.f32 $0.0e+00;
	s24 =	simm.s32 $0x9000;
	[dreg:$0xb] =	wrdreg s0;
	s0 =	simm.s32 $0x2  }
.LBB2_1:
0x15: {  	[dreg:$0xd] =	wrdreg s3  }
0x16: {  	s1 =	simm.s32 $0x0;
	s26 =	rddreg [dreg:$0x4]  }
0x17: {  	[tilespmem:s1], [sflag:$0x9] =	stream.linear.gather [hbm4b:s26+s1], $0x2800, $0x38;
	[tilespmem:$0x12000] =	vst v63  }
0x18: {  	_ =	swait.ge [sflag:s14], $0x2800  }
0x19: {  	[sflag:s14] =	ssyncset.done $0x0  }
0x1a: {  	s5 =	simm.s32 $0x2800;
	s28 =	rddreg [dreg:$0x5];
	[sflag:s14] =	ssyncadd.s32 $0xFFFFD800  }
0x1b: {  	[tilespmem:s5], [sflag:$0x9] =	stream.linear.gather [hbm4b:s28+s1], $0x2800, $0x38;
	[tilespmem:$0x12000] =	vst v63  }
0x1c: {  	_ =	swait.ge [sflag:s14], $0x2800  }
0x1d: {  	[sflag:s14] =	ssyncset.done $0x0  }
0x1e: {  	s3 =	simm.s32 $0x0;
	s1 =	simm.s32 $0x80;
	[sflag:s14] =	ssyncadd.s32 $0xFFFFD800  }
.LBB2_2:
0x1f: {  	p0 =	sne.s32 s1, $0x3F80;
	[tilespmem:s3+$0x5000] =	vst v0;
	s5 =	smov.u32 s1;
	s1 =	sadd.s32 $0x80, s1  }
.Ltmp0:
0x20: {  	[tilespmem:s3+$0x5010] =	vst v0;
	(pc) =	sbr.rel @p0 .LBB2_2-.Ltmp0, $2  }
0x21: {  	_ =	sdelay $0x2  }
0x22: {  	s3 =	sshra.s32 s5, $0x2  }
0x23: {  	[tilespmem:s3+$0x5000] =	vst v0  }
0x24: {  	[tilespmem:s3+$0x5010] =	vst v0  }
0x25: {  	[spmem:s7] =	stream.linear.scatter [tilespmem:s10], [sflag:$0x9], $0x1000, $0x38;
	[tilespmem:$0x12000] =	vst v63  }
0x26: {  	_ =	swait.ge [sflag:s14], $0x1000  }
0x27: {  	[sflag:s14] =	ssyncset.done $0x0  }
0x28: {  	s1 =	rddreg [dreg:$0x7];
	[sflag:s14] =	ssyncadd.s32 $0xFFFFF000  }
0x29: {  	[spmem:s1] =	stream.linear.scatter [tilespmem:s10], [sflag:$0x9], $0x1000, $0x38;
	[tilespmem:$0x12000] =	vst v63  }
0x2a: {  	_ =	swait.ge [sflag:s14], $0x1000  }
0x2b: {  	[sflag:s14] =	ssyncset.done $0x0  }
0x2c: {  	s26 =	rddreg [dreg:$0x8];
	[sflag:s14] =	ssyncadd.s32 $0xFFFFF000  }
0x2d: {  	[spmem:s26] =	stream.linear.scatter [tilespmem:s10], [sflag:$0x9], $0x1000, $0x38;
	[tilespmem:$0x12000] =	vst v63  }
0x2e: {  	_ =	swait.ge [sflag:s14], $0x1000  }
0x2f: {  	[sflag:s14] =	ssyncset.done $0x0  }
0x30: {  	s28 =	rddreg [dreg:$0x9];
	[sflag:s14] =	ssyncadd.s32 $0xFFFFF000  }
0x31: {  	[spmem:s28] =	stream.linear.scatter [tilespmem:s10], [sflag:$0x9], $0x1000, $0x38;
	[tilespmem:$0x12000] =	vst v63  }
0x32: {  	_ =	swait.ge [sflag:s14], $0x1000  }
0x33: {  	[sflag:s14] =	ssyncset.done $0x0  }
0x34: {  	s3 =	rddreg [dreg:$0xa];
	[sflag:s14] =	ssyncadd.s32 $0xFFFFF000  }
0x35: {  	[spmem:s3] =	stream.linear.scatter [tilespmem:s10], [sflag:$0x9], $0x1000, $0x38;
	[tilespmem:$0x12000] =	vst v63  }
0x36: {  	_ =	swait.ge [sflag:s14], $0x1000  }
0x37: {  	[sflag:s14] =	ssyncset.done $0x0  }
0x38: {  	[sflag:s14] =	ssyncadd.s32 $0xFFFFF000  }
0x39: {  	s5 =	simm.s32 $0x0;
	[bflag:$0x0] =	sbarrier.arrive $0xFFFF  }
0x3a: {  	[tilespmem:s10], [sflag:$0x1] =	stream.indirect.gather [hbm4b:s4+s17], $0x20, s5, s17, $0xb8;
	[tilespmem:$0x12000] =	vst v63  }
0x3b: {  	s6 =	simm.s32 $0x6000  }
0x3c: {  	[tilespmem:s6], [sflag:$0x2] =	stream.indirect.gather [hbm4b:s4+s17], $0x20, s17, s17, $0xb8;
	[tilespmem:$0x12000] =	vst v63  }
0x3d: {  	s7 =	simm.s32 $0x100  }
0x3e: {  	[tilespmem:s20], [sflag:$0x3] =	stream.indirect.gather [hbm4b:s4+s17], $0x20, s7, s17, $0xb8;
	[tilespmem:$0x12000] =	vst v63  }
0x3f: {  	s8 =	simm.s32 $0x180;
	s9 =	simm.s32 $0x8000  }
0x40: {  	[tilespmem:s9], [sflag:$0x4] =	stream.indirect.gather [hbm4b:s4+s17], $0x20, s8, s17, $0xb8;
	[tilespmem:$0x12000] =	vst v63  }
0x41: {  	s11 =	simm.s32 $0x200  }
0x42: {  	[tilespmem:s24], [sflag:$0x5] =	stream.indirect.gather [hbm4b:s4+s17], $0x20, s11, s17, $0xb8;
	[tilespmem:$0x12000] =	vst v63  }
0x43: {  	s12 =	simm.s32 $0x280;
	s13 =	simm.s32 $0xA000  }
0x44: {  	[tilespmem:s13], [sflag:$0x6] =	stream.indirect.gather [hbm4b:s4+s17], $0x20, s12, s17, $0xb8;
	[tilespmem:$0x12000] =	vst v63  }
0x45: {  	s16 =	simm.s32 $0x300  }
0x46: {  	[tilespmem:s29], [sflag:$0x7] =	stream.indirect.gather [hbm4b:s4+s17], $0x20, s16, s17, $0xb8;
	[tilespmem:$0x12000] =	vst v63  }
0x47: {  	_ =	swait.ge [sflag:s30], $0x1000  }
0x48: {  	[sflag:s30] =	ssyncset.done $0x0  }
0x49: {  	s21 =	simm.s32 $0x380;
	[sflag:s30] =	ssyncadd.s32 $0xFFFFF000  }
0x4a: {  	[tilespmem:s31], [sflag:$0x8] =	stream.indirect.gather [hbm4b:s4+s17], $0x20, s21, s17, $0xb8;
	[tilespmem:$0x12000] =	vst v63  }
0x4b: {  	s22 =	simm.s32 $0x2800  }
0x4c: {  	[spmem:s2] =	stream.indirect.scatter.add.f32 [tilespmem:s10], [sflag:$0x9], $0x20, s22, s17, $0xb8;
	[tilespmem:$0x12000] =	vst v63  }
0x4d: {  	_ =	swait.ge [sflag:s14], $0x1000  }
0x4e: {  	[sflag:s14] =	ssyncset.done $0x0  }
0x4f: {  	[sflag:s14] =	ssyncadd.s32 $0xFFFFF000  }
0x50: {  	p0 =	por $0x0, $0x0;
	_ =	swait.ge [sflag:s0], $0x1000  }
0x51: {  	s1 =	simm.s32 @p0 $0x2880;
	[sflag:s0] =	ssyncset.done $0x0  }
0x52: {  	s3 =	simm.s32 @p0 $0x80;
	s5 =	simm.s32 @p0 $0x6000;
	[sflag:s0] =	ssyncadd.s32 $0xFFFFF000  }
0x53: {  	[spmem:s2] =	stream.indirect.scatter.add.f32 @p0 [tilespmem:s5], [sflag:$0x9], $0x20, s1, s3, $0xb8;
	[tilespmem:$0x12000] =	vst v63  }
0x54: {  	s5 =	simm.s32 @p0 $0x9  }
0x55: {  	_ =	swait.ge @p0 [sflag:s5], $0x1000  }
0x56: {  	[sflag:s5] =	ssyncset.done @p0 $0x0  }
0x57: {  	s6 =	simm.s32 @p0 $0x3;
	[sflag:s5] =	ssyncadd.s32 @p0 $0xFFFFF000  }
0x58: {  	_ =	swait.ge @p0 [sflag:s6], $0x1000  }
0x59: {  	s8 =	simm.s32 @!p0 $0x400;
	[sflag:s6] =	ssyncset.done @p0 $0x0  }
0x5a: {  	s9 =	simm.s32 @!p0 $0x5000;
	s1 =	simm.s32 @!p0 $0x80;
	[sflag:s6] =	ssyncadd.s32 @p0 $0xFFFFF000  }
0x5b: {  	[tilespmem:s9], [sflag:$0x1] =	stream.indirect.gather @!p0 [hbm4b:s4+s1], $0x20, s8, s1, $0xb8;
	[tilespmem:$0x12000] =	vst v63  }
0x5c: {  	s6 =	simm.s32 @!p0 $0x9;
	s8 =	simm.s32 @!p0 $0x2880;
	s9 =	simm.s32 @!p0 $0x6000  }
0x5d: {  	[spmem:s2] =	stream.indirect.scatter.add.f32 @!p0 [tilespmem:s9], [sflag:$0x9], $0x20, s8, s1, $0xb8;
	[tilespmem:$0x12000] =	vst v63  }
0x5e: {  	_ =	swait.ge @!p0 [sflag:s6], $0x1000  }
0x5f: {  	[sflag:s6] =	ssyncset.done @!p0 $0x0  }
0x60: {  	s8 =	simm.s32 @!p0 $0x3;
	[sflag:s6] =	ssyncadd.s32 @!p0 $0xFFFFF000  }
0x61: {  	_ =	swait.ge @!p0 [sflag:s8], $0x1000  }
0x62: {  	[sflag:s8] =	ssyncset.done @!p0 $0x0  }
0x63: {  	[sflag:s8] =	ssyncadd.s32 @!p0 $0xFFFFF000;
	s8 =	simm.s32 @!p0 $0x480  }
0x64: {  	[tilespmem:s9], [sflag:$0x2] =	stream.indirect.gather @!p0 [hbm4b:s4+s1], $0x20, s8, s1, $0xb8;
	[tilespmem:$0x12000] =	vst v63  }
0x65: {  	s23 =	simm.s32 $0x2900  }
0x66: {  	[spmem:s2] =	stream.indirect.scatter.add.f32 [tilespmem:s20], [sflag:$0x9], $0x20, s23, s17, $0xb8;
	[tilespmem:$0x12000] =	vst v63  }
0x67: {  	_ =	swait.ge [sflag:s14], $0x1000  }
0x68: {  	[sflag:s14] =	ssyncset.done $0x0  }
0x69: {  	[sflag:s14] =	ssyncadd.s32 $0xFFFFF000  }
0x6a: {  	_ =	swait.ge [sflag:s15], $0x1000  }
0x6b: {  	[sflag:s15] =	ssyncset.done $0x0  }
0x6c: {  	s8 =	simm.s32 @p0 $0x2980;
	s9 =	simm.s32 @p0 $0x8000;
	[sflag:s15] =	ssyncadd.s32 $0xFFFFF000  }
0x6d: {  	[spmem:s2] =	stream.indirect.scatter.add.f32 @p0 [tilespmem:s9], [sflag:$0x9], $0x20, s8, s3, $0xb8;
	[tilespmem:$0x12000] =	vst v63  }
0x6e: {  	_ =	swait.ge @p0 [sflag:s5], $0x1000  }
0x6f: {  	[sflag:s5] =	ssyncset.done @p0 $0x0  }
0x70: {  	s8 =	simm.s32 @p0 $0x5;
	[sflag:s5] =	ssyncadd.s32 @p0 $0xFFFFF000  }
0x71: {  	_ =	swait.ge @p0 [sflag:s8], $0x1000  }
0x72: {  	[sflag:s8] =	ssyncset.done @p0 $0x0  }
0x73: {  	s9 =	simm.s32 @!p0 $0x500;
	[sflag:s8] =	ssyncadd.s32 @p0 $0xFFFFF000;
	s8 =	simm.s32 @!p0 $0x7000  }
0x74: {  	[tilespmem:s8], [sflag:$0x3] =	stream.indirect.gather @!p0 [hbm4b:s4+s1], $0x20, s9, s1, $0xb8;
	[tilespmem:$0x12000] =	vst v63  }
0x75: {  	s8 =	simm.s32 @!p0 $0x2980;
	s9 =	simm.s32 @!p0 $0x8000  }
0x76: {  	[spmem:s2] =	stream.indirect.scatter.add.f32 @!p0 [tilespmem:s9], [sflag:$0x9], $0x20, s8, s1, $0xb8;
	[tilespmem:$0x12000] =	vst v63  }
0x77: {  	_ =	swait.ge @!p0 [sflag:s6], $0x1000  }
0x78: {  	[sflag:s6] =	ssyncset.done @!p0 $0x0  }
0x79: {  	s8 =	simm.s32 @!p0 $0x5;
	[sflag:s6] =	ssyncadd.s32 @!p0 $0xFFFFF000  }
0x7a: {  	_ =	swait.ge @!p0 [sflag:s8], $0x1000  }
0x7b: {  	[sflag:s8] =	ssyncset.done @!p0 $0x0  }
0x7c: {  	[sflag:s8] =	ssyncadd.s32 @!p0 $0xFFFFF000;
	s8 =	simm.s32 @!p0 $0x580  }
0x7d: {  	[tilespmem:s9], [sflag:$0x4] =	stream.indirect.gather @!p0 [hbm4b:s4+s1], $0x20, s8, s1, $0xb8;
	[tilespmem:$0x12000] =	vst v63  }
0x7e: {  	s25 =	simm.s32 $0x2A00  }
0x7f: {  	[spmem:s2] =	stream.indirect.scatter.add.f32 [tilespmem:s24], [sflag:$0x9], $0x20, s25, s17, $0xb8;
	[tilespmem:$0x12000] =	vst v63  }
0x80: {  	_ =	swait.ge [sflag:s14], $0x1000  }
0x81: {  	[sflag:s14] =	ssyncset.done $0x0  }
0x82: {  	[sflag:s14] =	ssyncadd.s32 $0xFFFFF000  }
0x83: {  	_ =	swait.ge [sflag:s18], $0x1000  }
0x84: {  	[sflag:s18] =	ssyncset.done $0x0  }
0x85: {  	s8 =	simm.s32 @p0 $0x2A80;
	s9 =	simm.s32 @p0 $0xA000;
	[sflag:s18] =	ssyncadd.s32 $0xFFFFF000  }
0x86: {  	[spmem:s2] =	stream.indirect.scatter.add.f32 @p0 [tilespmem:s9], [sflag:$0x9], $0x20, s8, s3, $0xb8;
	[tilespmem:$0x12000] =	vst v63  }
0x87: {  	_ =	swait.ge @p0 [sflag:s5], $0x1000  }
0x88: {  	[sflag:s5] =	ssyncset.done @p0 $0x0  }
0x89: {  	s3 =	simm.s32 @p0 $0x7;
	[sflag:s5] =	ssyncadd.s32 @p0 $0xFFFFF000  }
0x8a: {  	_ =	swait.ge @p0 [sflag:s3], $0x1000  }
0x8b: {  	[sflag:s3] =	ssyncset.done @p0 $0x0  }
0x8c: {  	s5 =	simm.s32 @!p0 $0x600;
	[sflag:s3] =	ssyncadd.s32 @p0 $0xFFFFF000;
	s3 =	simm.s32 @!p0 $0x9000  }
0x8d: {  	[tilespmem:s3], [sflag:$0x5] =	stream.indirect.gather @!p0 [hbm4b:s4+s1], $0x20, s5, s1, $0xb8;
	[tilespmem:$0x12000] =	vst v63  }
0x8e: {  	s3 =	simm.s32 @!p0 $0x2A80;
	s5 =	simm.s32 @!p0 $0xA000  }
0x8f: {  	[spmem:s2] =	stream.indirect.scatter.add.f32 @!p0 [tilespmem:s5], [sflag:$0x9], $0x20, s3, s1, $0xb8;
	[tilespmem:$0x12000] =	vst v63  }
0x90: {  	_ =	swait.ge @!p0 [sflag:s6], $0x1000  }
0x91: {  	[sflag:s6] =	ssyncset.done @!p0 $0x0  }
0x92: {  	s3 =	simm.s32 @!p0 $0x7;
	[sflag:s6] =	ssyncadd.s32 @!p0 $0xFFFFF000  }
0x93: {  	_ =	swait.ge @!p0 [sflag:s3], $0x1000  }
0x94: {  	[sflag:s3] =	ssyncset.done @!p0 $0x0  }
0x95: {  	[sflag:s3] =	ssyncadd.s32 @!p0 $0xFFFFF000;
	s3 =	simm.s32 @!p0 $0x680  }
0x96: {  	[tilespmem:s5], [sflag:$0x6] =	stream.indirect.gather @!p0 [hbm4b:s4+s1], $0x20, s3, s1, $0xb8;
	[tilespmem:$0x12000] =	vst v63  }
0x97: {  	s26 =	simm.s32 $0x2B00  }
0x98: {  	[spmem:s2] =	stream.indirect.scatter.add.f32 [tilespmem:s29], [sflag:$0x9], $0x20, s26, s17, $0xb8;
	[tilespmem:$0x12000] =	vst v63  }
0x99: {  	_ =	swait.ge [sflag:s14], $0x1000  }
0x9a: {  	[sflag:s14] =	ssyncset.done $0x0  }
0x9b: {  	[sflag:s14] =	ssyncadd.s32 $0xFFFFF000  }
0x9c: {  	_ =	swait.ge [sflag:s19], $0x1000  }
0x9d: {  	[sflag:s19] =	ssyncset.done $0x0  }
0x9e: {  	s3 =	simm.s32 @!p0 $0x700;
	s5 =	simm.s32 @!p0 $0xB000;
	[sflag:s19] =	ssyncadd.s32 $0xFFFFF000  }
0x9f: {  	[tilespmem:s5], [sflag:$0x7] =	stream.indirect.gather @!p0 [hbm4b:s4+s1], $0x20, s3, s1, $0xb8;
	[tilespmem:$0x12000] =	vst v63  }
0xa0: {  	s28 =	simm.s32 $0x2B80  }
0xa1: {  	[spmem:s2] =	stream.indirect.scatter.add.f32 [tilespmem:s31], [sflag:$0x9], $0x20, s28, s17, $0xb8;
	[tilespmem:$0x12000] =	vst v63  }
0xa2: {  	s22 =	simm.s32 $0x1000;
	_ =	swait.ge [sflag:s14], $0x1000  }
.LBB2_4:
0xa3: {  	[sflag:s14] =	ssyncset.done $0x0;
	s3 =	smov.u32 s22;
	s22 =	sadd.s32 $0x1000, s22  }
0xa4: {  	p0 =	sne.s32 s22, $0xA000;
	[sflag:s14] =	ssyncadd.s32 $0xFFFFF000  }
0xa5: {  	_ =	swait.ge [sflag:s30], $0x1000  }
0xa6: {  	s23 =	sshra.s32 s3, $0x2;
	[sflag:s30] =	ssyncset.done $0x0  }
0xa7: {  	s1 =	sadd.s32 $0x380, s23;
	[sflag:s30] =	ssyncadd.s32 $0xFFFFF000  }
0xa8: {  	[tilespmem:s31], [sflag:$0x8] =	stream.indirect.gather [hbm4b:s4+s17], $0x20, s1, s17, $0xb8;
	[tilespmem:$0x12000] =	vst v63  }
0xa9: {  	s1 =	sadd.s32 $0x2800, s23  }
0xaa: {  	[spmem:s2] =	stream.indirect.scatter.add.f32 [tilespmem:s10], [sflag:$0x9], $0x20, s1, s17, $0xb8;
	[tilespmem:$0x12000] =	vst v63  }
0xab: {  	_ =	swait.ge [sflag:s14], $0x1000  }
0xac: {  	[sflag:s14] =	ssyncset.done $0x0  }
0xad: {  	[sflag:s14] =	ssyncadd.s32 $0xFFFFF000  }
0xae: {  	p1 =	seq.s32 s3, $0x9000;
	_ =	swait.ge [sflag:s0], $0x1000  }
0xaf: {  	s5 =	sshra.s32 @p1 s3, $0x2;
	s28 =	simm.s32 @p1 $0x80;
	[sflag:s0] =	ssyncset.done $0x0  }
0xb0: {  	s6 =	simm.s32 @p1 $0x6000;
	s1 =	sadd.s32 @p1 $0x2880, s5;
	[sflag:s0] =	ssyncadd.s32 $0xFFFFF000  }
0xb1: {  	[spmem:s2] =	stream.indirect.scatter.add.f32 @p1 [tilespmem:s6], [sflag:$0x9], $0x20, s1, s28, $0xb8;
	[tilespmem:$0x12000] =	vst v63  }
0xb2: {  	s26 =	sshra.s32 @!p1 s3, $0x2;
	s13 =	sadd.s32 @p1 $0x2980, s5;
	s1 =	simm.s32 @p1 $0x9  }
0xb3: {  	s3 =	sadd.s32 @!p1 $0x400, s26;
	s7 =	sadd.s32 @!p1 $0x2880, s26;
	_ =	swait.ge @p1 [sflag:s1], $0x1000  }
0xb4: {  	s21 =	sadd.s32 @!p1 $0x480, s26;
	s6 =	simm.s32 @p1 $0x3;
	[sflag:s1] =	ssyncset.done @p1 $0x0  }
0xb5: {  	s12 =	sadd.s32 @!p1 $0x500, s26;
	s11 =	sadd.s32 @!p1 $0x2980, s26;
	[sflag:s1] =	ssyncadd.s32 @p1 $0xFFFFF000  }
0xb6: {  	s9 =	sadd.s32 @p1 $0x2A80, s5;
	s10 =	sadd.s32 @!p1 $0x580, s26;
	_ =	swait.ge @p1 [sflag:s6], $0x1000  }
0xb7: {  	s25 =	simm.s32 @!p1 $0x80;
	s5 =	simm.s32 @!p1 $0x5000;
	[sflag:s6] =	ssyncset.done @p1 $0x0  }
0xb8: {  	s16 =	simm.s32 @!p1 $0x6000;
	[sflag:s6] =	ssyncadd.s32 @p1 $0xFFFFF000;
	s6 =	sadd.s32 @!p1 $0x600, s26  }
0xb9: {  	[tilespmem:s5], [sflag:$0x1] =	stream.indirect.gather @!p1 [hbm4b:s4+s25], $0x20, s3, s25, $0xb8;
	[tilespmem:$0x12000] =	vst v63  }
0xba: {  	s8 =	sadd.s32 @!p1 $0x2A80, s26;
	s5 =	simm.s32 @!p1 $0x9;
	s3 =	sadd.s32 @!p1 $0x680, s26  }
0xbb: {  	[spmem:s2] =	stream.indirect.scatter.add.f32 @!p1 [tilespmem:s16], [sflag:$0x9], $0x20, s7, s25, $0xb8;
	[tilespmem:$0x12000] =	vst v63  }
0xbc: {  	s26 =	sadd.s32 @!p1 $0x700, s26;
	_ =	swait.ge @!p1 [sflag:s5], $0x1000  }
0xbd: {  	s7 =	simm.s32 @!p1 $0x3;
	[sflag:s5] =	ssyncset.done @!p1 $0x0  }
0xbe: {  	[sflag:s5] =	ssyncadd.s32 @!p1 $0xFFFFF000  }
0xbf: {  	_ =	swait.ge @!p1 [sflag:s7], $0x1000  }
0xc0: {  	[sflag:s7] =	ssyncset.done @!p1 $0x0  }
0xc1: {  	[sflag:s7] =	ssyncadd.s32 @!p1 $0xFFFFF000;
	s7 =	sadd.s32 $0x2900, s23  }
0xc2: {  	[tilespmem:s16], [sflag:$0x2] =	stream.indirect.gather @!p1 [hbm4b:s4+s25], $0x20, s21, s25, $0xb8;
	[tilespmem:$0x12000] =	vst v63  }
0xc3: {  	_ = 	snop  }
0xc4: {  	[spmem:s2] =	stream.indirect.scatter.add.f32 [tilespmem:s20], [sflag:$0x9], $0x20, s7, s17, $0xb8;
	[tilespmem:$0x12000] =	vst v63  }
0xc5: {  	_ =	swait.ge [sflag:s14], $0x1000  }
0xc6: {  	[sflag:s14] =	ssyncset.done $0x0  }
0xc7: {  	[sflag:s14] =	ssyncadd.s32 $0xFFFFF000  }
0xc8: {  	_ =	swait.ge [sflag:s15], $0x1000  }
0xc9: {  	s7 =	simm.s32 @p1 $0x8000;
	[sflag:s15] =	ssyncset.done $0x0  }
0xca: {  	[sflag:s15] =	ssyncadd.s32 $0xFFFFF000  }
0xcb: {  	[spmem:s2] =	stream.indirect.scatter.add.f32 @p1 [tilespmem:s7], [sflag:$0x9], $0x20, s13, s28, $0xb8;
	[tilespmem:$0x12000] =	vst v63  }
0xcc: {  	_ =	swait.ge @p1 [sflag:s1], $0x1000  }
0xcd: {  	s7 =	simm.s32 @p1 $0x5;
	[sflag:s1] =	ssyncset.done @p1 $0x0  }
0xce: {  	[sflag:s1] =	ssyncadd.s32 @p1 $0xFFFFF000  }
0xcf: {  	_ =	swait.ge @p1 [sflag:s7], $0x1000  }
0xd0: {  	s13 =	simm.s32 @!p1 $0x7000;
	[sflag:s7] =	ssyncset.done @p1 $0x0  }
0xd1: {  	[sflag:s7] =	ssyncadd.s32 @p1 $0xFFFFF000;
	s7 =	simm.s32 @!p1 $0x8000  }
0xd2: {  	[tilespmem:s13], [sflag:$0x3] =	stream.indirect.gather @!p1 [hbm4b:s4+s25], $0x20, s12, s25, $0xb8;
	[tilespmem:$0x12000] =	vst v63  }
0xd3: {  	_ = 	snop  }
0xd4: {  	[spmem:s2] =	stream.indirect.scatter.add.f32 @!p1 [tilespmem:s7], [sflag:$0x9], $0x20, s11, s25, $0xb8;
	[tilespmem:$0x12000] =	vst v63  }
0xd5: {  	_ =	swait.ge @!p1 [sflag:s5], $0x1000  }
0xd6: {  	s11 =	simm.s32 @!p1 $0x5;
	[sflag:s5] =	ssyncset.done @!p1 $0x0  }
0xd7: {  	[sflag:s5] =	ssyncadd.s32 @!p1 $0xFFFFF000  }
0xd8: {  	_ =	swait.ge @!p1 [sflag:s11], $0x1000  }
0xd9: {  	[sflag:s11] =	ssyncset.done @!p1 $0x0  }
0xda: {  	[sflag:s11] =	ssyncadd.s32 @!p1 $0xFFFFF000;
	s11 =	sadd.s32 $0x2A00, s23  }
0xdb: {  	[tilespmem:s7], [sflag:$0x4] =	stream.indirect.gather @!p1 [hbm4b:s4+s25], $0x20, s10, s25, $0xb8;
	[tilespmem:$0x12000] =	vst v63  }
0xdc: {  	s10 =	simm.s32 $0x5000;
	_ =	sdelay $0x1  }
0xdd: {  	[spmem:s2] =	stream.indirect.scatter.add.f32 [tilespmem:s24], [sflag:$0x9], $0x20, s11, s17, $0xb8;
	[tilespmem:$0x12000] =	vst v63  }
0xde: {  	_ =	swait.ge [sflag:s14], $0x1000  }
0xdf: {  	[sflag:s14] =	ssyncset.done $0x0  }
0xe0: {  	[sflag:s14] =	ssyncadd.s32 $0xFFFFF000  }
0xe1: {  	_ =	swait.ge [sflag:s18], $0x1000  }
0xe2: {  	s7 =	simm.s32 @p1 $0xA000;
	[sflag:s18] =	ssyncset.done $0x0  }
0xe3: {  	[sflag:s18] =	ssyncadd.s32 $0xFFFFF000  }
0xe4: {  	[spmem:s2] =	stream.indirect.scatter.add.f32 @p1 [tilespmem:s7], [sflag:$0x9], $0x20, s9, s28, $0xb8;
	[tilespmem:$0x12000] =	vst v63  }
0xe5: {  	_ =	swait.ge @p1 [sflag:s1], $0x1000  }
0xe6: {  	s7 =	simm.s32 @p1 $0x7;
	[sflag:s1] =	ssyncset.done @p1 $0x0  }
0xe7: {  	[sflag:s1] =	ssyncadd.s32 @p1 $0xFFFFF000  }
0xe8: {  	_ =	swait.ge @p1 [sflag:s7], $0x1000  }
0xe9: {  	s1 =	simm.s32 @!p1 $0x9000;
	[sflag:s7] =	ssyncset.done @p1 $0x0  }
0xea: {  	[sflag:s7] =	ssyncadd.s32 @p1 $0xFFFFF000;
	s7 =	simm.s32 @!p1 $0xA000  }
0xeb: {  	[tilespmem:s1], [sflag:$0x5] =	stream.indirect.gather @!p1 [hbm4b:s4+s25], $0x20, s6, s25, $0xb8;
	[tilespmem:$0x12000] =	vst v63  }
0xec: {  	_ = 	snop  }
0xed: {  	[spmem:s2] =	stream.indirect.scatter.add.f32 @!p1 [tilespmem:s7], [sflag:$0x9], $0x20, s8, s25, $0xb8;
	[tilespmem:$0x12000] =	vst v63  }
0xee: {  	_ =	swait.ge @!p1 [sflag:s5], $0x1000  }
0xef: {  	s1 =	simm.s32 @!p1 $0x7;
	[sflag:s5] =	ssyncset.done @!p1 $0x0  }
0xf0: {  	[sflag:s5] =	ssyncadd.s32 @!p1 $0xFFFFF000  }
0xf1: {  	_ =	swait.ge @!p1 [sflag:s1], $0x1000  }
0xf2: {  	[sflag:s1] =	ssyncset.done @!p1 $0x0  }
0xf3: {  	[sflag:s1] =	ssyncadd.s32 @!p1 $0xFFFFF000;
	s1 =	sadd.s32 $0x2B00, s23  }
0xf4: {  	[tilespmem:s7], [sflag:$0x6] =	stream.indirect.gather @!p1 [hbm4b:s4+s25], $0x20, s3, s25, $0xb8;
	[tilespmem:$0x12000] =	vst v63  }
0xf5: {  	_ = 	snop  }
0xf6: {  	[spmem:s2] =	stream.indirect.scatter.add.f32 [tilespmem:s29], [sflag:$0x9], $0x20, s1, s17, $0xb8;
	[tilespmem:$0x12000] =	vst v63  }
0xf7: {  	_ =	swait.ge [sflag:s14], $0x1000  }
0xf8: {  	[sflag:s14] =	ssyncset.done $0x0  }
0xf9: {  	[sflag:s14] =	ssyncadd.s32 $0xFFFFF000  }
0xfa: {  	_ =	swait.ge [sflag:s19], $0x1000  }
0xfb: {  	s1 =	simm.s32 @!p1 $0xB000;
	[sflag:s19] =	ssyncset.done $0x0  }
.Ltmp1:
0xfc: {  	s3 =	sadd.s32 $0x2B80, s23;
	[sflag:s19] =	ssyncadd.s32 $0xFFFFF000;
	(pc) =	sbr.rel @p0 .LBB2_4-.Ltmp1, $4  }
0xfd: {  	[tilespmem:s1], [sflag:$0x7] =	stream.indirect.gather @!p1 [hbm4b:s4+s25], $0x20, s26, s25, $0xb8;
	[tilespmem:$0x12000] =	vst v63  }
0xfe: {  	_ = 	snop  }
0xff: {  	[spmem:s2] =	stream.indirect.scatter.add.f32 [tilespmem:s31], [sflag:$0x9], $0x20, s3, s17, $0xb8;
	[tilespmem:$0x12000] =	vst v63  }
0x100: {  	_ =	swait.ge [sflag:s14], $0x1000  }
0x101: {  	[sflag:s14] =	ssyncset.done $0x0  }
0x102: {  	[sflag:s14] =	ssyncadd.s32 $0xFFFFF000  }
0x103: {  	s1 =	stileid.u32;
	[bflag:$0x0] =	sbarrier.arrive $0xFFFF  }
0x104: {  	s1 =	sshll.u32 s1, $0x6;
	s7 =	rddreg [dreg:$0x6]  }
0x105: {  	s1 =	sor.u32 $0x1C09, s1;
	s5 =	rddreg [dreg:$0xb];
	s3 =	sshrl.u32 s7, $0x3  }
0x106: {  	[hbm:s5], [sflag:s1] =	dma.local [spmem:s3], $0xA00  }
0x107: {  	_ =	swait.ge [sflag:s14], $0xA00  }
0x108: {  	s26 =	rddreg [dreg:$0xd]  }
0x109: {  	s28 =	rddreg [dreg:$0xc];
	s3 =	sadd.s32 $0x1, s26  }
0x10a: {  	p0 =	sne.s32 s3, s28  }
.Ltmp2:
0x10b: {  	_ = 	snop;
	(pc) =	sbr.rel @p0 .LBB2_1-.Ltmp2, $3  }
0x10c: {  	_ =	sdelay $0x1  }
0x10d: {  	[sflag:s14] =	ssyncset.done $0x0  }
0x10e: {  	[sflag:s14] =	ssyncadd.s32 $0xFFFFF600  }
0x10f: {  	_ =	sfence.sel $0x180000  }
0x110: {  	[bflag:$0x0] =	sbarrier.arrive $0xFFFF  }
0x111: {  	_ =	strace $0x9000004A  }
0x112: {  	s0 =	stileid.u32;
	[bflag:$0x2] =	sbarrier.arrive $0xFFFF  }
0x113: {  	p0 =	sne.s32 s0, $0x0;
	s0 =	rddreg [dreg:$0x3]  }
0x114: {  	s0 =	sadd.s32 @!p0 $0x100000, s0  }
0x115: {  	[sflag:s0] =	ssyncadd.tile.s32 @!p0 $0x1;
	_ =	shalt  }
.Lfunc_end2:
_tile_overlayer_lowered:
.L_overlay_start_2:
0x116: {  	(tag) =	ssettag $0x2  }
0x117: {  	s0 =	rddreg [dreg:$0x0];
	s2 =	stileid.u32  }
0x118: {  	s1 =	rddreg [dreg:$0x1];
	p0 =	sne.s32 s2, $0x0  }
0x119: {  	s3 =	rddreg [dreg:$0x2];
	[bflag:$0x3] =	sbarrier.arrive $0xFFFF;
	s2 =	simm.s32 @!p0 $0x1C09  }
0x11a: {  	[timem:s3], [sflag:s2] =	dma.local @!p0 [hbm:s0], s1  }
0x11b: {  	s0 =	simm.s32 @!p0 $0x9  }
0x11c: {  	_ =	swait.ge @!p0 [sflag:s0], s1  }
0x11d: {  	s1 =	ssub.s32 @!p0 $0x0, s1;
	[sflag:s0] =	ssyncset.done @!p0 $0x0  }
0x11e: {  	[sflag:s0] =	ssyncadd.s32 @!p0 s1  }
0x11f: {  	[bflag:$0x3] =	sbarrier.arrive $0xFFFF  }
0x120: {  	_ =	shalt  }

// kernel: kernel.14.cloned.1.call-start
scs
__scs_entry_jumppad:
0x0: {  	(pc) =	sbr.rel $0x88, $3  }
0x1: {  	(tag) =	ssettag $0x0;
	lr =	simm.s32 $0x1  }
0x2: {  	[smem:$0x3F99] =	sst lr;
	_ =	strace $0xD0000000  }
0x3: {  	_ = 	snop  }
0x4: {  	_ = 	snop  }
0x5: {  	_ = 	snop  }
0x6: {  	_ = 	snop  }
0x7: {  	_ = 	snop  }
__scs_overlays_trampoline_lowered:
0x8: {  	[smem:$0x3FA8] =	sst s0  }
0x9: {  	[smem:$0x3FA9] =	sst s1  }
0xa: {  	[smem:$0x3FAA] =	sst s2  }
0xb: {  	[smem:$0x3FAB] =	sst s3  }
0xc: {  	[smem:$0x3FAC] =	sst s4  }
0xd: {  	[smem:$0x3FAD] =	sst s5  }
0xe: {  	[smem:$0x3FAE] =	sst s6  }
0xf: {  	[smem:$0x3FAF] =	sst s7  }
0x10: {  	[smem:$0x3FB0] =	sst s8  }
0x11: {  	[smem:$0x3FB1] =	sst s9;
	s0 =	simm.s32 @!p0 $0x0  }
0x12: {  	s1 =	sld [smem:$0x3F97];
	s0 =	simm.s32 @p0 $0x1  }
0x13: {  	[smem:$0x3FB2] =	sst s0;
	s0 =	simm.s32 @!p1 $0x0  }
0x14: {  	s2 =	sld [smem:$0x3F96];
	s0 =	simm.s32 @p1 $0x1  }
0x15: {  	[smem:$0x3FB3] =	sst s0;
	s0 =	simm.s32 @!p2 $0x0  }
0x16: {  	s3 =	sld [smem:$0x3FDB];
	s0 =	simm.s32 @p2 $0x1  }
0x17: {  	s4 =	simm.s32 $0x1BF5;
	[smem:$0x3FB5] =	sst s0  }
0x18: {  	s0 =	sld [smem:$0x3F98];
	_ =	swait.ge [sflag:s4], $0x0  }
0x19: {  	s7 =	sld [smem:$0x3F99]  }
0x1a: {  	s8 =	sadd.s32 $0xFFFFE003, lr  }
0x1b: {  	s9 =	sadd.s32 $0xFFFFFEF7, lr;
	s5 =	simm.s32 $0xFFFFFFFF;
	p2 =	slt.u32 s8, $0xFFFFF086  }
0x1c: {  	p1 =	slt.u32 s9, $0xF7A;
	s5 =	simm.s32 @!p2 $0x0  }
0x1d: {  	s5 =	simm.s32 @p1 $0x1;
	p0 =	seq.s32 s7, s2  }
0x1e: {  	s7 =	smul.u32 @!p0 $0xF7A, s2;
	p2 =	seq.s32 @!p0 s5, $0x0  }
0x1f: {  	s9 =	smul.u32 $0xF7A, s1;
	s8 =	simm.s32 @!p0 $0x1BF5;
	p2 =	por !p2, p0  }
0x20: {  	[sflag:s8] =	ssyncset.s32 @!p0 $0xFFFFF086;
	s6 =	sadd.s32 @!p0 s3, s7;
	s7 =	simm.s32 @!p0 $0x108  }
0x21: {  	s3 =	sadd.s32 s3, s9;
	s6 =	sadd.s32 @!p0 $0x88, s6;
	s7 =	simm.s32 @p2 $0x1082  }
0x22: {  	[simem:s7], [sflag:s8] =	dma.local @!p0 [hbm:s6], $0xF7A  }
0x23: {  	s9 =	sor.u32 $0xD0000000, s2;
	s6 =	simm.s32 $0x108;
	_ =	swait.ge @!p0 [sflag:s8], $0x0  }
0x24: {  	s3 =	sadd.s32 $0x88, s3;
	s6 =	simm.s32 @!p1 $0x1082;
	[sflag:s4] =	ssyncset.s32 $0xFFFFF086  }
0x25: {  	[simem:s6], [sflag:s4] =	dma.local [hbm:s3], $0xF7A  }
0x26: {  	[smem:$0x3F99] =	sst s1;
	(tag) =	ssettag s2;
	_ =	strace s9  }
0x27: {  	s1 =	sld [smem:$0x3FA9]  }
0x28: {  	s2 =	sld [smem:$0x3FAA]  }
0x29: {  	s4 =	sld [smem:$0x3FAC]  }
0x2a: {  	p0 =	seq.s32 s5, $0x0;
	s5 =	sld [smem:$0x3FAD]  }
0x2b: {  	s6 =	sld [smem:$0x3FAE]  }
0x2c: {  	s7 =	sld [smem:$0x3FAF]  }
0x2d: {  	s3 =	simm.s32 $0x108;
	s8 =	sld [smem:$0x3FB0]  }
0x2e: {  	s3 =	simm.s32 @!p0 $0x1082;
	s9 =	sld [smem:$0x3FB1]  }
0x2f: {  	lr =	sadd.s32 s0, s3;
	s0 =	sld [smem:$0x3FA8]  }
0x30: {  	s3 =	sld [smem:$0x3FAB]  }
0x31: {  	[smem:$0x3FB4] =	sst s10  }
0x32: {  	s10 =	sld [smem:$0x3FB2];
	_ =	sdelay $0x3  }
0x33: {  	p0 =	seq.s32 s10, $0x1;
	s10 =	sld [smem:$0x3FB4];
	_ =	sdelay $0x3  }
0x34: {  	[smem:$0x3FB4] =	sst s10  }
0x35: {  	s10 =	sld [smem:$0x3FB3];
	_ =	sdelay $0x3  }
0x36: {  	p1 =	seq.s32 s10, $0x1;
	s10 =	sld [smem:$0x3FB4];
	_ =	sdelay $0x3  }
0x37: {  	[smem:$0x3FB4] =	sst s10  }
0x38: {  	s10 =	sld [smem:$0x3FB5]  }
0x39: {  	_ = 	snop;
	(pc) =	sbr.ind lr, $3  }
0x3a: {  	_ = 	snop  }
0x3b: {  	_ = 	snop  }
0x3c: {  	p2 =	seq.s32 s10, $0x1;
	s10 =	sld [smem:$0x3FB4]  }
0x3d: {  	_ =	shalt  }
0x3e: {  	_ =	shalt  }
0x3f: {  	_ =	shalt  }
0x40: {  	_ =	shalt  }
0x41: {  	_ =	shalt  }
0x42: {  	_ =	shalt  }
0x43: {  	_ =	shalt  }
0x44: {  	_ =	shalt  }
0x45: {  	_ =	shalt  }
0x46: {  	_ =	shalt  }
0x47: {  	_ =	shalt  }
0x48: {  	_ =	shalt  }
0x49: {  	_ =	shalt  }
0x4a: {  	_ =	shalt  }
0x4b: {  	_ =	shalt  }
0x4c: {  	_ =	shalt  }
0x4d: {  	_ =	shalt  }
0x4e: {  	_ =	shalt  }
0x4f: {  	_ =	shalt  }
0x50: {  	_ =	shalt  }
0x51: {  	_ =	shalt  }
0x52: {  	_ =	shalt  }
0x53: {  	_ =	shalt  }
0x54: {  	_ =	shalt  }
0x55: {  	_ =	shalt  }
0x56: {  	_ =	shalt  }
0x57: {  	_ =	shalt  }
0x58: {  	_ =	shalt  }
0x59: {  	_ =	shalt  }
0x5a: {  	_ =	shalt  }
0x5b: {  	_ =	shalt  }
0x5c: {  	_ =	shalt  }
0x5d: {  	_ =	shalt  }
0x5e: {  	_ =	shalt  }
0x5f: {  	_ =	shalt  }
0x60: {  	_ =	shalt  }
0x61: {  	_ =	shalt  }
0x62: {  	_ =	shalt  }
0x63: {  	_ =	shalt  }
0x64: {  	_ =	shalt  }
0x65: {  	_ =	shalt  }
0x66: {  	_ =	shalt  }
0x67: {  	_ =	shalt  }
0x68: {  	_ =	shalt  }
0x69: {  	_ =	shalt  }
0x6a: {  	_ =	shalt  }
0x6b: {  	_ =	shalt  }
0x6c: {  	_ =	shalt  }
0x6d: {  	_ =	shalt  }
0x6e: {  	_ =	shalt  }
0x6f: {  	_ =	shalt  }
0x70: {  	_ =	shalt  }
0x71: {  	_ =	shalt  }
0x72: {  	_ =	shalt  }
0x73: {  	_ =	shalt  }
0x74: {  	_ =	shalt  }
0x75: {  	_ =	shalt  }
0x76: {  	_ =	shalt  }
0x77: {  	_ =	shalt  }
0x78: {  	_ =	shalt  }
0x79: {  	_ =	shalt  }
0x7a: {  	_ =	shalt  }
0x7b: {  	_ =	shalt  }
0x7c: {  	_ =	shalt  }
0x7d: {  	_ =	shalt  }
0x7e: {  	_ =	shalt  }
0x7f: {  	_ =	shalt  }
0x80: {  	_ =	shalt  }
0x81: {  	_ =	shalt  }
0x82: {  	_ =	shalt  }
0x83: {  	_ =	shalt  }
0x84: {  	_ =	shalt  }
0x85: {  	_ =	shalt  }
0x86: {  	_ =	shalt  }
0x87: {  	_ =	shalt  }
.Lfunc_end0:
.L_simem_size_0:
called_computation.2_lowered:
.L_overlay_start_0:
0x88: {  	s2 =	sld [smem:$0x3FD9]  }
0x89: {  	s3 =	sld [smem:$0x3FFE];
	_ =	sdelay $0x1  }
0x8a: {  	s1 =	srdreg.scid  }
0x8b: {  	s0 =	sand.u32 $0x1, s1  }
0x8c: {  	s17 =	sshll.u32 s0, $0xA;
	s2 =	sadd.s32 s3, s2  }
0x8d: {  	s2 =	sadd.s32 s2, s17  }
0x8e: {  	[smem:$0x3FC0] =	sst s2  }
0x8f: {  	_ = 	snop  }
0x90: {  	s2 =	sld [smem:$0x3FD0];
	(tm) =	ssettm $0x1  }
0x91: {  	s18 =	sld [smem:$0x3FFB];
	_ =	sdelay $0x3  }
0x92: {  	_ =	strace s18  }
0x93: {  	s3 =	sld [smem:$0x3FFC];
	_ =	sdelay $0x3  }
0x94: {  	_ =	strace s3  }
0x95: {  	s3 =	sld [smem:$0x3FFD];
	_ =	sdelay $0x3  }
0x96: {  	_ =	strace s3  }
0x97: {  	_ =	strace $0x8FFFFFFF  }
0x98: {  	s19 =	sld [smem:$0x3FDB];
	_ =	sdelay $0x1  }
0x99: {  	s4 =	simm.s32 $_scs_section_size  }
0x9a: {  	s5 =	simm.s32 $_size__tile_overlayer_lowered;
	s6 =	simm.s32 $_tile_overlayer_lowered  }
0x9b: {  	s22 =	simm.s32 $0x1BFF;
	s21 =	sshll.u32 s6, $0x1;
	s3 =	sadd.s32 s4, s19  }
0x9c: {  	s7 =	simm.s32 $0x0;
	s20 =	sshll.u32 s5, $0x1;
	s5 =	sadd.s32 s21, s3  }
0x9d: {  	[timem:s7], [sflag:s22] =	dma.local [hbm:s5], s20  }
0x9e: {  	_ =	swait.ge [sflag:s22], s20  }
0x9f: {  	s4 =	ssub.s32 $0x0, s20;
	[sflag:s22] =	ssyncset.done $0x0  }
0xa0: {  	[sflag:s22] =	ssyncadd.s32 s4;
	_ =	sdelay $0x1  }
0xa1: {  	s23 =	simm.s32 $0x1B8B  }
0xa2: {  	_ =	swait.ge [sflag:s23], $0x1  }
0xa3: {  	[sflag:s23] =	ssyncset.done $0x0  }
0xa4: {  	s25 =	simm.s32 $0x1B8E;
	s24 =	sld [smem:$0x3FFE];
	[sflag:s23] =	ssyncadd.s32 $0xFFFFFFFF  }
0xa5: {  	s26 =	simm.s32 $execute0_lowered;
	[smem:$0x3FD2] =	sst s25  }
0xa6: {  	s5 =	sshll.u32 s26, $0x1;
	_ =	strace $0x8000004C;
	[dreg:$0x1] =	wrdreg $0xFFFFFFFF  }
0xa7: {  	s28 =	simm.s32 $_size_execute0_lowered;
	s3 =	sadd.s32 s3, s5;
	[dreg:$0x0] =	wrdreg $0x0  }
0xa8: {  	s5 =	sshll.u32 s28, $0x1;
	[dreg:$0x2] =	wrdreg s3  }
0xa9: {  	[dreg:$0x3] =	wrdreg s5  }
0xaa: {  	[dreg:$0x4] =	wrdreg $0xC0  }
0xab: {  	_ =	task [dreg:s7], $0x5FFFF  }
0xac: {  	[dreg:$0x1] =	wrdreg $0xFFFFFFFF  }
0xad: {  	[dreg:$0x0] =	wrdreg $0x60  }
0xae: {  	[dreg:$0x2] =	wrdreg s24  }
0xaf: {  	[dreg:$0x3] =	wrdreg s2  }
0xb0: {  	[dreg:$0x4] =	wrdreg $0x90000  }
0xb1: {  	[dreg:$0x5] =	wrdreg $0x9  }
0xb2: {  	_ =	task.clear_ibuf [dreg:s7], $0x6FFFF;
	_ =	strace $0x9000004C  }
0xb3: {  	s29 =	simm.s32 $0x9;
	_ =	strace $0x8000004E  }
0xb4: {  	_ =	swait.ge [sflag:s29], $0x1  }
0xb5: {  	[sflag:s29] =	ssyncadd.s32 $0xFFFFFFFF  }
0xb6: {  	_ =	strace $0x9000004E  }
0xb7: {  	_ =	sfence  }
0xb8: {  	s30 =	sld [smem:$0x0];
	_ =	sdelay $0x2  }
0xb9: {  	s31 =	sshll.u32 s1, $0xD;
	s1 =	sshrl.u32 s1, $0x2  }
0xba: {  	s3 =	sand.u32 $0x4000, s31;
	s1 =	sadd.s32 s1, s30  }
0xbb: {  	s0 =	sor.u32 s3, s0;
	s1 =	sshll.u32 s1, $0x11  }
0xbc: {  	s0 =	sor.u32 s1, s0  }
0xbd: {  	s0 =	sadd.s32 $0x8F2B, s0  }
0xbe: {  	[sflag:s0] =	ssyncadd.remote.s32 $0x1  }
0xbf: {  	_ =	sfence.sel $0xFFFF  }
0xc0: {  	[dreg:$0x0] =	wrdreg $0xFFFFFFFF;
	(pc) =	sbr.abs _section_cstart, $3  }
0xc1: {  	[dreg:$0x1] =	wrdreg $0xFFFFFFFF  }
0xc2: {  	_ =	task.clear_ibuf [dreg:s7], $0x2FFFF;
	_ =	strace $0x9FFFFFFF  }
0xc3: {  	(tm) =	ssettm $0x7FFFFFFF  }
tec
execute0_lowered:
.L_overlay_start_1:
0x0: {  	(tag) =	ssettag $0x1  }
0x1: {  	s0 =	rddreg [dreg:$0x0]  }
0x2: {  	s1 =	rddreg [dreg:$0x1]  }
0x3: {  	s2 =	rddreg [dreg:$0x2];
	s3 =	srdreg.scid  }
0x4: {  	s9 =	stileid.u32;
	s5 =	simm.s32 $0x0;
	s14 =	simm.s32 $0x9  }
0x5: {  	s10 =	simm.s32 $0x5000;
	s17 =	simm.s32 $0x80;
	s29 =	simm.s32 $0x8000  }
0x6: {  	s30 =	simm.s32 $0x1;
	s31 =	simm.s32 $0x8800;
	s15 =	simm.s32 $0x4  }
0x7: {  	s18 =	simm.s32 $0x6;
	s3 =	sand.u32 $0x1, s3;
	s8 =	smul.u32 $0xA000, s9  }
0x8: {  	s4 =	sshll.u32 s9, $0x1;
	[smem:$0x7FF] =	sst s5;
	s21 =	smul.u32 $0x2800, s9  }
0x9: {  	s4 =	sor.u32 s3, s4;
	_ =	strace $0x8000004D;
	s6 =	ssub.s32 $0x2, s3  }
0xa: {  	s3 =	smul.u32 $0x28000, s3;
	s7 =	sshrl.u32 s6, $0x1;
	s8 =	sshrl.u32 s8, $0x2  }
0xb: {  	s20 =	ssub.s32 s6, s7;
	s7 =	sadd.s32 s21, s2;
	s23 =	sadd.s32 s8, s2  }
0xc: {  	s19 =	smul.u32 $0x500, s4;
	s8 =	sadd.s32 $0x800, s23;
	[dreg:$0x6] =	wrdreg s7  }
0xd: {  	s4 =	sadd.s32 $0x15800, s0;
	s24 =	sadd.s32 $0x1000, s23;
	[dreg:$0x7] =	wrdreg s8  }
0xe: {  	s3 =	sadd.s32 s21, s3;
	s25 =	sadd.s32 $0x1800, s23;
	[dreg:$0x8] =	wrdreg s24  }
0xf: {  	s0 =	sadd.s32 s19, s0;
	s28 =	smax.u32 s20, $0x1;
	[dreg:$0x9] =	wrdreg s25  }
0x10: {  	s26 =	sshrl.u32 s3, $0x3;
	s22 =	sadd.s32 $0xB800, s0;
	[dreg:$0xc] =	wrdreg s28  }
0x11: {  	s20 =	simm.s32 $0x6000;
	s0 =	sadd.s32 $0x1800, s0;
	[dreg:$0x4] =	wrdreg s22  }
0x12: {  	s19 =	simm.s32 $0x8;
	[dreg:$0x5] =	wrdreg s0;
	s0 =	sadd.s32 $0x2000, s23  }
0x13: {  	s3 =	simm.s32 $0x0;
	[dreg:$0xa] =	wrdreg s0;
	s0 =	sadd.s32 s1, s26  }
0x14: {  	v0 =	vimm.f32 $0.0e+00;
	s24 =	simm.s32 $0x7000;
	[dreg:$0xb] =	wrdreg s0;
	s0 =	simm.s32 $0x2  }
.LBB2_1:
0x15: {  	[dreg:$0xd] =	wrdreg s3  }
0x16: {  	s1 =	simm.s32 $0x0;
	s26 =	rddreg [dreg:$0x4]  }
0x17: {  	[tilespmem:s1], [sflag:$0x9] =	stream.linear.gather [hbm4b:s26+s1], $0x2800, $0x38;
	[tilespmem:$0xB800] =	vst v63  }
0x18: {  	_ =	swait.ge [sflag:s14], $0x2800  }
0x19: {  	[sflag:s14] =	ssyncset.done $0x0  }
0x1a: {  	s5 =	simm.s32 $0x2800;
	s28 =	rddreg [dreg:$0x5];
	[sflag:s14] =	ssyncadd.s32 $0xFFFFD800  }
0x1b: {  	[tilespmem:s5], [sflag:$0x9] =	stream.linear.gather [hbm4b:s28+s1], $0x2800, $0x38;
	[tilespmem:$0xB800] =	vst v63  }
0x1c: {  	_ =	swait.ge [sflag:s14], $0x2800  }
0x1d: {  	[sflag:s14] =	ssyncset.done $0x0  }
0x1e: {  	s3 =	simm.s32 $0x0;
	s1 =	simm.s32 $0x40;
	[sflag:s14] =	ssyncadd.s32 $0xFFFFD800  }
.LBB2_2:
0x1f: {  	p0 =	sne.s32 s1, $0x1FC0;
	[tilespmem:s3+$0x5000] =	vst v0;
	s3 =	smov.u32 s1;
	s1 =	sadd.s32 $0x40, s1  }
.Ltmp0:
0x20: {  	(pc) =	sbr.rel @p0 .LBB2_2-.Ltmp0, $2  }
0x21: {  	_ =	sdelay $0x2  }
0x22: {  	s3 =	sshra.s32 s3, $0x2  }
0x23: {  	[tilespmem:s3+$0x5000] =	vst v0  }
0x24: {  	[spmem:s7] =	stream.linear.scatter [tilespmem:s10], [sflag:$0x9], $0x800, $0x38;
	[tilespmem:$0xB800] =	vst v63  }
0x25: {  	_ =	swait.ge [sflag:s14], $0x800  }
0x26: {  	[sflag:s14] =	ssyncset.done $0x0  }
0x27: {  	s1 =	rddreg [dreg:$0x7];
	[sflag:s14] =	ssyncadd.s32 $0xFFFFF800  }
0x28: {  	[spmem:s1] =	stream.linear.scatter [tilespmem:s10], [sflag:$0x9], $0x800, $0x38;
	[tilespmem:$0xB800] =	vst v63  }
0x29: {  	_ =	swait.ge [sflag:s14], $0x800  }
0x2a: {  	[sflag:s14] =	ssyncset.done $0x0  }
0x2b: {  	s26 =	rddreg [dreg:$0x8];
	[sflag:s14] =	ssyncadd.s32 $0xFFFFF800  }
0x2c: {  	[spmem:s26] =	stream.linear.scatter [tilespmem:s10], [sflag:$0x9], $0x800, $0x38;
	[tilespmem:$0xB800] =	vst v63  }
0x2d: {  	_ =	swait.ge [sflag:s14], $0x800  }
0x2e: {  	[sflag:s14] =	ssyncset.done $0x0  }
0x2f: {  	s28 =	rddreg [dreg:$0x9];
	[sflag:s14] =	ssyncadd.s32 $0xFFFFF800  }
0x30: {  	[spmem:s28] =	stream.linear.scatter [tilespmem:s10], [sflag:$0x9], $0x800, $0x38;
	[tilespmem:$0xB800] =	vst v63  }
0x31: {  	_ =	swait.ge [sflag:s14], $0x800  }
0x32: {  	[sflag:s14] =	ssyncset.done $0x0  }
0x33: {  	s3 =	rddreg [dreg:$0xa];
	[sflag:s14] =	ssyncadd.s32 $0xFFFFF800  }
0x34: {  	[spmem:s3] =	stream.linear.scatter [tilespmem:s10], [sflag:$0x9], $0x800, $0x38;
	[tilespmem:$0xB800] =	vst v63  }
0x35: {  	_ =	swait.ge [sflag:s14], $0x800  }
0x36: {  	[sflag:s14] =	ssyncset.done $0x0  }
0x37: {  	[sflag:s14] =	ssyncadd.s32 $0xFFFFF800  }
0x38: {  	s5 =	simm.s32 $0x0;
	[bflag:$0x0] =	sbarrier.arrive $0xFFFF  }
0x39: {  	[tilespmem:s10], [sflag:$0x1] =	stream.indirect.gather [hbm4b:s4+s17], $0x10, s5, s17, $0xb8;
	[tilespmem:$0xB800] =	vst v63  }
0x3a: {  	s6 =	simm.s32 $0x5800  }
0x3b: {  	[tilespmem:s6], [sflag:$0x2] =	stream.indirect.gather [hbm4b:s4+s17], $0x10, s17, s17, $0xb8;
	[tilespmem:$0xB800] =	vst v63  }
0x3c: {  	s7 =	simm.s32 $0x100  }
0x3d: {  	[tilespmem:s20], [sflag:$0x3] =	stream.indirect.gather [hbm4b:s4+s17], $0x10, s7, s17, $0xb8;
	[tilespmem:$0xB800] =	vst v63  }
0x3e: {  	s8 =	simm.s32 $0x180;
	s9 =	simm.s32 $0x6800  }
0x3f: {  	[tilespmem:s9], [sflag:$0x4] =	stream.indirect.gather [hbm4b:s4+s17], $0x10, s8, s17, $0xb8;
	[tilespmem:$0xB800] =	vst v63  }
0x40: {  	s11 =	simm.s32 $0x200  }
0x41: {  	[tilespmem:s24], [sflag:$0x5] =	stream.indirect.gather [hbm4b:s4+s17], $0x10, s11, s17, $0xb8;
	[tilespmem:$0xB800] =	vst v63  }
0x42: {  	s12 =	simm.s32 $0x280;
	s13 =	simm.s32 $0x7800  }
0x43: {  	[tilespmem:s13], [sflag:$0x6] =	stream.indirect.gather [hbm4b:s4+s17], $0x10, s12, s17, $0xb8;
	[tilespmem:$0xB800] =	vst v63  }
0x44: {  	s16 =	simm.s32 $0x300  }
0x45: {  	[tilespmem:s29], [sflag:$0x7] =	stream.indirect.gather [hbm4b:s4+s17], $0x10, s16, s17, $0xb8;
	[tilespmem:$0xB800] =	vst v63  }
0x46: {  	_ =	swait.ge [sflag:s30], $0x800  }
0x47: {  	[sflag:s30] =	ssyncset.done $0x0  }
0x48: {  	s21 =	simm.s32 $0x380;
	[sflag:s30] =	ssyncadd.s32 $0xFFFFF800  }
0x49: {  	[tilespmem:s31], [sflag:$0x8] =	stream.indirect.gather [hbm4b:s4+s17], $0x10, s21, s17, $0xb8;
	[tilespmem:$0xB800] =	vst v63  }
0x4a: {  	s22 =	simm.s32 $0x2800  }
0x4b: {  	[spmem:s2] =	stream.indirect.scatter.add.f32 [tilespmem:s10], [sflag:$0x9], $0x10, s22, s17, $0xb8;
	[tilespmem:$0xB800] =	vst v63  }
0x4c: {  	_ =	swait.ge [sflag:s14], $0x800  }
0x4d: {  	[sflag:s14] =	ssyncset.done $0x0  }
0x4e: {  	[sflag:s14] =	ssyncadd.s32 $0xFFFFF800  }
0x4f: {  	p0 =	por $0x0, $0x0;
	_ =	swait.ge [sflag:s0], $0x800  }
0x50: {  	s1 =	simm.s32 @p0 $0x2880;
	[sflag:s0] =	ssyncset.done $0x0  }
0x51: {  	s3 =	simm.s32 @p0 $0x80;
	s5 =	simm.s32 @p0 $0x5800;
	[sflag:s0] =	ssyncadd.s32 $0xFFFFF800  }
0x52: {  	[spmem:s2] =	stream.indirect.scatter.add.f32 @p0 [tilespmem:s5], [sflag:$0x9], $0x10, s1, s3, $0xb8;
	[tilespmem:$0xB800] =	vst v63  }
0x53: {  	s5 =	simm.s32 @p0 $0x9  }
0x54: {  	_ =	swait.ge @p0 [sflag:s5], $0x800  }
0x55: {  	[sflag:s5] =	ssyncset.done @p0 $0x0  }
0x56: {  	s6 =	simm.s32 @p0 $0x3;
	[sflag:s5] =	ssyncadd.s32 @p0 $0xFFFFF800  }
0x57: {  	_ =	swait.ge @p0 [sflag:s6], $0x800  }
0x58: {  	s8 =	simm.s32 @!p0 $0x400;
	[sflag:s6] =	ssyncset.done @p0 $0x0  }
0x59: {  	s9 =	simm.s32 @!p0 $0x5000;
	s1 =	simm.s32 @!p0 $0x80;
	[sflag:s6] =	ssyncadd.s32 @p0 $0xFFFFF800  }
0x5a: {  	[tilespmem:s9], [sflag:$0x1] =	stream.indirect.gather @!p0 [hbm4b:s4+s1], $0x10, s8, s1, $0xb8;
	[tilespmem:$0xB800] =	vst v63  }
0x5b: {  	s6 =	simm.s32 @!p0 $0x9;
	s8 =	simm.s32 @!p0 $0x2880;
	s9 =	simm.s32 @!p0 $0x5800  }
0x5c: {  	[spmem:s2] =	stream.indirect.scatter.add.f32 @!p0 [tilespmem:s9], [sflag:$0x9], $0x10, s8, s1, $0xb8;
	[tilespmem:$0xB800] =	vst v63  }
0x5d: {  	_ =	swait.ge @!p0 [sflag:s6], $0x800  }
0x5e: {  	[sflag:s6] =	ssyncset.done @!p0 $0x0  }
0x5f: {  	s8 =	simm.s32 @!p0 $0x3;
	[sflag:s6] =	ssyncadd.s32 @!p0 $0xFFFFF800  }
0x60: {  	_ =	swait.ge @!p0 [sflag:s8], $0x800  }
0x61: {  	[sflag:s8] =	ssyncset.done @!p0 $0x0  }
0x62: {  	[sflag:s8] =	ssyncadd.s32 @!p0 $0xFFFFF800;
	s8 =	simm.s32 @!p0 $0x480  }
0x63: {  	[tilespmem:s9], [sflag:$0x2] =	stream.indirect.gather @!p0 [hbm4b:s4+s1], $0x10, s8, s1, $0xb8;
	[tilespmem:$0xB800] =	vst v63  }
0x64: {  	s23 =	simm.s32 $0x2900  }
0x65: {  	[spmem:s2] =	stream.indirect.scatter.add.f32 [tilespmem:s20], [sflag:$0x9], $0x10, s23, s17, $0xb8;
	[tilespmem:$0xB800] =	vst v63  }
0x66: {  	_ =	swait.ge [sflag:s14], $0x800  }
0x67: {  	[sflag:s14] =	ssyncset.done $0x0  }
0x68: {  	[sflag:s14] =	ssyncadd.s32 $0xFFFFF800  }
0x69: {  	_ =	swait.ge [sflag:s15], $0x800  }
0x6a: {  	[sflag:s15] =	ssyncset.done $0x0  }
0x6b: {  	s8 =	simm.s32 @p0 $0x2980;
	s9 =	simm.s32 @p0 $0x6800;
	[sflag:s15] =	ssyncadd.s32 $0xFFFFF800  }
0x6c: {  	[spmem:s2] =	stream.indirect.scatter.add.f32 @p0 [tilespmem:s9], [sflag:$0x9], $0x10, s8, s3, $0xb8;
	[tilespmem:$0xB800] =	vst v63  }
0x6d: {  	_ =	swait.ge @p0 [sflag:s5], $0x800  }
0x6e: {  	[sflag:s5] =	ssyncset.done @p0 $0x0  }
0x6f: {  	s8 =	simm.s32 @p0 $0x5;
	[sflag:s5] =	ssyncadd.s32 @p0 $0xFFFFF800  }
0x70: {  	_ =	swait.ge @p0 [sflag:s8], $0x800  }
0x71: {  	[sflag:s8] =	ssyncset.done @p0 $0x0  }
0x72: {  	s9 =	simm.s32 @!p0 $0x500;
	[sflag:s8] =	ssyncadd.s32 @p0 $0xFFFFF800;
	s8 =	simm.s32 @!p0 $0x6000  }
0x73: {  	[tilespmem:s8], [sflag:$0x3] =	stream.indirect.gather @!p0 [hbm4b:s4+s1], $0x10, s9, s1, $0xb8;
	[tilespmem:$0xB800] =	vst v63  }
0x74: {  	s8 =	simm.s32 @!p0 $0x2980;
	s9 =	simm.s32 @!p0 $0x6800  }
0x75: {  	[spmem:s2] =	stream.indirect.scatter.add.f32 @!p0 [tilespmem:s9], [sflag:$0x9], $0x10, s8, s1, $0xb8;
	[tilespmem:$0xB800] =	vst v63  }
0x76: {  	_ =	swait.ge @!p0 [sflag:s6], $0x800  }
0x77: {  	[sflag:s6] =	ssyncset.done @!p0 $0x0  }
0x78: {  	s8 =	simm.s32 @!p0 $0x5;
	[sflag:s6] =	ssyncadd.s32 @!p0 $0xFFFFF800  }
0x79: {  	_ =	swait.ge @!p0 [sflag:s8], $0x800  }
0x7a: {  	[sflag:s8] =	ssyncset.done @!p0 $0x0  }
0x7b: {  	[sflag:s8] =	ssyncadd.s32 @!p0 $0xFFFFF800;
	s8 =	simm.s32 @!p0 $0x580  }
0x7c: {  	[tilespmem:s9], [sflag:$0x4] =	stream.indirect.gather @!p0 [hbm4b:s4+s1], $0x10, s8, s1, $0xb8;
	[tilespmem:$0xB800] =	vst v63  }
0x7d: {  	s25 =	simm.s32 $0x2A00  }
0x7e: {  	[spmem:s2] =	stream.indirect.scatter.add.f32 [tilespmem:s24], [sflag:$0x9], $0x10, s25, s17, $0xb8;
	[tilespmem:$0xB800] =	vst v63  }
0x7f: {  	_ =	swait.ge [sflag:s14], $0x800  }
0x80: {  	[sflag:s14] =	ssyncset.done $0x0  }
0x81: {  	[sflag:s14] =	ssyncadd.s32 $0xFFFFF800  }
0x82: {  	_ =	swait.ge [sflag:s18], $0x800  }
0x83: {  	[sflag:s18] =	ssyncset.done $0x0  }
0x84: {  	s8 =	simm.s32 @p0 $0x2A80;
	s9 =	simm.s32 @p0 $0x7800;
	[sflag:s18] =	ssyncadd.s32 $0xFFFFF800  }
0x85: {  	[spmem:s2] =	stream.indirect.scatter.add.f32 @p0 [tilespmem:s9], [sflag:$0x9], $0x10, s8, s3, $0xb8;
	[tilespmem:$0xB800] =	vst v63  }
0x86: {  	_ =	swait.ge @p0 [sflag:s5], $0x800  }
0x87: {  	[sflag:s5] =	ssyncset.done @p0 $0x0  }
0x88: {  	s3 =	simm.s32 @p0 $0x7;
	[sflag:s5] =	ssyncadd.s32 @p0 $0xFFFFF800  }
0x89: {  	_ =	swait.ge @p0 [sflag:s3], $0x800  }
0x8a: {  	[sflag:s3] =	ssyncset.done @p0 $0x0  }
0x8b: {  	s5 =	simm.s32 @!p0 $0x600;
	[sflag:s3] =	ssyncadd.s32 @p0 $0xFFFFF800;
	s3 =	simm.s32 @!p0 $0x7000  }
0x8c: {  	[tilespmem:s3], [sflag:$0x5] =	stream.indirect.gather @!p0 [hbm4b:s4+s1], $0x10, s5, s1, $0xb8;
	[tilespmem:$0xB800] =	vst v63  }
0x8d: {  	s3 =	simm.s32 @!p0 $0x2A80;
	s5 =	simm.s32 @!p0 $0x7800  }
0x8e: {  	[spmem:s2] =	stream.indirect.scatter.add.f32 @!p0 [tilespmem:s5], [sflag:$0x9], $0x10, s3, s1, $0xb8;
	[tilespmem:$0xB800] =	vst v63  }
0x8f: {  	_ =	swait.ge @!p0 [sflag:s6], $0x800  }
0x90: {  	[sflag:s6] =	ssyncset.done @!p0 $0x0  }
0x91: {  	s3 =	simm.s32 @!p0 $0x7;
	[sflag:s6] =	ssyncadd.s32 @!p0 $0xFFFFF800  }
0x92: {  	_ =	swait.ge @!p0 [sflag:s3], $0x800  }
0x93: {  	[sflag:s3] =	ssyncset.done @!p0 $0x0  }
0x94: {  	[sflag:s3] =	ssyncadd.s32 @!p0 $0xFFFFF800;
	s3 =	simm.s32 @!p0 $0x680  }
0x95: {  	[tilespmem:s5], [sflag:$0x6] =	stream.indirect.gather @!p0 [hbm4b:s4+s1], $0x10, s3, s1, $0xb8;
	[tilespmem:$0xB800] =	vst v63  }
0x96: {  	s26 =	simm.s32 $0x2B00  }
0x97: {  	[spmem:s2] =	stream.indirect.scatter.add.f32 [tilespmem:s29], [sflag:$0x9], $0x10, s26, s17, $0xb8;
	[tilespmem:$0xB800] =	vst v63  }
0x98: {  	_ =	swait.ge [sflag:s14], $0x800  }
0x99: {  	[sflag:s14] =	ssyncset.done $0x0  }
0x9a: {  	[sflag:s14] =	ssyncadd.s32 $0xFFFFF800  }
0x9b: {  	_ =	swait.ge [sflag:s19], $0x800  }
0x9c: {  	[sflag:s19] =	ssyncset.done $0x0  }
0x9d: {  	s3 =	simm.s32 @!p0 $0x700;
	s5 =	simm.s32 @!p0 $0x8000;
	[sflag:s19] =	ssyncadd.s32 $0xFFFFF800  }
0x9e: {  	[tilespmem:s5], [sflag:$0x7] =	stream.indirect.gather @!p0 [hbm4b:s4+s1], $0x10, s3, s1, $0xb8;
	[tilespmem:$0xB800] =	vst v63  }
0x9f: {  	s28 =	simm.s32 $0x2B80  }
0xa0: {  	[spmem:s2] =	stream.indirect.scatter.add.f32 [tilespmem:s31], [sflag:$0x9], $0x10, s28, s17, $0xb8;
	[tilespmem:$0xB800] =	vst v63  }
0xa1: {  	s22 =	simm.s32 $0x1000;
	_ =	swait.ge [sflag:s14], $0x800  }
.LBB2_4:
0xa2: {  	[sflag:s14] =	ssyncset.done $0x0;
	s3 =	smov.u32 s22;
	s22 =	sadd.s32 $0x1000, s22  }
0xa3: {  	p0 =	sne.s32 s22, $0xA000;
	[sflag:s14] =	ssyncadd.s32 $0xFFFFF800  }
0xa4: {  	_ =	swait.ge [sflag:s30], $0x800  }
0xa5: {  	s23 =	sshra.s32 s3, $0x2;
	[sflag:s30] =	ssyncset.done $0x0  }
0xa6: {  	s1 =	sadd.s32 $0x380, s23;
	[sflag:s30] =	ssyncadd.s32 $0xFFFFF800  }
0xa7: {  	[tilespmem:s31], [sflag:$0x8] =	stream.indirect.gather [hbm4b:s4+s17], $0x10, s1, s17, $0xb8;
	[tilespmem:$0xB800] =	vst v63  }
0xa8: {  	s1 =	sadd.s32 $0x2800, s23  }
0xa9: {  	[spmem:s2] =	stream.indirect.scatter.add.f32 [tilespmem:s10], [sflag:$0x9], $0x10, s1, s17, $0xb8;
	[tilespmem:$0xB800] =	vst v63  }
0xaa: {  	_ =	swait.ge [sflag:s14], $0x800  }
0xab: {  	[sflag:s14] =	ssyncset.done $0x0  }
0xac: {  	[sflag:s14] =	ssyncadd.s32 $0xFFFFF800  }
0xad: {  	p1 =	seq.s32 s3, $0x9000;
	_ =	swait.ge [sflag:s0], $0x800  }
0xae: {  	s5 =	sshra.s32 @p1 s3, $0x2;
	s28 =	simm.s32 @p1 $0x80;
	[sflag:s0] =	ssyncset.done $0x0  }
0xaf: {  	s6 =	simm.s32 @p1 $0x5800;
	s1 =	sadd.s32 @p1 $0x2880, s5;
	[sflag:s0] =	ssyncadd.s32 $0xFFFFF800  }
0xb0: {  	[spmem:s2] =	stream.indirect.scatter.add.f32 @p1 [tilespmem:s6], [sflag:$0x9], $0x10, s1, s28, $0xb8;
	[tilespmem:$0xB800] =	vst v63  }
0xb1: {  	s26 =	sshra.s32 @!p1 s3, $0x2;
	s13 =	sadd.s32 @p1 $0x2980, s5;
	s1 =	simm.s32 @p1 $0x9  }
0xb2: {  	s3 =	sadd.s32 @!p1 $0x400, s26;
	s7 =	sadd.s32 @!p1 $0x2880, s26;
	_ =	swait.ge @p1 [sflag:s1], $0x800  }
0xb3: {  	s21 =	sadd.s32 @!p1 $0x480, s26;
	s6 =	simm.s32 @p1 $0x3;
	[sflag:s1] =	ssyncset.done @p1 $0x0  }
0xb4: {  	s12 =	sadd.s32 @!p1 $0x500, s26;
	s11 =	sadd.s32 @!p1 $0x2980, s26;
	[sflag:s1] =	ssyncadd.s32 @p1 $0xFFFFF800  }
0xb5: {  	s9 =	sadd.s32 @p1 $0x2A80, s5;
	s10 =	sadd.s32 @!p1 $0x580, s26;
	_ =	swait.ge @p1 [sflag:s6], $0x800  }
0xb6: {  	s25 =	simm.s32 @!p1 $0x80;
	s5 =	simm.s32 @!p1 $0x5000;
	[sflag:s6] =	ssyncset.done @p1 $0x0  }
0xb7: {  	s16 =	simm.s32 @!p1 $0x5800;
	[sflag:s6] =	ssyncadd.s32 @p1 $0xFFFFF800;
	s6 =	sadd.s32 @!p1 $0x600, s26  }
0xb8: {  	[tilespmem:s5], [sflag:$0x1] =	stream.indirect.gather @!p1 [hbm4b:s4+s25], $0x10, s3, s25, $0xb8;
	[tilespmem:$0xB800] =	vst v63  }
0xb9: {  	s8 =	sadd.s32 @!p1 $0x2A80, s26;
	s5 =	simm.s32 @!p1 $0x9;
	s3 =	sadd.s32 @!p1 $0x680, s26  }
0xba: {  	[spmem:s2] =	stream.indirect.scatter.add.f32 @!p1 [tilespmem:s16], [sflag:$0x9], $0x10, s7, s25, $0xb8;
	[tilespmem:$0xB800] =	vst v63  }
0xbb: {  	s26 =	sadd.s32 @!p1 $0x700, s26;
	_ =	swait.ge @!p1 [sflag:s5], $0x800  }
0xbc: {  	s7 =	simm.s32 @!p1 $0x3;
	[sflag:s5] =	ssyncset.done @!p1 $0x0  }
0xbd: {  	[sflag:s5] =	ssyncadd.s32 @!p1 $0xFFFFF800  }
0xbe: {  	_ =	swait.ge @!p1 [sflag:s7], $0x800  }
0xbf: {  	[sflag:s7] =	ssyncset.done @!p1 $0x0  }
0xc0: {  	[sflag:s7] =	ssyncadd.s32 @!p1 $0xFFFFF800;
	s7 =	sadd.s32 $0x2900, s23  }
0xc1: {  	[tilespmem:s16], [sflag:$0x2] =	stream.indirect.gather @!p1 [hbm4b:s4+s25], $0x10, s21, s25, $0xb8;
	[tilespmem:$0xB800] =	vst v63  }
0xc2: {  	_ = 	snop  }
0xc3: {  	[spmem:s2] =	stream.indirect.scatter.add.f32 [tilespmem:s20], [sflag:$0x9], $0x10, s7, s17, $0xb8;
	[tilespmem:$0xB800] =	vst v63  }
0xc4: {  	_ =	swait.ge [sflag:s14], $0x800  }
0xc5: {  	[sflag:s14] =	ssyncset.done $0x0  }
0xc6: {  	[sflag:s14] =	ssyncadd.s32 $0xFFFFF800  }
0xc7: {  	_ =	swait.ge [sflag:s15], $0x800  }
0xc8: {  	s7 =	simm.s32 @p1 $0x6800;
	[sflag:s15] =	ssyncset.done $0x0  }
0xc9: {  	[sflag:s15] =	ssyncadd.s32 $0xFFFFF800  }
0xca: {  	[spmem:s2] =	stream.indirect.scatter.add.f32 @p1 [tilespmem:s7], [sflag:$0x9], $0x10, s13, s28, $0xb8;
	[tilespmem:$0xB800] =	vst v63  }
0xcb: {  	_ =	swait.ge @p1 [sflag:s1], $0x800  }
0xcc: {  	s7 =	simm.s32 @p1 $0x5;
	[sflag:s1] =	ssyncset.done @p1 $0x0  }
0xcd: {  	[sflag:s1] =	ssyncadd.s32 @p1 $0xFFFFF800  }
0xce: {  	_ =	swait.ge @p1 [sflag:s7], $0x800  }
0xcf: {  	s13 =	simm.s32 @!p1 $0x6000;
	[sflag:s7] =	ssyncset.done @p1 $0x0  }
0xd0: {  	[sflag:s7] =	ssyncadd.s32 @p1 $0xFFFFF800;
	s7 =	simm.s32 @!p1 $0x6800  }
0xd1: {  	[tilespmem:s13], [sflag:$0x3] =	stream.indirect.gather @!p1 [hbm4b:s4+s25], $0x10, s12, s25, $0xb8;
	[tilespmem:$0xB800] =	vst v63  }
0xd2: {  	_ = 	snop  }
0xd3: {  	[spmem:s2] =	stream.indirect.scatter.add.f32 @!p1 [tilespmem:s7], [sflag:$0x9], $0x10, s11, s25, $0xb8;
	[tilespmem:$0xB800] =	vst v63  }
0xd4: {  	_ =	swait.ge @!p1 [sflag:s5], $0x800  }
0xd5: {  	s11 =	simm.s32 @!p1 $0x5;
	[sflag:s5] =	ssyncset.done @!p1 $0x0  }
0xd6: {  	[sflag:s5] =	ssyncadd.s32 @!p1 $0xFFFFF800  }
0xd7: {  	_ =	swait.ge @!p1 [sflag:s11], $0x800  }
0xd8: {  	[sflag:s11] =	ssyncset.done @!p1 $0x0  }
0xd9: {  	[sflag:s11] =	ssyncadd.s32 @!p1 $0xFFFFF800;
	s11 =	sadd.s32 $0x2A00, s23  }
0xda: {  	[tilespmem:s7], [sflag:$0x4] =	stream.indirect.gather @!p1 [hbm4b:s4+s25], $0x10, s10, s25, $0xb8;
	[tilespmem:$0xB800] =	vst v63  }
0xdb: {  	s10 =	simm.s32 $0x5000;
	_ =	sdelay $0x1  }
0xdc: {  	[spmem:s2] =	stream.indirect.scatter.add.f32 [tilespmem:s24], [sflag:$0x9], $0x10, s11, s17, $0xb8;
	[tilespmem:$0xB800] =	vst v63  }
0xdd: {  	_ =	swait.ge [sflag:s14], $0x800  }
0xde: {  	[sflag:s14] =	ssyncset.done $0x0  }
0xdf: {  	[sflag:s14] =	ssyncadd.s32 $0xFFFFF800  }
0xe0: {  	_ =	swait.ge [sflag:s18], $0x800  }
0xe1: {  	s7 =	simm.s32 @p1 $0x7800;
	[sflag:s18] =	ssyncset.done $0x0  }
0xe2: {  	[sflag:s18] =	ssyncadd.s32 $0xFFFFF800  }
0xe3: {  	[spmem:s2] =	stream.indirect.scatter.add.f32 @p1 [tilespmem:s7], [sflag:$0x9], $0x10, s9, s28, $0xb8;
	[tilespmem:$0xB800] =	vst v63  }
0xe4: {  	_ =	swait.ge @p1 [sflag:s1], $0x800  }
0xe5: {  	s7 =	simm.s32 @p1 $0x7;
	[sflag:s1] =	ssyncset.done @p1 $0x0  }
0xe6: {  	[sflag:s1] =	ssyncadd.s32 @p1 $0xFFFFF800  }
0xe7: {  	_ =	swait.ge @p1 [sflag:s7], $0x800  }
0xe8: {  	s1 =	simm.s32 @!p1 $0x7000;
	[sflag:s7] =	ssyncset.done @p1 $0x0  }
0xe9: {  	[sflag:s7] =	ssyncadd.s32 @p1 $0xFFFFF800;
	s7 =	simm.s32 @!p1 $0x7800  }
0xea: {  	[tilespmem:s1], [sflag:$0x5] =	stream.indirect.gather @!p1 [hbm4b:s4+s25], $0x10, s6, s25, $0xb8;
	[tilespmem:$0xB800] =	vst v63  }
0xeb: {  	_ = 	snop  }
0xec: {  	[spmem:s2] =	stream.indirect.scatter.add.f32 @!p1 [tilespmem:s7], [sflag:$0x9], $0x10, s8, s25, $0xb8;
	[tilespmem:$0xB800] =	vst v63  }
0xed: {  	_ =	swait.ge @!p1 [sflag:s5], $0x800  }
0xee: {  	s1 =	simm.s32 @!p1 $0x7;
	[sflag:s5] =	ssyncset.done @!p1 $0x0  }
0xef: {  	[sflag:s5] =	ssyncadd.s32 @!p1 $0xFFFFF800  }
0xf0: {  	_ =	swait.ge @!p1 [sflag:s1], $0x800  }
0xf1: {  	[sflag:s1] =	ssyncset.done @!p1 $0x0  }
0xf2: {  	[sflag:s1] =	ssyncadd.s32 @!p1 $0xFFFFF800;
	s1 =	sadd.s32 $0x2B00, s23  }
0xf3: {  	[tilespmem:s7], [sflag:$0x6] =	stream.indirect.gather @!p1 [hbm4b:s4+s25], $0x10, s3, s25, $0xb8;
	[tilespmem:$0xB800] =	vst v63  }
0xf4: {  	_ = 	snop  }
0xf5: {  	[spmem:s2] =	stream.indirect.scatter.add.f32 [tilespmem:s29], [sflag:$0x9], $0x10, s1, s17, $0xb8;
	[tilespmem:$0xB800] =	vst v63  }
0xf6: {  	_ =	swait.ge [sflag:s14], $0x800  }
0xf7: {  	[sflag:s14] =	ssyncset.done $0x0  }
0xf8: {  	[sflag:s14] =	ssyncadd.s32 $0xFFFFF800  }
0xf9: {  	_ =	swait.ge [sflag:s19], $0x800  }
0xfa: {  	s1 =	simm.s32 @!p1 $0x8000;
	[sflag:s19] =	ssyncset.done $0x0  }
.Ltmp1:
0xfb: {  	s3 =	sadd.s32 $0x2B80, s23;
	[sflag:s19] =	ssyncadd.s32 $0xFFFFF800;
	(pc) =	sbr.rel @p0 .LBB2_4-.Ltmp1, $4  }
0xfc: {  	[tilespmem:s1], [sflag:$0x7] =	stream.indirect.gather @!p1 [hbm4b:s4+s25], $0x10, s26, s25, $0xb8;
	[tilespmem:$0xB800] =	vst v63  }
0xfd: {  	_ = 	snop  }
0xfe: {  	[spmem:s2] =	stream.indirect.scatter.add.f32 [tilespmem:s31], [sflag:$0x9], $0x10, s3, s17, $0xb8;
	[tilespmem:$0xB800] =	vst v63  }
0xff: {  	_ =	swait.ge [sflag:s14], $0x800  }
0x100: {  	[sflag:s14] =	ssyncset.done $0x0  }
0x101: {  	[sflag:s14] =	ssyncadd.s32 $0xFFFFF800  }
0x102: {  	s1 =	stileid.u32;
	[bflag:$0x0] =	sbarrier.arrive $0xFFFF  }
0x103: {  	s1 =	sshll.u32 s1, $0x6;
	s7 =	rddreg [dreg:$0x6]  }
0x104: {  	s1 =	sor.u32 $0x1C09, s1;
	s5 =	rddreg [dreg:$0xb];
	s3 =	sshrl.u32 s7, $0x3  }
0x105: {  	[hbm:s5], [sflag:s1] =	dma.local [spmem:s3], $0x500  }
0x106: {  	_ =	swait.ge [sflag:s14], $0x500  }
0x107: {  	s26 =	rddreg [dreg:$0xd]  }
0x108: {  	s28 =	rddreg [dreg:$0xc];
	s3 =	sadd.s32 $0x1, s26  }
0x109: {  	p0 =	sne.s32 s3, s28  }
.Ltmp2:
0x10a: {  	_ = 	snop;
	(pc) =	sbr.rel @p0 .LBB2_1-.Ltmp2, $3  }
0x10b: {  	_ =	sdelay $0x1  }
0x10c: {  	[sflag:s14] =	ssyncset.done $0x0  }
0x10d: {  	[sflag:s14] =	ssyncadd.s32 $0xFFFFFB00  }
0x10e: {  	_ =	sfence.sel $0x180000  }
0x10f: {  	[bflag:$0x0] =	sbarrier.arrive $0xFFFF  }
0x110: {  	_ =	strace $0x9000004D  }
0x111: {  	s0 =	stileid.u32;
	[bflag:$0x2] =	sbarrier.arrive $0xFFFF  }
0x112: {  	p0 =	sne.s32 s0, $0x0;
	s0 =	rddreg [dreg:$0x3]  }
0x113: {  	s0 =	sadd.s32 @!p0 $0x100000, s0  }
0x114: {  	[sflag:s0] =	ssyncadd.tile.s32 @!p0 $0x1;
	_ =	shalt  }
.Lfunc_end2:
_tile_overlayer_lowered:
.L_overlay_start_2:
0x115: {  	(tag) =	ssettag $0x2  }
0x116: {  	s0 =	rddreg [dreg:$0x0];
	s2 =	stileid.u32  }
0x117: {  	s1 =	rddreg [dreg:$0x1];
	p0 =	sne.s32 s2, $0x0  }
0x118: {  	s3 =	rddreg [dreg:$0x2];
	[bflag:$0x3] =	sbarrier.arrive $0xFFFF;
	s2 =	simm.s32 @!p0 $0x1C09  }
0x119: {  	[timem:s3], [sflag:s2] =	dma.local @!p0 [hbm:s0], s1  }
0x11a: {  	s0 =	simm.s32 @!p0 $0x9  }
0x11b: {  	_ =	swait.ge @!p0 [sflag:s0], s1  }
0x11c: {  	s1 =	ssub.s32 @!p0 $0x0, s1;
	[sflag:s0] =	ssyncset.done @!p0 $0x0  }
0x11d: {  	[sflag:s0] =	ssyncadd.s32 @!p0 s1  }
0x11e: {  	[bflag:$0x3] =	sbarrier.arrive $0xFFFF  }
0x11f: {  	_ =	shalt  }

// kernel: kernel.8.cloned.1.call-start
scs
__scs_entry_jumppad:
0x0: {  	(pc) =	sbr.rel $0x88, $3  }
0x1: {  	(tag) =	ssettag $0x0;
	lr =	simm.s32 $0x1  }
0x2: {  	[smem:$0x3F99] =	sst lr;
	_ =	strace $0xD0000000  }
0x3: {  	_ = 	snop  }
0x4: {  	_ = 	snop  }
0x5: {  	_ = 	snop  }
0x6: {  	_ = 	snop  }
0x7: {  	_ = 	snop  }
__scs_overlays_trampoline_lowered:
0x8: {  	[smem:$0x3FA8] =	sst s0  }
0x9: {  	[smem:$0x3FA9] =	sst s1  }
0xa: {  	[smem:$0x3FAA] =	sst s2  }
0xb: {  	[smem:$0x3FAB] =	sst s3  }
0xc: {  	[smem:$0x3FAC] =	sst s4  }
0xd: {  	[smem:$0x3FAD] =	sst s5  }
0xe: {  	[smem:$0x3FAE] =	sst s6  }
0xf: {  	[smem:$0x3FAF] =	sst s7  }
0x10: {  	[smem:$0x3FB0] =	sst s8  }
0x11: {  	[smem:$0x3FB1] =	sst s9;
	s0 =	simm.s32 @!p0 $0x0  }
0x12: {  	s1 =	sld [smem:$0x3F97];
	s0 =	simm.s32 @p0 $0x1  }
0x13: {  	[smem:$0x3FB2] =	sst s0;
	s0 =	simm.s32 @!p1 $0x0  }
0x14: {  	s2 =	sld [smem:$0x3F96];
	s0 =	simm.s32 @p1 $0x1  }
0x15: {  	[smem:$0x3FB3] =	sst s0;
	s0 =	simm.s32 @!p2 $0x0  }
0x16: {  	s3 =	sld [smem:$0x3FDB];
	s0 =	simm.s32 @p2 $0x1  }
0x17: {  	s4 =	simm.s32 $0x1BF5;
	[smem:$0x3FB5] =	sst s0  }
0x18: {  	s0 =	sld [smem:$0x3F98];
	_ =	swait.ge [sflag:s4], $0x0  }
0x19: {  	s7 =	sld [smem:$0x3F99]  }
0x1a: {  	s8 =	sadd.s32 $0xFFFFE003, lr  }
0x1b: {  	s9 =	sadd.s32 $0xFFFFFEF7, lr;
	s5 =	simm.s32 $0xFFFFFFFF;
	p2 =	slt.u32 s8, $0xFFFFF086  }
0x1c: {  	p1 =	slt.u32 s9, $0xF7A;
	s5 =	simm.s32 @!p2 $0x0  }
0x1d: {  	s5 =	simm.s32 @p1 $0x1;
	p0 =	seq.s32 s7, s2  }
0x1e: {  	s7 =	smul.u32 @!p0 $0xF7A, s2;
	p2 =	seq.s32 @!p0 s5, $0x0  }
0x1f: {  	s9 =	smul.u32 $0xF7A, s1;
	s8 =	simm.s32 @!p0 $0x1BF5;
	p2 =	por !p2, p0  }
0x20: {  	[sflag:s8] =	ssyncset.s32 @!p0 $0xFFFFF086;
	s6 =	sadd.s32 @!p0 s3, s7;
	s7 =	simm.s32 @!p0 $0x108  }
0x21: {  	s3 =	sadd.s32 s3, s9;
	s6 =	sadd.s32 @!p0 $0x88, s6;
	s7 =	simm.s32 @p2 $0x1082  }
0x22: {  	[simem:s7], [sflag:s8] =	dma.local @!p0 [hbm:s6], $0xF7A  }
0x23: {  	s9 =	sor.u32 $0xD0000000, s2;
	s6 =	simm.s32 $0x108;
	_ =	swait.ge @!p0 [sflag:s8], $0x0  }
0x24: {  	s3 =	sadd.s32 $0x88, s3;
	s6 =	simm.s32 @!p1 $0x1082;
	[sflag:s4] =	ssyncset.s32 $0xFFFFF086  }
0x25: {  	[simem:s6], [sflag:s4] =	dma.local [hbm:s3], $0xF7A  }
0x26: {  	[smem:$0x3F99] =	sst s1;
	(tag) =	ssettag s2;
	_ =	strace s9  }
0x27: {  	s1 =	sld [smem:$0x3FA9]  }
0x28: {  	s2 =	sld [smem:$0x3FAA]  }
0x29: {  	s4 =	sld [smem:$0x3FAC]  }
0x2a: {  	p0 =	seq.s32 s5, $0x0;
	s5 =	sld [smem:$0x3FAD]  }
0x2b: {  	s6 =	sld [smem:$0x3FAE]  }
0x2c: {  	s7 =	sld [smem:$0x3FAF]  }
0x2d: {  	s3 =	simm.s32 $0x108;
	s8 =	sld [smem:$0x3FB0]  }
0x2e: {  	s3 =	simm.s32 @!p0 $0x1082;
	s9 =	sld [smem:$0x3FB1]  }
0x2f: {  	lr =	sadd.s32 s0, s3;
	s0 =	sld [smem:$0x3FA8]  }
0x30: {  	s3 =	sld [smem:$0x3FAB]  }
0x31: {  	[smem:$0x3FB4] =	sst s10  }
0x32: {  	s10 =	sld [smem:$0x3FB2];
	_ =	sdelay $0x3  }
0x33: {  	p0 =	seq.s32 s10, $0x1;
	s10 =	sld [smem:$0x3FB4];
	_ =	sdelay $0x3  }
0x34: {  	[smem:$0x3FB4] =	sst s10  }
0x35: {  	s10 =	sld [smem:$0x3FB3];
	_ =	sdelay $0x3  }
0x36: {  	p1 =	seq.s32 s10, $0x1;
	s10 =	sld [smem:$0x3FB4];
	_ =	sdelay $0x3  }
0x37: {  	[smem:$0x3FB4] =	sst s10  }
0x38: {  	s10 =	sld [smem:$0x3FB5]  }
0x39: {  	_ = 	snop;
	(pc) =	sbr.ind lr, $3  }
0x3a: {  	_ = 	snop  }
0x3b: {  	_ = 	snop  }
0x3c: {  	p2 =	seq.s32 s10, $0x1;
	s10 =	sld [smem:$0x3FB4]  }
0x3d: {  	_ =	shalt  }
0x3e: {  	_ =	shalt  }
0x3f: {  	_ =	shalt  }
0x40: {  	_ =	shalt  }
0x41: {  	_ =	shalt  }
0x42: {  	_ =	shalt  }
0x43: {  	_ =	shalt  }
0x44: {  	_ =	shalt  }
0x45: {  	_ =	shalt  }
0x46: {  	_ =	shalt  }
0x47: {  	_ =	shalt  }
0x48: {  	_ =	shalt  }
0x49: {  	_ =	shalt  }
0x4a: {  	_ =	shalt  }
0x4b: {  	_ =	shalt  }
0x4c: {  	_ =	shalt  }
0x4d: {  	_ =	shalt  }
0x4e: {  	_ =	shalt  }
0x4f: {  	_ =	shalt  }
0x50: {  	_ =	shalt  }
0x51: {  	_ =	shalt  }
0x52: {  	_ =	shalt  }
0x53: {  	_ =	shalt  }
0x54: {  	_ =	shalt  }
0x55: {  	_ =	shalt  }
0x56: {  	_ =	shalt  }
0x57: {  	_ =	shalt  }
0x58: {  	_ =	shalt  }
0x59: {  	_ =	shalt  }
0x5a: {  	_ =	shalt  }
0x5b: {  	_ =	shalt  }
0x5c: {  	_ =	shalt  }
0x5d: {  	_ =	shalt  }
0x5e: {  	_ =	shalt  }
0x5f: {  	_ =	shalt  }
0x60: {  	_ =	shalt  }
0x61: {  	_ =	shalt  }
0x62: {  	_ =	shalt  }
0x63: {  	_ =	shalt  }
0x64: {  	_ =	shalt  }
0x65: {  	_ =	shalt  }
0x66: {  	_ =	shalt  }
0x67: {  	_ =	shalt  }
0x68: {  	_ =	shalt  }
0x69: {  	_ =	shalt  }
0x6a: {  	_ =	shalt  }
0x6b: {  	_ =	shalt  }
0x6c: {  	_ =	shalt  }
0x6d: {  	_ =	shalt  }
0x6e: {  	_ =	shalt  }
0x6f: {  	_ =	shalt  }
0x70: {  	_ =	shalt  }
0x71: {  	_ =	shalt  }
0x72: {  	_ =	shalt  }
0x73: {  	_ =	shalt  }
0x74: {  	_ =	shalt  }
0x75: {  	_ =	shalt  }
0x76: {  	_ =	shalt  }
0x77: {  	_ =	shalt  }
0x78: {  	_ =	shalt  }
0x79: {  	_ =	shalt  }
0x7a: {  	_ =	shalt  }
0x7b: {  	_ =	shalt  }
0x7c: {  	_ =	shalt  }
0x7d: {  	_ =	shalt  }
0x7e: {  	_ =	shalt  }
0x7f: {  	_ =	shalt  }
0x80: {  	_ =	shalt  }
0x81: {  	_ =	shalt  }
0x82: {  	_ =	shalt  }
0x83: {  	_ =	shalt  }
0x84: {  	_ =	shalt  }
0x85: {  	_ =	shalt  }
0x86: {  	_ =	shalt  }
0x87: {  	_ =	shalt  }
.Lfunc_end0:
.L_simem_size_0:
called_computation_lowered:
.L_overlay_start_0:
0x88: {  	s2 =	sld [smem:$0x3FD9]  }
0x89: {  	s3 =	sld [smem:$0x3FFE];
	_ =	sdelay $0x1  }
0x8a: {  	s1 =	srdreg.scid  }
0x8b: {  	s0 =	sand.u32 $0x1, s1  }
0x8c: {  	s17 =	sshll.u32 s0, $0xA;
	s2 =	sadd.s32 s3, s2  }
0x8d: {  	s2 =	sadd.s32 s2, s17  }
0x8e: {  	[smem:$0x3FC0] =	sst s2  }
0x8f: {  	_ = 	snop  }
0x90: {  	s2 =	sld [smem:$0x3FD0];
	(tm) =	ssettm $0x1  }
0x91: {  	s18 =	sld [smem:$0x3FFB];
	_ =	sdelay $0x3  }
0x92: {  	_ =	strace s18  }
0x93: {  	s3 =	sld [smem:$0x3FFC];
	_ =	sdelay $0x3  }
0x94: {  	_ =	strace s3  }
0x95: {  	s3 =	sld [smem:$0x3FFD];
	_ =	sdelay $0x3  }
0x96: {  	_ =	strace s3  }
0x97: {  	_ =	strace $0x8FFFFFFF  }
0x98: {  	s19 =	sld [smem:$0x3FDB];
	_ =	sdelay $0x1  }
0x99: {  	s4 =	simm.s32 $_scs_section_size  }
0x9a: {  	s5 =	simm.s32 $_size__tile_overlayer_lowered;
	s6 =	simm.s32 $_tile_overlayer_lowered  }
0x9b: {  	s22 =	simm.s32 $0x1BFF;
	s21 =	sshll.u32 s6, $0x1;
	s3 =	sadd.s32 s4, s19  }
0x9c: {  	s7 =	simm.s32 $0x0;
	s20 =	sshll.u32 s5, $0x1;
	s5 =	sadd.s32 s21, s3  }
0x9d: {  	[timem:s7], [sflag:s22] =	dma.local [hbm:s5], s20  }
0x9e: {  	_ =	swait.ge [sflag:s22], s20  }
0x9f: {  	s4 =	ssub.s32 $0x0, s20;
	[sflag:s22] =	ssyncset.done $0x0  }
0xa0: {  	[sflag:s22] =	ssyncadd.s32 s4;
	_ =	sdelay $0x1  }
0xa1: {  	s23 =	simm.s32 $0x1B8B  }
0xa2: {  	_ =	swait.ge [sflag:s23], $0x1  }
0xa3: {  	[sflag:s23] =	ssyncset.done $0x0  }
0xa4: {  	s25 =	simm.s32 $0x1B8E;
	s24 =	sld [smem:$0x3FFE];
	[sflag:s23] =	ssyncadd.s32 $0xFFFFFFFF  }
0xa5: {  	s26 =	simm.s32 $execute0_lowered;
	[smem:$0x3FD2] =	sst s25  }
0xa6: {  	s5 =	sshll.u32 s26, $0x1;
	_ =	strace $0x80000046;
	[dreg:$0x1] =	wrdreg $0xFFFFFFFF  }
0xa7: {  	s28 =	simm.s32 $_size_execute0_lowered;
	s3 =	sadd.s32 s3, s5;
	[dreg:$0x0] =	wrdreg $0x0  }
0xa8: {  	s5 =	sshll.u32 s28, $0x1;
	[dreg:$0x2] =	wrdreg s3  }
0xa9: {  	[dreg:$0x3] =	wrdreg s5  }
0xaa: {  	[dreg:$0x4] =	wrdreg $0xC0  }
0xab: {  	_ =	task [dreg:s7], $0x5FFFF  }
0xac: {  	[dreg:$0x1] =	wrdreg $0xFFFFFFFF  }
0xad: {  	[dreg:$0x0] =	wrdreg $0x60  }
0xae: {  	[dreg:$0x2] =	wrdreg s24  }
0xaf: {  	[dreg:$0x3] =	wrdreg s2  }
0xb0: {  	[dreg:$0x4] =	wrdreg $0x30000  }
0xb1: {  	[dreg:$0x5] =	wrdreg $0x9  }
0xb2: {  	_ =	task.clear_ibuf [dreg:s7], $0x6FFFF;
	_ =	strace $0x90000046  }
0xb3: {  	s29 =	simm.s32 $0x9;
	_ =	strace $0x80000048  }
0xb4: {  	_ =	swait.ge [sflag:s29], $0x1  }
0xb5: {  	[sflag:s29] =	ssyncadd.s32 $0xFFFFFFFF  }
0xb6: {  	_ =	strace $0x90000048  }
0xb7: {  	_ =	sfence  }
0xb8: {  	s30 =	sld [smem:$0x0];
	_ =	sdelay $0x2  }
0xb9: {  	s31 =	sshll.u32 s1, $0xD;
	s1 =	sshrl.u32 s1, $0x2  }
0xba: {  	s3 =	sand.u32 $0x4000, s31;
	s1 =	sadd.s32 s1, s30  }
0xbb: {  	s0 =	sor.u32 s3, s0;
	s1 =	sshll.u32 s1, $0x11  }
0xbc: {  	s0 =	sor.u32 s1, s0  }
0xbd: {  	s0 =	sadd.s32 $0x8F2B, s0  }
0xbe: {  	[sflag:s0] =	ssyncadd.remote.s32 $0x1  }
0xbf: {  	_ =	sfence.sel $0xFFFF  }
0xc0: {  	[dreg:$0x0] =	wrdreg $0xFFFFFFFF;
	(pc) =	sbr.abs _section_cstart, $3  }
0xc1: {  	[dreg:$0x1] =	wrdreg $0xFFFFFFFF  }
0xc2: {  	_ =	task.clear_ibuf [dreg:s7], $0x2FFFF;
	_ =	strace $0x9FFFFFFF  }
0xc3: {  	(tm) =	ssettm $0x7FFFFFFF  }
tec
execute0_lowered:
.L_overlay_start_1:
0x0: {  	(tag) =	ssettag $0x1  }
0x1: {  	s4 =	rddreg [dreg:$0x0]  }
0x2: {  	s10 =	rddreg [dreg:$0x1];
	s1 =	srdreg.scid  }
0x3: {  	s0 =	stileid.u32;
	s2 =	rddreg [dreg:$0x2];
	s3 =	simm.s32 $0x0  }
0x4: {  	s14 =	simm.s32 $0x80;
	s17 =	simm.s32 $0x0;
	s5 =	sand.u32 $0x1, s1  }
0x5: {  	s6 =	sshll.u32 s0, $0x1;
	s1 =	rddreg [dreg:$0x3];
	s8 =	smul.u32 $0xA000, s0  }
0x6: {  	[smem:$0x7FF] =	sst s3;
	s9 =	smul.u32 $0x2800, s0;
	s15 =	sshll.u32 s0, $0x6  }
0x7: {  	s6 =	sor.u32 s5, s6;
	_ =	strace $0x80000047;
	s30 =	smul.u32 $0x28000, s5  }
0x8: {  	s7 =	ssub.s32 $0x2, s5;
	s15 =	sor.u32 $0x1C01, s15;
	s6 =	smul.u32 $0x500, s6  }
0x9: {  	s28 =	sshrl.u32 s7, $0x1;
	s29 =	sshrl.u32 s8, $0x2;
	s5 =	sadd.s32 s9, s2  }
0xa: {  	s11 =	ssub.s32 s7, s28;
	s12 =	sadd.s32 s29, s2;
	s13 =	sadd.s32 s9, s30  }
0xb: {  	s16 =	sshrl.u32 s5, $0x3;
	s4 =	sadd.s32 s6, s4;
	s6 =	sadd.s32 $0x800, s12  }
0xc: {  	s7 =	sadd.s32 $0x1000, s12;
	s8 =	sadd.s32 $0x1800, s12;
	s9 =	sadd.s32 $0x2000, s12  }
0xd: {  	s31 =	sshrl.u32 s13, $0x3;
	s11 =	smax.u32 s11, $0x1;
	s12 =	simm.s32 $0x1  }
0xe: {  	v0 =	vimm.f32 $0.0e+00;
	v1 =	vimm.f32 $1.000000000e+00;
	s13 =	simm.s32 $0x2800;
	s4 =	sadd.s32 $0x1800, s4;
	s10 =	sadd.s32 s10, s31  }
.LBB2_1:
0xf: {  	[tilespmem:s3], [sflag:$0x1] =	stream.linear.gather [hbm4b:s4+s3], $0x2800, $0x38;
	[tilespmem:$0x5800] =	vst v63  }
0x10: {  	_ =	swait.ge [sflag:s12], $0x2800  }
0x11: {  	[sflag:s12] =	ssyncset.done $0x0  }
0x12: {  	s18 =	simm.s32 $0x40;
	s19 =	simm.s32 $0x0;
	[sflag:s12] =	ssyncadd.s32 $0xFFFFD800  }
.LBB2_2:
0x13: {  	p0 =	sne.s32 s18, $0x1FC0;
	[tilespmem:s19+$0x2800] =	vst v0;
	s19 =	smov.u32 s18;
	s18 =	sadd.s32 $0x40, s18  }
.Ltmp0:
0x14: {  	(pc) =	sbr.rel @p0 .LBB2_2-.Ltmp0, $2  }
0x15: {  	_ =	sdelay $0x2  }
0x16: {  	s19 =	sshra.s32 s19, $0x2  }
0x17: {  	[tilespmem:s19+$0x2800] =	vst v0  }
0x18: {  	[spmem:s5] =	stream.linear.scatter [tilespmem:s13], [sflag:$0x1], $0x800, $0x38;
	[tilespmem:$0x5800] =	vst v63  }
0x19: {  	_ =	swait.ge [sflag:s12], $0x800  }
0x1a: {  	[sflag:s12] =	ssyncset.done $0x0  }
0x1b: {  	[sflag:s12] =	ssyncadd.s32 $0xFFFFF800  }
0x1c: {  	[spmem:s6] =	stream.linear.scatter [tilespmem:s13], [sflag:$0x1], $0x800, $0x38;
	[tilespmem:$0x5800] =	vst v63  }
0x1d: {  	_ =	swait.ge [sflag:s12], $0x800  }
0x1e: {  	[sflag:s12] =	ssyncset.done $0x0  }
0x1f: {  	[sflag:s12] =	ssyncadd.s32 $0xFFFFF800  }
0x20: {  	[spmem:s7] =	stream.linear.scatter [tilespmem:s13], [sflag:$0x1], $0x800, $0x38;
	[tilespmem:$0x5800] =	vst v63  }
0x21: {  	_ =	swait.ge [sflag:s12], $0x800  }
0x22: {  	[sflag:s12] =	ssyncset.done $0x0  }
0x23: {  	[sflag:s12] =	ssyncadd.s32 $0xFFFFF800  }
0x24: {  	[spmem:s8] =	stream.linear.scatter [tilespmem:s13], [sflag:$0x1], $0x800, $0x38;
	[tilespmem:$0x5800] =	vst v63  }
0x25: {  	_ =	swait.ge [sflag:s12], $0x800  }
0x26: {  	[sflag:s12] =	ssyncset.done $0x0  }
0x27: {  	[sflag:s12] =	ssyncadd.s32 $0xFFFFF800  }
0x28: {  	[spmem:s9] =	stream.linear.scatter [tilespmem:s13], [sflag:$0x1], $0x800, $0x38;
	[tilespmem:$0x5800] =	vst v63  }
0x29: {  	_ =	swait.ge [sflag:s12], $0x800  }
0x2a: {  	[sflag:s12] =	ssyncset.done $0x0  }
0x2b: {  	s18 =	simm.s32 $0x40;
	s19 =	simm.s32 $0x0;
	[sflag:s12] =	ssyncadd.s32 $0xFFFFF800  }
.LBB2_4:
0x2c: {  	p0 =	sne.s32 s18, $0x1FC0;
	[tilespmem:s19+$0x2800] =	vst v1;
	s19 =	smov.u32 s18;
	s18 =	sadd.s32 $0x40, s18  }
.Ltmp1:
0x2d: {  	(pc) =	sbr.rel @p0 .LBB2_4-.Ltmp1, $2  }
0x2e: {  	_ =	sdelay $0x2  }
0x2f: {  	s19 =	sshra.s32 s19, $0x2  }
0x30: {  	[tilespmem:s19+$0x2800] =	vst v1  }
0x31: {  	s18 =	simm.s32 $0x0;
	[bflag:$0x0] =	sbarrier.arrive $0xFFFF  }
0x32: {  	[spmem:s2] =	stream.indirect.scatter.add.f32 [tilespmem:s13], [sflag:$0x1], $0x10, s18, s14, $0xb8;
	[tilespmem:$0x5800] =	vst v63  }
0x33: {  	_ =	swait.ge [sflag:s12], $0x800  }
0x34: {  	s18 =	simm.s32 $0x200;
	[sflag:s12] =	ssyncset.done $0x0  }
.LBB2_6:
0x35: {  	s19 =	sshra.s32 s18, $0x2;
	[sflag:s12] =	ssyncadd.s32 $0xFFFFF800;
	p0 =	sne.s32 s18, $0x9E00  }
0x36: {  	[spmem:s2] =	stream.indirect.scatter.add.f32 [tilespmem:s13], [sflag:$0x1], $0x10, s19, s14, $0xb8;
	[tilespmem:$0x5800] =	vst v63  }
.Ltmp2:
0x37: {  	_ = 	snop;
	(pc) =	sbr.rel @p0 .LBB2_6-.Ltmp2, $4  }
0x38: {  	_ = 	snop  }
0x39: {  	s18 =	sadd.s32 $0x200, s18  }
0x3a: {  	_ =	swait.ge [sflag:s12], $0x800  }
0x3b: {  	[sflag:s12] =	ssyncset.done $0x0  }
0x3c: {  	s17 =	sadd.s32 $0x1, s17  }
0x3d: {  	[sflag:s12] =	ssyncadd.s32 $0xFFFFF800;
	p0 =	sne.s32 s17, s11  }
.Ltmp3:
0x3e: {  	[bflag:$0x0] =	sbarrier.arrive $0xFFFF;
	(pc) =	sbr.rel @p0 .LBB2_1-.Ltmp3, $4  }
0x3f: {  	[hbm:s10], [sflag:s15] =	dma.local [spmem:s16], $0x500  }
0x40: {  	_ =	swait.ge [sflag:s12], $0x500  }
0x41: {  	[sflag:s12] =	ssyncset.done $0x0  }
0x42: {  	[sflag:s12] =	ssyncadd.s32 $0xFFFFFB00  }
0x43: {  	_ =	sfence.sel $0x180000  }
0x44: {  	[bflag:$0x0] =	sbarrier.arrive $0xFFFF  }
0x45: {  	p0 =	sne.s32 s0, $0x0;
	_ =	strace $0x90000047  }
0x46: {  	s0 =	sadd.s32 @!p0 $0x100000, s1;
	[bflag:$0x2] =	sbarrier.arrive $0xFFFF  }
0x47: {  	[sflag:s0] =	ssyncadd.tile.s32 @!p0 $0x1;
	_ =	shalt  }
.Lfunc_end2:
_tile_overlayer_lowered:
.L_overlay_start_2:
0x48: {  	(tag) =	ssettag $0x2  }
0x49: {  	s0 =	rddreg [dreg:$0x0];
	s2 =	stileid.u32  }
0x4a: {  	s1 =	rddreg [dreg:$0x1];
	p0 =	sne.s32 s2, $0x0  }
0x4b: {  	s3 =	rddreg [dreg:$0x2];
	[bflag:$0x3] =	sbarrier.arrive $0xFFFF;
	s2 =	simm.s32 @!p0 $0x1C01  }
0x4c: {  	[timem:s3], [sflag:s2] =	dma.local @!p0 [hbm:s0], s1  }
0x4d: {  	s0 =	simm.s32 @!p0 $0x1  }
0x4e: {  	_ =	swait.ge @!p0 [sflag:s0], s1  }
0x4f: {  	s1 =	ssub.s32 @!p0 $0x0, s1;
	[sflag:s0] =	ssyncset.done @!p0 $0x0  }
0x50: {  	[sflag:s0] =	ssyncadd.s32 @!p0 s1  }
0x51: {  	[bflag:$0x3] =	sbarrier.arrive $0xFFFF  }
0x52: {  	_ =	shalt  }

</sc_bundles>
